<compile_context>
chip_gen: v7x
topology: tpu7x:2x2x1
jax: 0.10.2.dev20260603
libtpu: 0.0.44.dev20260713+nightly
codegen_flags: <defaults>
</compile_context>

<pallas_src>
import functools

import jax
import jax.numpy as jnp
from jax import lax
from jax.experimental import pallas as pl
from jax.experimental.pallas import tpu as pltpu
from jax.experimental.pallas import tpu_sc as plsc

N_CFG = 25
N_CFG_PAD = 32
N_SUB = 12
D = 128
L = 16


def _splat(val, n=L):
    return jnp.full((n,), val, jnp.int32)


def _make_sc_kernel(batch, hist):
    info = plsc.get_sparse_core_info()
    nc, ns = info.num_cores, info.num_subcores
    nw = nc * ns
    assert batch % nw == 0
    assert hist >= 6 and hist % 4 == 2
    items_per_w = batch // nw
    mesh = plsc.VectorSubcoreMesh(core_axis_name="c", subcore_axis_name="s")

    @functools.partial(
        pl.kernel,
        mesh=mesh,
        out_type=jax.ShapeDtypeStruct((hist * batch, D), jnp.float32),
        scratch_types=[
            pltpu.VMEM((N_CFG, D), jnp.float32),
            pltpu.VMEM((N_SUB, D), jnp.float32),
            pltpu.VMEM((2, D), jnp.float32),
            pltpu.VMEM((hist, items_per_w), jnp.int32),
            pltpu.VMEM((items_per_w, D), jnp.float32),
            pltpu.VMEM((items_per_w, D), jnp.float32),
            pltpu.VMEM((items_per_w, D), jnp.float32),
            pltpu.VMEM((items_per_w, D), jnp.float32),
            pltpu.VMEM_SHARED((N_CFG_PAD, D), jnp.float32),
            pltpu.SemaphoreType.DMA,
            pltpu.SemaphoreType.DMA,
            pltpu.SemaphoreType.DMA,
            pltpu.SemaphoreType.DMA,
            pltpu.SemaphoreType.DMA,
            pltpu.SemaphoreType.DMA,
            pltpu.SemaphoreType.DMA,
            pltpu.SemaphoreType.DMA,
            pltpu.SemaphoreType.DMA,
        ],
    )
    def sc_kernel(idx_hbm, emb_hbm, cfg_hbm, out_hbm,
                  cfg_v, emb_v, row_v, idx_v, buf0, buf1, buf2, buf3, table_sh,
                  gsem0, gsem1, gsem2, gsem3,
                  wsem0, wsem1, wsem2, wsem3, isem):
        sid = lax.axis_index("s")
        cid = lax.axis_index("c")
        wid = sid * nc + cid
        bufs = (buf0, buf1, buf2, buf3)
        gsems = (gsem0, gsem1, gsem2, gsem3)
        wsems = (wsem0, wsem1, wsem2, wsem3)

        b0 = wid * items_per_w
        pltpu.async_copy(
            idx_hbm.at[pl.ds(0, hist), pl.ds(b0, items_per_w)], idx_v, isem)

        pltpu.sync_copy(cfg_hbm, cfg_v)
        pltpu.sync_copy(emb_hbm, emb_v)
        r0 = 2 * sid
        for b in range(2):
            r = jnp.minimum(r0 + b, N_CFG - 1)
            cfg_row = cfg_v[r, pl.ds(0, L)]
            dn = lax.GatherDimensionNumbers(
                offset_dims=(), collapsed_slice_dims=(0,), start_index_map=(0,))
            cs = [lax.gather(cfg_row, _splat(s)[:, None], dn, (1,),
                             mode=lax.GatherScatterMode.PROMISE_IN_BOUNDS)
                  for s in range(N_SUB)]
            for g in range(D // L):
                acc = jnp.zeros((L,), jnp.float32)
                for s in range(N_SUB):
                    acc = acc + cs[s] * emb_v[s, pl.ds(g * L, L)]
                row_v[b, pl.ds(g * L, L)] = acc
        pltpu.sync_copy(row_v, table_sh.at[pl.ds(r0, 2)])
        plsc.subcore_barrier()

        pltpu.make_async_copy(
            idx_hbm.at[pl.ds(0, hist), pl.ds(b0, items_per_w)], idx_v,
            isem).wait()

        def issue_gather(l, s):
            pltpu.async_copy(table_sh.at[idx_v.at[l]], bufs[s], gsems[s])

        def wait_gather(s):
            pltpu.make_async_copy(
                table_sh.at[idx_v.at[0]], bufs[s], gsems[s]).wait()

        def issue_write(l, s):
            pltpu.async_copy(
                bufs[s], out_hbm.at[pl.ds(l * batch + b0, items_per_w)],
                wsems[s])

        def wait_write(s):
            pltpu.make_async_copy(
                bufs[s], out_hbm.at[pl.ds(b0, items_per_w)], wsems[s]).wait()

        issue_gather(0, 0)
        issue_gather(1, 1)
        for l in (0, 1):
            wait_gather(l)
            issue_write(l, l)
            issue_gather(l + 2, l + 2)

        def body(i, carry):
            for k in range(4):
                l = 4 * i + 2 + k
                s = (2 + k) % 4
                wait_gather(s)
                issue_write(l, s)
                wait_write(k)
                issue_gather(l + 2, k)
            return carry

        lax.fori_loop(0, (hist - 6) // 4, body, 0)
        for k in range(2):
            l = hist - 4 + k
            s = l % 4
            wait_gather(s)
            issue_write(l, s)
            wait_write(k)
            issue_gather(l + 2, k)
        for k in range(2):
            s = (hist - 2 + k) % 4
            wait_gather(s)
            issue_write(hist - 2 + k, s)
        for s in range(4):
            wait_write(s)

    return sc_kernel


def kernel(atom_indices, subshell_embeds, atom_configs):
    batch, hist = atom_indices.shape
    idx_t = atom_indices.astype(jnp.int32).T
    cfg = jnp.pad(atom_configs, ((0, 0), (0, D - atom_configs.shape[1])))
    out = _make_sc_kernel(batch, hist)(idx_t, subshell_embeds, cfg)
    return out.reshape(hist, batch, D).transpose(1, 0, 2)

# --- scband reference (transcript-rebuilt; emitter-appended) ---
"""Pipeline reference for scband-subshell-embedding-36429912604707 (READ-ONLY COPY).

The authoritative reference and input builder live on the scoring server;
editing this copy changes nothing except your own understanding.
"""

import jax, jax.numpy as jnp
import numpy as np

N_ATOMS = 24
N_SUBSHELLS = 12  # n_max=4 * l_max=3
EMBED_DIM = 128
BATCH = 4096
HIST = 50

def make_atom_configs():
    # Matches the JSON literal passed to the torch module: occ[Z, j] = clip(Z - 2*j, 0, 2)
    Z = np.arange(1, N_ATOMS + 1)[:, None]
    j = np.arange(N_SUBSHELLS)[None, :]
    cfg = np.clip(Z - 2 * j, 0, 2).astype(np.float32)
    # Module prepends a zeros row (padding / index 0) in __init__
    aug = np.concatenate([np.zeros((1, N_SUBSHELLS), np.float32), cfg], axis=0)
    return jnp.asarray(aug)

def setup_inputs(seed: int = 0) -> dict:
    key = jax.random.key(seed)
    k1, k2 = jax.random.split(key)
    atom_indices = jax.random.randint(k1, (BATCH, HIST), 0, N_ATOMS + 1, dtype=jnp.int64 if jax.config.jax_enable_x64 else jnp.int32)
    subshell_embeds = jax.random.normal(k2, (N_SUBSHELLS, EMBED_DIM), dtype=jnp.float32)
    return {
        "atom_indices": atom_indices,
        "subshell_embeds": subshell_embeds,
        "atom_configs": make_atom_configs(),
    }

def reference(atom_indices, subshell_embeds, atom_configs):
    # atom_repr: [B, L, S] gathered from the (augmented) config buffer
    atom_repr = jnp.take(atom_configs, atom_indices, axis=0)
    # occupancy-weighted sum of subshell embeddings -> [B, L, D]
    atom_vectors = (atom_repr[..., None] * subshell_embeds[None, None, :, :]).sum(axis=-2)
    return atom_vectors

if __name__ == "__main__":
    import jax
    _d = setup_inputs()
    print(jax.jit(kernel)(*tuple(_d.values())))

</pallas_src>

<mosaic_0001>
#map = affine_map<(d0, d1) -> (0, 0)>
module attributes {stable_mosaic.version = 14 : i64} {
  func.func @sc_kernel(%arg0: i32, %arg1: i32, %arg2: memref<50x4096xi32, #tpu.memory_space<hbm>>, %arg3: memref<12x128xf32, #tpu.memory_space<hbm>>, %arg4: memref<25x128xf32, #tpu.memory_space<hbm>>, %arg5: memref<204800x128xf32, #tpu.memory_space<hbm>>, %arg6: memref<25x128xf32, #tpu.memory_space<vmem>>, %arg7: memref<12x128xf32, #tpu.memory_space<vmem>>, %arg8: memref<2x128xf32, #tpu.memory_space<vmem>>, %arg9: memref<50x128xi32, #tpu.memory_space<vmem>>, %arg10: memref<128x128xf32, #tpu.memory_space<vmem>>, %arg11: memref<128x128xf32, #tpu.memory_space<vmem>>, %arg12: memref<128x128xf32, #tpu.memory_space<vmem>>, %arg13: memref<128x128xf32, #tpu.memory_space<vmem>>, %arg14: memref<32x128xf32, #tpu.memory_space<vmem_shared>>, %arg15: memref<!tpu.dma_semaphore, #tpu.memory_space<semaphore_mem>>, %arg16: memref<!tpu.dma_semaphore, #tpu.memory_space<semaphore_mem>>, %arg17: memref<!tpu.dma_semaphore, #tpu.memory_space<semaphore_mem>>, %arg18: memref<!tpu.dma_semaphore, #tpu.memory_space<semaphore_mem>>, %arg19: memref<!tpu.dma_semaphore, #tpu.memory_space<semaphore_mem>>, %arg20: memref<!tpu.dma_semaphore, #tpu.memory_space<semaphore_mem>>, %arg21: memref<!tpu.dma_semaphore, #tpu.memory_space<semaphore_mem>>, %arg22: memref<!tpu.dma_semaphore, #tpu.memory_space<semaphore_mem>>, %arg23: memref<!tpu.dma_semaphore, #tpu.memory_space<semaphore_mem>>) attributes {dimension_semantics = [#tpu.dimension_semantics<core_parallel>, #tpu.dimension_semantics<subcore_parallel>], iteration_bounds = array<i64: 2, 16>, scalar_prefetch = 0 : i64, scratch_operands = 18 : i64, tpu.core_type = #tpu.core_type<sc_vector_subcore>, window_params = [{transform_indices = #map}, {transform_indices = #map}, {transform_indices = #map}, {transform_indices = #map}]} {
    %mul3A = arith.constant 2 : i32
    %mul3A_0 = arith.muli %arg1, %mul3A : i32
    %add3A = arith.addi %mul3A_0, %arg0 : i32
    %mul3A_1 = arith.constant 128 : i32
    %mul3A_2 = arith.muli %add3A, %mul3A_1 : i32
    %dma_start3A = arith.constant 0 : i32
    %dma_start3A_3 = tpu.memref_slice %arg2[%dma_start3A, %mul3A_2] : memref<50x4096xi32, #tpu.memory_space<hbm>> -> memref<50x128xi32, #tpu.memory_space<hbm>>
    %dma_start3A_4 = arith.constant 0 : i32
    %dma_start3A_5 = tpu.memref_slice %arg2[%dma_start3A_4, %mul3A_2] : memref<50x4096xi32, #tpu.memory_space<hbm>> -> memref<50x128xi32, #tpu.memory_space<hbm>>
    tpu.enqueue_dma source(%dma_start3A_5 : memref<50x128xi32, #tpu.memory_space<hbm>>) target(%arg9 : memref<50x128xi32, #tpu.memory_space<vmem>>) target_semaphore(%arg23 : memref<!tpu.dma_semaphore, #tpu.memory_space<semaphore_mem>>)
    "tpu.region"() ({
      %run_scoped3A = tpu.sem_alloc : memref<!tpu.dma_semaphore, #tpu.memory_space<semaphore_mem>>
      tpu.enqueue_dma source(%arg4 : memref<25x128xf32, #tpu.memory_space<hbm>>) target(%arg6 : memref<25x128xf32, #tpu.memory_space<vmem>>) target_semaphore(%run_scoped3A : memref<!tpu.dma_semaphore, #tpu.memory_space<semaphore_mem>>)
      tpu.wait_dma2 semaphore(%run_scoped3A : memref<!tpu.dma_semaphore, #tpu.memory_space<semaphore_mem>>) src(%arg4 : memref<25x128xf32, #tpu.memory_space<hbm>>) dst(%arg6 : memref<25x128xf32, #tpu.memory_space<vmem>>)
      tpu.yield
    }) : () -> ()
    "tpu.region"() ({
      %run_scoped3A = tpu.sem_alloc : memref<!tpu.dma_semaphore, #tpu.memory_space<semaphore_mem>>
      tpu.enqueue_dma source(%arg3 : memref<12x128xf32, #tpu.memory_space<hbm>>) target(%arg7 : memref<12x128xf32, #tpu.memory_space<vmem>>) target_semaphore(%run_scoped3A : memref<!tpu.dma_semaphore, #tpu.memory_space<semaphore_mem>>)
      tpu.wait_dma2 semaphore(%run_scoped3A : memref<!tpu.dma_semaphore, #tpu.memory_space<semaphore_mem>>) src(%arg3 : memref<12x128xf32, #tpu.memory_space<hbm>>) dst(%arg7 : memref<12x128xf32, #tpu.memory_space<vmem>>)
      tpu.yield
    }) : () -> ()
    %mul3A_6 = arith.constant 2 : i32
    %mul3A_7 = arith.muli %mul3A_6, %arg1 : i32
    %add3A_8 = arith.constant 0 : i32
    %add3A_9 = arith.addi %mul3A_7, %add3A_8 : i32
    %min3A = arith.constant 24 : i32
    %min3A_10 = arith.minsi %add3A_9, %min3A : i32
    %get3A = arith.index_cast %min3A_10 : i32 to index
    %get3A_11 = arith.constant 0 : index
    %get3A_12 = tpu.vector_load %arg6[%get3A, %get3A_11] {strides = array<i32>} : memref<25x128xf32, #tpu.memory_space<vmem>>, vector<1x16xf32>,
    %get3A_13 = vector.shape_cast %get3A_12 : vector<1x16xf32> to vector<16xf32>
    %broadcast_in_dim3A = arith.constant 0 : i32
    %broadcast_in_dim3A_14 = vector.broadcast %broadcast_in_dim3A : i32 to vector<16xi32>
    %broadcast_in_dim3A_15 = vector.shape_cast %broadcast_in_dim3A_14 : vector<16xi32> to vector<16x1xi32>
    %gather3A = vector.shape_cast %broadcast_in_dim3A_15 : vector<16x1xi32> to vector<16xi32>
    %gather3A_16 = tpu.dynamic_gather %get3A_13[%gather3A] in [0] : vector<16xf32>, vector<16xi32> -> vector<16xf32>
    %broadcast_in_dim3A_17 = arith.constant 1 : i32
    %broadcast_in_dim3A_18 = vector.broadcast %broadcast_in_dim3A_17 : i32 to vector<16xi32>
    %broadcast_in_dim3A_19 = vector.shape_cast %broadcast_in_dim3A_18 : vector<16xi32> to vector<16x1xi32>
    %gather3A_20 = vector.shape_cast %broadcast_in_dim3A_19 : vector<16x1xi32> to vector<16xi32>
    %gather3A_21 = tpu.dynamic_gather %get3A_13[%gather3A_20] in [0] : vector<16xf32>, vector<16xi32> -> vector<16xf32>
    %broadcast_in_dim3A_22 = arith.constant 2 : i32
    %broadcast_in_dim3A_23 = vector.broadcast %broadcast_in_dim3A_22 : i32 to vector<16xi32>
    %broadcast_in_dim3A_24 = vector.shape_cast %broadcast_in_dim3A_23 : vector<16xi32> to vector<16x1xi32>
    %gather3A_25 = vector.shape_cast %broadcast_in_dim3A_24 : vector<16x1xi32> to vector<16xi32>
    %gather3A_26 = tpu.dynamic_gather %get3A_13[%gather3A_25] in [0] : vector<16xf32>, vector<16xi32> -> vector<16xf32>
    %broadcast_in_dim3A_27 = arith.constant 3 : i32
    %broadcast_in_dim3A_28 = vector.broadcast %broadcast_in_dim3A_27 : i32 to vector<16xi32>
    %broadcast_in_dim3A_29 = vector.shape_cast %broadcast_in_dim3A_28 : vector<16xi32> to vector<16x1xi32>
    %gather3A_30 = vector.shape_cast %broadcast_in_dim3A_29 : vector<16x1xi32> to vector<16xi32>
    %gather3A_31 = tpu.dynamic_gather %get3A_13[%gather3A_30] in [0] : vector<16xf32>, vector<16xi32> -> vector<16xf32>
    %broadcast_in_dim3A_32 = arith.constant 4 : i32
    %broadcast_in_dim3A_33 = vector.broadcast %broadcast_in_dim3A_32 : i32 to vector<16xi32>
    %broadcast_in_dim3A_34 = vector.shape_cast %broadcast_in_dim3A_33 : vector<16xi32> to vector<16x1xi32>
    %gather3A_35 = vector.shape_cast %broadcast_in_dim3A_34 : vector<16x1xi32> to vector<16xi32>
    %gather3A_36 = tpu.dynamic_gather %get3A_13[%gather3A_35] in [0] : vector<16xf32>, vector<16xi32> -> vector<16xf32>
    %broadcast_in_dim3A_37 = arith.constant 5 : i32
    %broadcast_in_dim3A_38 = vector.broadcast %broadcast_in_dim3A_37 : i32 to vector<16xi32>
    %broadcast_in_dim3A_39 = vector.shape_cast %broadcast_in_dim3A_38 : vector<16xi32> to vector<16x1xi32>
    %gather3A_40 = vector.shape_cast %broadcast_in_dim3A_39 : vector<16x1xi32> to vector<16xi32>
    %gather3A_41 = tpu.dynamic_gather %get3A_13[%gather3A_40] in [0] : vector<16xf32>, vector<16xi32> -> vector<16xf32>
    %broadcast_in_dim3A_42 = arith.constant 6 : i32
    %broadcast_in_dim3A_43 = vector.broadcast %broadcast_in_dim3A_42 : i32 to vector<16xi32>
    %broadcast_in_dim3A_44 = vector.shape_cast %broadcast_in_dim3A_43 : vector<16xi32> to vector<16x1xi32>
    %gather3A_45 = vector.shape_cast %broadcast_in_dim3A_44 : vector<16x1xi32> to vector<16xi32>
    %gather3A_46 = tpu.dynamic_gather %get3A_13[%gather3A_45] in [0] : vector<16xf32>, vector<16xi32> -> vector<16xf32>
    %broadcast_in_dim3A_47 = arith.constant 7 : i32
    %broadcast_in_dim3A_48 = vector.broadcast %broadcast_in_dim3A_47 : i32 to vector<16xi32>
    %broadcast_in_dim3A_49 = vector.shape_cast %broadcast_in_dim3A_48 : vector<16xi32> to vector<16x1xi32>
    %gather3A_50 = vector.shape_cast %broadcast_in_dim3A_49 : vector<16x1xi32> to vector<16xi32>
    %gather3A_51 = tpu.dynamic_gather %get3A_13[%gather3A_50] in [0] : vector<16xf32>, vector<16xi32> -> vector<16xf32>
    %broadcast_in_dim3A_52 = arith.constant 8 : i32
    %broadcast_in_dim3A_53 = vector.broadcast %broadcast_in_dim3A_52 : i32 to vector<16xi32>
    %broadcast_in_dim3A_54 = vector.shape_cast %broadcast_in_dim3A_53 : vector<16xi32> to vector<16x1xi32>
    %gather3A_55 = vector.shape_cast %broadcast_in_dim3A_54 : vector<16x1xi32> to vector<16xi32>
    %gather3A_56 = tpu.dynamic_gather %get3A_13[%gather3A_55] in [0] : vector<16xf32>, vector<16xi32> -> vector<16xf32>
    %broadcast_in_dim3A_57 = arith.constant 9 : i32
    %broadcast_in_dim3A_58 = vector.broadcast %broadcast_in_dim3A_57 : i32 to vector<16xi32>
    %broadcast_in_dim3A_59 = vector.shape_cast %broadcast_in_dim3A_58 : vector<16xi32> to vector<16x1xi32>
    %gather3A_60 = vector.shape_cast %broadcast_in_dim3A_59 : vector<16x1xi32> to vector<16xi32>
    %gather3A_61 = tpu.dynamic_gather %get3A_13[%gather3A_60] in [0] : vector<16xf32>, vector<16xi32> -> vector<16xf32>
    %broadcast_in_dim3A_62 = arith.constant 10 : i32
    %broadcast_in_dim3A_63 = vector.broadcast %broadcast_in_dim3A_62 : i32 to vector<16xi32>
    %broadcast_in_dim3A_64 = vector.shape_cast %broadcast_in_dim3A_63 : vector<16xi32> to vector<16x1xi32>
    %gather3A_65 = vector.shape_cast %broadcast_in_dim3A_64 : vector<16x1xi32> to vector<16xi32>
    %gather3A_66 = tpu.dynamic_gather %get3A_13[%gather3A_65] in [0] : vector<16xf32>, vector<16xi32> -> vector<16xf32>
    %broadcast_in_dim3A_67 = arith.constant 11 : i32
    %broadcast_in_dim3A_68 = vector.broadcast %broadcast_in_dim3A_67 : i32 to vector<16xi32>
    %broadcast_in_dim3A_69 = vector.shape_cast %broadcast_in_dim3A_68 : vector<16xi32> to vector<16x1xi32>
    %gather3A_70 = vector.shape_cast %broadcast_in_dim3A_69 : vector<16x1xi32> to vector<16xi32>
    %gather3A_71 = tpu.dynamic_gather %get3A_13[%gather3A_70] in [0] : vector<16xf32>, vector<16xi32> -> vector<16xf32>
    %broadcast_in_dim3A_72 = arith.constant 0.000000e+00 : f32
    %broadcast_in_dim3A_73 = vector.broadcast %broadcast_in_dim3A_72 : f32 to vector<16xf32>
    %get3A_74 = arith.constant 0 : i32
    %get3A_75 = arith.index_cast %get3A_74 : i32 to index
    %get3A_76 = arith.constant 0 : index
    %get3A_77 = tpu.vector_load %arg7[%get3A_75, %get3A_76] {strides = array<i32>} : memref<12x128xf32, #tpu.memory_space<vmem>>, vector<1x16xf32>,
    %get3A_78 = vector.shape_cast %get3A_77 : vector<1x16xf32> to vector<16xf32>
    %mul3A_79 = arith.mulf %gather3A_16, %get3A_78 : vector<16xf32>
    %add3A_80 = arith.addf %broadcast_in_dim3A_73, %mul3A_79 : vector<16xf32>
    %get3A_81 = arith.constant 1 : i32
    %get3A_82 = arith.index_cast %get3A_81 : i32 to index
    %get3A_83 = arith.constant 0 : index
    %get3A_84 = tpu.vector_load %arg7[%get3A_82, %get3A_83] {strides = array<i32>} : memref<12x128xf32, #tpu.memory_space<vmem>>, vector<1x16xf32>,
    %get3A_85 = vector.shape_cast %get3A_84 : vector<1x16xf32> to vector<16xf32>
    %mul3A_86 = arith.mulf %gather3A_21, %get3A_85 : vector<16xf32>
    %add3A_87 = arith.addf %add3A_80, %mul3A_86 : vector<16xf32>
    %get3A_88 = arith.constant 2 : i32
    %get3A_89 = arith.index_cast %get3A_88 : i32 to index
    %get3A_90 = arith.constant 0 : index
    %get3A_91 = tpu.vector_load %arg7[%get3A_89, %get3A_90] {strides = array<i32>} : memref<12x128xf32, #tpu.memory_space<vmem>>, vector<1x16xf32>,
    %get3A_92 = vector.shape_cast %get3A_91 : vector<1x16xf32> to vector<16xf32>
    %mul3A_93 = arith.mulf %gather3A_26, %get3A_92 : vector<16xf32>
    %add3A_94 = arith.addf %add3A_87, %mul3A_93 : vector<16xf32>
    %get3A_95 = arith.constant 3 : i32
    %get3A_96 = arith.index_cast %get3A_95 : i32 to index
    %get3A_97 = arith.constant 0 : index
    %get3A_98 = tpu.vector_load %arg7[%get3A_96, %get3A_97] {strides = array<i32>} : memref<12x128xf32, #tpu.memory_space<vmem>>, vector<1x16xf32>,
    %get3A_99 = vector.shape_cast %get3A_98 : vector<1x16xf32> to vector<16xf32>
    %mul3A_100 = arith.mulf %gather3A_31, %get3A_99 : vector<16xf32>
    %add3A_101 = arith.addf %add3A_94, %mul3A_100 : vector<16xf32>
    %get3A_102 = arith.constant 4 : i32
    %get3A_103 = arith.index_cast %get3A_102 : i32 to index
    %get3A_104 = arith.constant 0 : index
    %get3A_105 = tpu.vector_load %arg7[%get3A_103, %get3A_104] {strides = array<i32>} : memref<12x128xf32, #tpu.memory_space<vmem>>, vector<1x16xf32>,
    %get3A_106 = vector.shape_cast %get3A_105 : vector<1x16xf32> to vector<16xf32>
    %mul3A_107 = arith.mulf %gather3A_36, %get3A_106 : vector<16xf32>
    %add3A_108 = arith.addf %add3A_101, %mul3A_107 : vector<16xf32>
    %get3A_109 = arith.constant 5 : i32
    %get3A_110 = arith.index_cast %get3A_109 : i32 to index
    %get3A_111 = arith.constant 0 : index
    %get3A_112 = tpu.vector_load %arg7[%get3A_110, %get3A_111] {strides = array<i32>} : memref<12x128xf32, #tpu.memory_space<vmem>>, vector<1x16xf32>,
    %get3A_113 = vector.shape_cast %get3A_112 : vector<1x16xf32> to vector<16xf32>
    %mul3A_114 = arith.mulf %gather3A_41, %get3A_113 : vector<16xf32>
    %add3A_115 = arith.addf %add3A_108, %mul3A_114 : vector<16xf32>
    %get3A_116 = arith.constant 6 : i32
    %get3A_117 = arith.index_cast %get3A_116 : i32 to index
    %get3A_118 = arith.constant 0 : index
    %get3A_119 = tpu.vector_load %arg7[%get3A_117, %get3A_118] {strides = array<i32>} : memref<12x128xf32, #tpu.memory_space<vmem>>, vector<1x16xf32>,
    %get3A_120 = vector.shape_cast %get3A_119 : vector<1x16xf32> to vector<16xf32>
    %mul3A_121 = arith.mulf %gather3A_46, %get3A_120 : vector<16xf32>
    %add3A_122 = arith.addf %add3A_115, %mul3A_121 : vector<16xf32>
    %get3A_123 = arith.constant 7 : i32
    %get3A_124 = arith.index_cast %get3A_123 : i32 to index
    %get3A_125 = arith.constant 0 : index
    %get3A_126 = tpu.vector_load %arg7[%get3A_124, %get3A_125] {strides = array<i32>} : memref<12x128xf32, #tpu.memory_space<vmem>>, vector<1x16xf32>,
    %get3A_127 = vector.shape_cast %get3A_126 : vector<1x16xf32> to vector<16xf32>
    %mul3A_128 = arith.mulf %gather3A_51, %get3A_127 : vector<16xf32>
    %add3A_129 = arith.addf %add3A_122, %mul3A_128 : vector<16xf32>
    %get3A_130 = arith.constant 8 : i32
    %get3A_131 = arith.index_cast %get3A_130 : i32 to index
    %get3A_132 = arith.constant 0 : index
    %get3A_133 = tpu.vector_load %arg7[%get3A_131, %get3A_132] {strides = array<i32>} : memref<12x128xf32, #tpu.memory_space<vmem>>, vector<1x16xf32>,
    %get3A_134 = vector.shape_cast %get3A_133 : vector<1x16xf32> to vector<16xf32>
    %mul3A_135 = arith.mulf %gather3A_56, %get3A_134 : vector<16xf32>
    %add3A_136 = arith.addf %add3A_129, %mul3A_135 : vector<16xf32>
    %get3A_137 = arith.constant 9 : i32
    %get3A_138 = arith.index_cast %get3A_137 : i32 to index
    %get3A_139 = arith.constant 0 : index
    %get3A_140 = tpu.vector_load %arg7[%get3A_138, %get3A_139] {strides = array<i32>} : memref<12x128xf32, #tpu.memory_space<vmem>>, vector<1x16xf32>,
    %get3A_141 = vector.shape_cast %get3A_140 : vector<1x16xf32> to vector<16xf32>
    %mul3A_142 = arith.mulf %gather3A_61, %get3A_141 : vector<16xf32>
    %add3A_143 = arith.addf %add3A_136, %mul3A_142 : vector<16xf32>
    %get3A_144 = arith.constant 10 : i32
    %get3A_145 = arith.index_cast %get3A_144 : i32 to index
    %get3A_146 = arith.constant 0 : index
    %get3A_147 = tpu.vector_load %arg7[%get3A_145, %get3A_146] {strides = array<i32>} : memref<12x128xf32, #tpu.memory_space<vmem>>, vector<1x16xf32>,
    %get3A_148 = vector.shape_cast %get3A_147 : vector<1x16xf32> to vector<16xf32>
    %mul3A_149 = arith.mulf %gather3A_66, %get3A_148 : vector<16xf32>
    %add3A_150 = arith.addf %add3A_143, %mul3A_149 : vector<16xf32>
    %get3A_151 = arith.constant 11 : i32
    %get3A_152 = arith.index_cast %get3A_151 : i32 to index
    %get3A_153 = arith.constant 0 : index
    %get3A_154 = tpu.vector_load %arg7[%get3A_152, %get3A_153] {strides = array<i32>} : memref<12x128xf32, #tpu.memory_space<vmem>>, vector<1x16xf32>,
    %get3A_155 = vector.shape_cast %get3A_154 : vector<1x16xf32> to vector<16xf32>
    %mul3A_156 = arith.mulf %gather3A_71, %get3A_155 : vector<16xf32>
    %add3A_157 = arith.addf %add3A_150, %mul3A_156 : vector<16xf32>
    %swap3A = arith.constant 0 : i32
    %swap3A_158 = arith.index_cast %swap3A : i32 to index
    %swap3A_159 = arith.constant 0 : index
    %swap3A_160 = tpu.vector_load %arg8[%swap3A_158, %swap3A_159] {strides = array<i32>} : memref<2x128xf32, #tpu.memory_space<vmem>>, vector<1x16xf32>,
    %swap3A_161 = vector.shape_cast %swap3A_160 : vector<1x16xf32> to vector<16xf32>
    %swap3A_162 = vector.shape_cast %add3A_157 : vector<16xf32> to vector<1x16xf32>
    tpu.vector_store %arg8[%swap3A_158, %swap3A_159], %swap3A_162 {strides = array<i32>} : memref<2x128xf32, #tpu.memory_space<vmem>>, vector<1x16xf32>,
    %broadcast_in_dim3A_163 = arith.constant 0.000000e+00 : f32
    %broadcast_in_dim3A_164 = vector.broadcast %broadcast_in_dim3A_163 : f32 to vector<16xf32>
    %get3A_165 = arith.constant 0 : i32
    %get3A_166 = arith.index_cast %get3A_165 : i32 to index
    %get3A_167 = arith.constant 16 : index
    %get3A_168 = tpu.vector_load %arg7[%get3A_166, %get3A_167] {strides = array<i32>} : memref<12x128xf32, #tpu.memory_space<vmem>>, vector<1x16xf32>,
    %get3A_169 = vector.shape_cast %get3A_168 : vector<1x16xf32> to vector<16xf32>
    %mul3A_170 = arith.mulf %gather3A_16, %get3A_169 : vector<16xf32>
    %add3A_171 = arith.addf %broadcast_in_dim3A_164, %mul3A_170 : vector<16xf32>
    %get3A_172 = arith.constant 1 : i32
    %get3A_173 = arith.index_cast %get3A_172 : i32 to index
    %get3A_174 = arith.constant 16 : index
    %get3A_175 = tpu.vector_load %arg7[%get3A_173, %get3A_174] {strides = array<i32>} : memref<12x128xf32, #tpu.memory_space<vmem>>, vector<1x16xf32>,
    %get3A_176 = vector.shape_cast %get3A_175 : vector<1x16xf32> to vector<16xf32>
    %mul3A_177 = arith.mulf %gather3A_21, %get3A_176 : vector<16xf32>
    %add3A_178 = arith.addf %add3A_171, %mul3A_177 : vector<16xf32>
    %get3A_179 = arith.constant 2 : i32
    %get3A_180 = arith.index_cast %get3A_179 : i32 to index
    %get3A_181 = arith.constant 16 : index
    %get3A_182 = tpu.vector_load %arg7[%get3A_180, %get3A_181] {strides = array<i32>} : memref<12x128xf32, #tpu.memory_space<vmem>>, vector<1x16xf32>,
    %get3A_183 = vector.shape_cast %get3A_182 : vector<1x16xf32> to vector<16xf32>
    %mul3A_184 = arith.mulf %gather3A_26, %get3A_183 : vector<16xf32>
    %add3A_185 = arith.addf %add3A_178, %mul3A_184 : vector<16xf32>
    %get3A_186 = arith.constant 3 : i32
    %get3A_187 = arith.index_cast %get3A_186 : i32 to index
    %get3A_188 = arith.constant 16 : index
    %get3A_189 = tpu.vector_load %arg7[%get3A_187, %get3A_188] {strides = array<i32>} : memref<12x128xf32, #tpu.memory_space<vmem>>, vector<1x16xf32>,
    %get3A_190 = vector.shape_cast %get3A_189 : vector<1x16xf32> to vector<16xf32>
    %mul3A_191 = arith.mulf %gather3A_31, %get3A_190 : vector<16xf32>
    %add3A_192 = arith.addf %add3A_185, %mul3A_191 : vector<16xf32>
    %get3A_193 = arith.constant 4 : i32
    %get3A_194 = arith.index_cast %get3A_193 : i32 to index
    %get3A_195 = arith.constant 16 : index
    %get3A_196 = tpu.vector_load %arg7[%get3A_194, %get3A_195] {strides = array<i32>} : memref<12x128xf32, #tpu.memory_space<vmem>>, vector<1x16xf32>,
    %get3A_197 = vector.shape_cast %get3A_196 : vector<1x16xf32> to vector<16xf32>
    %mul3A_198 = arith.mulf %gather3A_36, %get3A_197 : vector<16xf32>
    %add3A_199 = arith.addf %add3A_192, %mul3A_198 : vector<16xf32>
    %get3A_200 = arith.constant 5 : i32
    %get3A_201 = arith.index_cast %get3A_200 : i32 to index
    %get3A_202 = arith.constant 16 : index
    %get3A_203 = tpu.vector_load %arg7[%get3A_201, %get3A_202] {strides = array<i32>} : memref<12x128xf32, #tpu.memory_space<vmem>>, vector<1x16xf32>,
    %get3A_204 = vector.shape_cast %get3A_203 : vector<1x16xf32> to vector<16xf32>
    %mul3A_205 = arith.mulf %gather3A_41, %get3A_204 : vector<16xf32>
    %add3A_206 = arith.addf %add3A_199, %mul3A_205 : vector<16xf32>
    %get3A_207 = arith.constant 6 : i32
    %get3A_208 = arith.index_cast %get3A_207 : i32 to index
    %get3A_209 = arith.constant 16 : index
    %get3A_210 = tpu.vector_load %arg7[%get3A_208, %get3A_209] {strides = array<i32>} : memref<12x128xf32, #tpu.memory_space<vmem>>, vector<1x16xf32>,
    %get3A_211 = vector.shape_cast %get3A_210 : vector<1x16xf32> to vector<16xf32>
    %mul3A_212 = arith.mulf %gather3A_46, %get3A_211 : vector<16xf32>
    %add3A_213 = arith.addf %add3A_206, %mul3A_212 : vector<16xf32>
    %get3A_214 = arith.constant 7 : i32
    %get3A_215 = arith.index_cast %get3A_214 : i32 to index
    %get3A_216 = arith.constant 16 : index
    %get3A_217 = tpu.vector_load %arg7[%get3A_215, %get3A_216] {strides = array<i32>} : memref<12x128xf32, #tpu.memory_space<vmem>>, vector<1x16xf32>,
    %get3A_218 = vector.shape_cast %get3A_217 : vector<1x16xf32> to vector<16xf32>
    %mul3A_219 = arith.mulf %gather3A_51, %get3A_218 : vector<16xf32>
    %add3A_220 = arith.addf %add3A_213, %mul3A_219 : vector<16xf32>
    %get3A_221 = arith.constant 8 : i32
    %get3A_222 = arith.index_cast %get3A_221 : i32 to index
    %get3A_223 = arith.constant 16 : index
    %get3A_224 = tpu.vector_load %arg7[%get3A_222, %get3A_223] {strides = array<i32>} : memref<12x128xf32, #tpu.memory_space<vmem>>, vector<1x16xf32>,
    %get3A_225 = vector.shape_cast %get3A_224 : vector<1x16xf32> to vector<16xf32>
    %mul3A_226 = arith.mulf %gather3A_56, %get3A_225 : vector<16xf32>
    %add3A_227 = arith.addf %add3A_220, %mul3A_226 : vector<16xf32>
    %get3A_228 = arith.constant 9 : i32
    %get3A_229 = arith.index_cast %get3A_228 : i32 to index
    %get3A_230 = arith.constant 16 : index
    %get3A_231 = tpu.vector_load %arg7[%get3A_229, %get3A_230] {strides = array<i32>} : memref<12x128xf32, #tpu.memory_space<vmem>>, vector<1x16xf32>,
    %get3A_232 = vector.shape_cast %get3A_231 : vector<1x16xf32> to vector<16xf32>
    %mul3A_233 = arith.mulf %gather3A_61, %get3A_232 : vector<16xf32>
    %add3A_234 = arith.addf %add3A_227, %mul3A_233 : vector<16xf32>
    %get3A_235 = arith.constant 10 : i32
    %get3A_236 = arith.index_cast %get3A_235 : i32 to index
    %get3A_237 = arith.constant 16 : index
    %get3A_238 = tpu.vector_load %arg7[%get3A_236, %get3A_237] {strides = array<i32>} : memref<12x128xf32, #tpu.memory_space<vmem>>, vector<1x16xf32>,
    %get3A_239 = vector.shape_cast %get3A_238 : vector<1x16xf32> to vector<16xf32>
    %mul3A_240 = arith.mulf %gather3A_66, %get3A_239 : vector<16xf32>
    %add3A_241 = arith.addf %add3A_234, %mul3A_240 : vector<16xf32>
    %get3A_242 = arith.constant 11 : i32
    %get3A_243 = arith.index_cast %get3A_242 : i32 to index
    %get3A_244 = arith.constant 16 : index
    %get3A_245 = tpu.vector_load %arg7[%get3A_243, %get3A_244] {strides = array<i32>} : memref<12x128xf32, #tpu.memory_space<vmem>>, vector<1x16xf32>,
    %get3A_246 = vector.shape_cast %get3A_245 : vector<1x16xf32> to vector<16xf32>
    %mul3A_247 = arith.mulf %gather3A_71, %get3A_246 : vector<16xf32>
    %add3A_248 = arith.addf %add3A_241, %mul3A_247 : vector<16xf32>
    %swap3A_249 = arith.constant 0 : i32
    %swap3A_250 = arith.index_cast %swap3A_249 : i32 to index
    %swap3A_251 = arith.constant 16 : index
    %swap3A_252 = tpu.vector_load %arg8[%swap3A_250, %swap3A_251] {strides = array<i32>} : memref<2x128xf32, #tpu.memory_space<vmem>>, vector<1x16xf32>,
    %swap3A_253 = vector.shape_cast %swap3A_252 : vector<1x16xf32> to vector<16xf32>
    %swap3A_254 = vector.shape_cast %add3A_248 : vector<16xf32> to vector<1x16xf32>
    tpu.vector_store %arg8[%swap3A_250, %swap3A_251], %swap3A_254 {strides = array<i32>} : memref<2x128xf32, #tpu.memory_space<vmem>>, vector<1x16xf32>,
    %broadcast_in_dim3A_255 = arith.constant 0.000000e+00 : f32
    %broadcast_in_dim3A_256 = vector.broadcast %broadcast_in_dim3A_255 : f32 to vector<16xf32>
    %get3A_257 = arith.constant 0 : i32
    %get3A_258 = arith.index_cast %get3A_257 : i32 to index
    %get3A_259 = arith.constant 32 : index
    %get3A_260 = tpu.vector_load %arg7[%get3A_258, %get3A_259] {strides = array<i32>} : memref<12x128xf32, #tpu.memory_space<vmem>>, vector<1x16xf32>,
    %get3A_261 = vector.shape_cast %get3A_260 : vector<1x16xf32> to vector<16xf32>
    %mul3A_262 = arith.mulf %gather3A_16, %get3A_261 : vector<16xf32>
    %add3A_263 = arith.addf %broadcast_in_dim3A_256, %mul3A_262 : vector<16xf32>
    %get3A_264 = arith.constant 1 : i32
    %get3A_265 = arith.index_cast %get3A_264 : i32 to index
    %get3A_266 = arith.constant 32 : index
    %get3A_267 = tpu.vector_load %arg7[%get3A_265, %get3A_266] {strides = array<i32>} : memref<12x128xf32, #tpu.memory_space<vmem>>, vector<1x16xf32>,
    %get3A_268 = vector.shape_cast %get3A_267 : vector<1x16xf32> to vector<16xf32>
    %mul3A_269 = arith.mulf %gather3A_21, %get3A_268 : vector<16xf32>
    %add3A_270 = arith.addf %add3A_263, %mul3A_269 : vector<16xf32>
    %get3A_271 = arith.constant 2 : i32
    %get3A_272 = arith.index_cast %get3A_271 : i32 to index
    %get3A_273 = arith.constant 32 : index
    %get3A_274 = tpu.vector_load %arg7[%get3A_272, %get3A_273] {strides = array<i32>} : memref<12x128xf32, #tpu.memory_space<vmem>>, vector<1x16xf32>,
    %get3A_275 = vector.shape_cast %get3A_274 : vector<1x16xf32> to vector<16xf32>
    %mul3A_276 = arith.mulf %gather3A_26, %get3A_275 : vector<16xf32>
    %add3A_277 = arith.addf %add3A_270, %mul3A_276 : vector<16xf32>
    %get3A_278 = arith.constant 3 : i32
    %get3A_279 = arith.index_cast %get3A_278 : i32 to index
    %get3A_280 = arith.constant 32 : index
    %get3A_281 = tpu.vector_load %arg7[%get3A_279, %get3A_280] {strides = array<i32>} : memref<12x128xf32, #tpu.memory_space<vmem>>, vector<1x16xf32>,
    %get3A_282 = vector.shape_cast %get3A_281 : vector<1x16xf32> to vector<16xf32>
    %mul3A_283 = arith.mulf %gather3A_31, %get3A_282 : vector<16xf32>
    %add3A_284 = arith.addf %add3A_277, %mul3A_283 : vector<16xf32>
    %get3A_285 = arith.constant 4 : i32
    %get3A_286 = arith.index_cast %get3A_285 : i32 to index
    %get3A_287 = arith.constant 32 : index
    %get3A_288 = tpu.vector_load %arg7[%get3A_286, %get3A_287] {strides = array<i32>} : memref<12x128xf32, #tpu.memory_space<vmem>>, vector<1x16xf32>,
    %get3A_289 = vector.shape_cast %get3A_288 : vector<1x16xf32> to vector<16xf32>
    %mul3A_290 = arith.mulf %gather3A_36, %get3A_289 : vector<16xf32>
    %add3A_291 = arith.addf %add3A_284, %mul3A_290 : vector<16xf32>
    %get3A_292 = arith.constant 5 : i32
    %get3A_293 = arith.index_cast %get3A_292 : i32 to index
    %get3A_294 = arith.constant 32 : index
    %get3A_295 = tpu.vector_load %arg7[%get3A_293, %get3A_294] {strides = array<i32>} : memref<12x128xf32, #tpu.memory_space<vmem>>, vector<1x16xf32>,
    %get3A_296 = vector.shape_cast %get3A_295 : vector<1x16xf32> to vector<16xf32>
    %mul3A_297 = arith.mulf %gather3A_41, %get3A_296 : vector<16xf32>
    %add3A_298 = arith.addf %add3A_291, %mul3A_297 : vector<16xf32>
    %get3A_299 = arith.constant 6 : i32
    %get3A_300 = arith.index_cast %get3A_299 : i32 to index
    %get3A_301 = arith.constant 32 : index
    %get3A_302 = tpu.vector_load %arg7[%get3A_300, %get3A_301] {strides = array<i32>} : memref<12x128xf32, #tpu.memory_space<vmem>>, vector<1x16xf32>,
    %get3A_303 = vector.shape_cast %get3A_302 : vector<1x16xf32> to vector<16xf32>
    %mul3A_304 = arith.mulf %gather3A_46, %get3A_303 : vector<16xf32>
    %add3A_305 = arith.addf %add3A_298, %mul3A_304 : vector<16xf32>
    %get3A_306 = arith.constant 7 : i32
    %get3A_307 = arith.index_cast %get3A_306 : i32 to index
    %get3A_308 = arith.constant 32 : index
    %get3A_309 = tpu.vector_load %arg7[%get3A_307, %get3A_308] {strides = array<i32>} : memref<12x128xf32, #tpu.memory_space<vmem>>, vector<1x16xf32>,
    %get3A_310 = vector.shape_cast %get3A_309 : vector<1x16xf32> to vector<16xf32>
    %mul3A_311 = arith.mulf %gather3A_51, %get3A_310 : vector<16xf32>
    %add3A_312 = arith.addf %add3A_305, %mul3A_311 : vector<16xf32>
    %get3A_313 = arith.constant 8 : i32
    %get3A_314 = arith.index_cast %get3A_313 : i32 to index
    %get3A_315 = arith.constant 32 : index
    %get3A_316 = tpu.vector_load %arg7[%get3A_314, %get3A_315] {strides = array<i32>} : memref<12x128xf32, #tpu.memory_space<vmem>>, vector<1x16xf32>,
    %get3A_317 = vector.shape_cast %get3A_316 : vector<1x16xf32> to vector<16xf32>
    %mul3A_318 = arith.mulf %gather3A_56, %get3A_317 : vector<16xf32>
    %add3A_319 = arith.addf %add3A_312, %mul3A_318 : vector<16xf32>
    %get3A_320 = arith.constant 9 : i32
    %get3A_321 = arith.index_cast %get3A_320 : i32 to index
    %get3A_322 = arith.constant 32 : index
    %get3A_323 = tpu.vector_load %arg7[%get3A_321, %get3A_322] {strides = array<i32>} : memref<12x128xf32, #tpu.memory_space<vmem>>, vector<1x16xf32>,
    %get3A_324 = vector.shape_cast %get3A_323 : vector<1x16xf32> to vector<16xf32>
    %mul3A_325 = arith.mulf %gather3A_61, %get3A_324 : vector<16xf32>
    %add3A_326 = arith.addf %add3A_319, %mul3A_325 : vector<16xf32>
    %get3A_327 = arith.constant 10 : i32
    %get3A_328 = arith.index_cast %get3A_327 : i32 to index
    %get3A_329 = arith.constant 32 : index
    %get3A_330 = tpu.vector_load %arg7[%get3A_328, %get3A_329] {strides = array<i32>} : memref<12x128xf32, #tpu.memory_space<vmem>>, vector<1x16xf32>,
    %get3A_331 = vector.shape_cast %get3A_330 : vector<1x16xf32> to vector<16xf32>
    %mul3A_332 = arith.mulf %gather3A_66, %get3A_331 : vector<16xf32>
    %add3A_333 = arith.addf %add3A_326, %mul3A_332 : vector<16xf32>
    %get3A_334 = arith.constant 11 : i32
    %get3A_335 = arith.index_cast %get3A_334 : i32 to index
    %get3A_336 = arith.constant 32 : index
    %get3A_337 = tpu.vector_load %arg7[%get3A_335, %get3A_336] {strides = array<i32>} : memref<12x128xf32, #tpu.memory_space<vmem>>, vector<1x16xf32>,
    %get3A_338 = vector.shape_cast %get3A_337 : vector<1x16xf32> to vector<16xf32>
    %mul3A_339 = arith.mulf %gather3A_71, %get3A_338 : vector<16xf32>
    %add3A_340 = arith.addf %add3A_333, %mul3A_339 : vector<16xf32>
    %swap3A_341 = arith.constant 0 : i32
    %swap3A_342 = arith.index_cast %swap3A_341 : i32 to index
    %swap3A_343 = arith.constant 32 : index
    %swap3A_344 = tpu.vector_load %arg8[%swap3A_342, %swap3A_343] {strides = array<i32>} : memref<2x128xf32, #tpu.memory_space<vmem>>, vector<1x16xf32>,
    %swap3A_345 = vector.shape_cast %swap3A_344 : vector<1x16xf32> to vector<16xf32>
    %swap3A_346 = vector.shape_cast %add3A_340 : vector<16xf32> to vector<1x16xf32>
    tpu.vector_store %arg8[%swap3A_342, %swap3A_343], %swap3A_346 {strides = array<i32>} : memref<2x128xf32, #tpu.memory_space<vmem>>, vector<1x16xf32>,
    %broadcast_in_dim3A_347 = arith.constant 0.000000e+00 : f32
    %broadcast_in_dim3A_348 = vector.broadcast %broadcast_in_dim3A_347 : f32 to vector<16xf32>
    %get3A_349 = arith.constant 0 : i32
    %get3A_350 = arith.index_cast %get3A_349 : i32 to index
    %get3A_351 = arith.constant 48 : index
    %get3A_352 = tpu.vector_load %arg7[%get3A_350, %get3A_351] {strides = array<i32>} : memref<12x128xf32, #tpu.memory_space<vmem>>, vector<1x16xf32>,
    %get3A_353 = vector.shape_cast %get3A_352 : vector<1x16xf32> to vector<16xf32>
    %mul3A_354 = arith.mulf %gather3A_16, %get3A_353 : vector<16xf32>
    %add3A_355 = arith.addf %broadcast_in_dim3A_348, %mul3A_354 : vector<16xf32>
    %get3A_356 = arith.constant 1 : i32
    %get3A_357 = arith.index_cast %get3A_356 : i32 to index
    %get3A_358 = arith.constant 48 : index
    %get3A_359 = tpu.vector_load %arg7[%get3A_357, %get3A_358] {strides = array<i32>} : memref<12x128xf32, #tpu.memory_space<vmem>>, vector<1x16xf32>,
    %get3A_360 = vector.shape_cast %get3A_359 : vector<1x16xf32> to vector<16xf32>
    %mul3A_361 = arith.mulf %gather3A_21, %get3A_360 : vector<16xf32>
    %add3A_362 = arith.addf %add3A_355, %mul3A_361 : vector<16xf32>
    %get3A_363 = arith.constant 2 : i32
    %get3A_364 = arith.index_cast %get3A_363 : i32 to index
    %get3A_365 = arith.constant 48 : index
    %get3A_366 = tpu.vector_load %arg7[%get3A_364, %get3A_365] {strides = array<i32>} : memref<12x128xf32, #tpu.memory_space<vmem>>, vector<1x16xf32>,
    %get3A_367 = vector.shape_cast %get3A_366 : vector<1x16xf32> to vector<16xf32>
    %mul3A_368 = arith.mulf %gather3A_26, %get3A_367 : vector<16xf32>
    %add3A_369 = arith.addf %add3A_362, %mul3A_368 : vector<16xf32>
    %get3A_370 = arith.constant 3 : i32
    %get3A_371 = arith.index_cast %get3A_370 : i32 to index
    %get3A_372 = arith.constant 48 : index
    %get3A_373 = tpu.vector_load %arg7[%get3A_371, %get3A_372] {strides = array<i32>} : memref<12x128xf32, #tpu.memory_space<vmem>>, vector<1x16xf32>,
    %get3A_374 = vector.shape_cast %get3A_373 : vector<1x16xf32> to vector<16xf32>
    %mul3A_375 = arith.mulf %gather3A_31, %get3A_374 : vector<16xf32>
    %add3A_376 = arith.addf %add3A_369, %mul3A_375 : vector<16xf32>
    %get3A_377 = arith.constant 4 : i32
    %get3A_378 = arith.index_cast %get3A_377 : i32 to index
    %get3A_379 = arith.constant 48 : index
    %get3A_380 = tpu.vector_load %arg7[%get3A_378, %get3A_379] {strides = array<i32>} : memref<12x128xf32, #tpu.memory_space<vmem>>, vector<1x16xf32>,
    %get3A_381 = vector.shape_cast %get3A_380 : vector<1x16xf32> to vector<16xf32>
    %mul3A_382 = arith.mulf %gather3A_36, %get3A_381 : vector<16xf32>
    %add3A_383 = arith.addf %add3A_376, %mul3A_382 : vector<16xf32>
    %get3A_384 = arith.constant 5 : i32
    %get3A_385 = arith.index_cast %get3A_384 : i32 to index
    %get3A_386 = arith.constant 48 : index
    %get3A_387 = tpu.vector_load %arg7[%get3A_385, %get3A_386] {strides = array<i32>} : memref<12x128xf32, #tpu.memory_space<vmem>>, vector<1x16xf32>,
    %get3A_388 = vector.shape_cast %get3A_387 : vector<1x16xf32> to vector<16xf32>
    %mul3A_389 = arith.mulf %gather3A_41, %get3A_388 : vector<16xf32>
    %add3A_390 = arith.addf %add3A_383, %mul3A_389 : vector<16xf32>
    %get3A_391 = arith.constant 6 : i32
    %get3A_392 = arith.index_cast %get3A_391 : i32 to index
    %get3A_393 = arith.constant 48 : index
    %get3A_394 = tpu.vector_load %arg7[%get3A_392, %get3A_393] {strides = array<i32>} : memref<12x128xf32, #tpu.memory_space<vmem>>, vector<1x16xf32>,
    %get3A_395 = vector.shape_cast %get3A_394 : vector<1x16xf32> to vector<16xf32>
    %mul3A_396 = arith.mulf %gather3A_46, %get3A_395 : vector<16xf32>
    %add3A_397 = arith.addf %add3A_390, %mul3A_396 : vector<16xf32>
    %get3A_398 = arith.constant 7 : i32
    %get3A_399 = arith.index_cast %get3A_398 : i32 to index
    %get3A_400 = arith.constant 48 : index
    %get3A_401 = tpu.vector_load %arg7[%get3A_399, %get3A_400] {strides = array<i32>} : memref<12x128xf32, #tpu.memory_space<vmem>>, vector<1x16xf32>,
    %get3A_402 = vector.shape_cast %get3A_401 : vector<1x16xf32> to vector<16xf32>
    %mul3A_403 = arith.mulf %gather3A_51, %get3A_402 : vector<16xf32>
    %add3A_404 = arith.addf %add3A_397, %mul3A_403 : vector<16xf32>
    %get3A_405 = arith.constant 8 : i32
    %get3A_406 = arith.index_cast %get3A_405 : i32 to index
    %get3A_407 = arith.constant 48 : index
    %get3A_408 = tpu.vector_load %arg7[%get3A_406, %get3A_407] {strides = array<i32>} : memref<12x128xf32, #tpu.memory_space<vmem>>, vector<1x16xf32>,
    %get3A_409 = vector.shape_cast %get3A_408 : vector<1x16xf32> to vector<16xf32>
    %mul3A_410 = arith.mulf %gather3A_56, %get3A_409 : vector<16xf32>
    %add3A_411 = arith.addf %add3A_404, %mul3A_410 : vector<16xf32>
    %get3A_412 = arith.constant 9 : i32
    %get3A_413 = arith.index_cast %get3A_412 : i32 to index
    %get3A_414 = arith.constant 48 : index
    %get3A_415 = tpu.vector_load %arg7[%get3A_413, %get3A_414] {strides = array<i32>} : memref<12x128xf32, #tpu.memory_space<vmem>>, vector<1x16xf32>,
    %get3A_416 = vector.shape_cast %get3A_415 : vector<1x16xf32> to vector<16xf32>
    %mul3A_417 = arith.mulf %gather3A_61, %get3A_416 : vector<16xf32>
    %add3A_418 = arith.addf %add3A_411, %mul3A_417 : vector<16xf32>
    %get3A_419 = arith.constant 10 : i32
    %get3A_420 = arith.index_cast %get3A_419 : i32 to index
    %get3A_421 = arith.constant 48 : index
    %get3A_422 = tpu.vector_load %arg7[%get3A_420, %get3A_421] {strides = array<i32>} : memref<12x128xf32, #tpu.memory_space<vmem>>, vector<1x16xf32>,
    %get3A_423 = vector.shape_cast %get3A_422 : vector<1x16xf32> to vector<16xf32>
    %mul3A_424 = arith.mulf %gather3A_66, %get3A_423 : vector<16xf32>
    %add3A_425 = arith.addf %add3A_418, %mul3A_424 : vector<16xf32>
    %get3A_426 = arith.constant 11 : i32
    %get3A_427 = arith.index_cast %get3A_426 : i32 to index
    %get3A_428 = arith.constant 48 : index
    %get3A_429 = tpu.vector_load %arg7[%get3A_427, %get3A_428] {strides = array<i32>} : memref<12x128xf32, #tpu.memory_space<vmem>>, vector<1x16xf32>,
    %get3A_430 = vector.shape_cast %get3A_429 : vector<1x16xf32> to vector<16xf32>
    %mul3A_431 = arith.mulf %gather3A_71, %get3A_430 : vector<16xf32>
    %add3A_432 = arith.addf %add3A_425, %mul3A_431 : vector<16xf32>
    %swap3A_433 = arith.constant 0 : i32
    %swap3A_434 = arith.index_cast %swap3A_433 : i32 to index
    %swap3A_435 = arith.constant 48 : index
    %swap3A_436 = tpu.vector_load %arg8[%swap3A_434, %swap3A_435] {strides = array<i32>} : memref<2x128xf32, #tpu.memory_space<vmem>>, vector<1x16xf32>,
    %swap3A_437 = vector.shape_cast %swap3A_436 : vector<1x16xf32> to vector<16xf32>
    %swap3A_438 = vector.shape_cast %add3A_432 : vector<16xf32> to vector<1x16xf32>
    tpu.vector_store %arg8[%swap3A_434, %swap3A_435], %swap3A_438 {strides = array<i32>} : memref<2x128xf32, #tpu.memory_space<vmem>>, vector<1x16xf32>,
    %broadcast_in_dim3A_439 = arith.constant 0.000000e+00 : f32
    %broadcast_in_dim3A_440 = vector.broadcast %broadcast_in_dim3A_439 : f32 to vector<16xf32>
    %get3A_441 = arith.constant 0 : i32
    %get3A_442 = arith.index_cast %get3A_441 : i32 to index
    %get3A_443 = arith.constant 64 : index
    %get3A_444 = tpu.vector_load %arg7[%get3A_442, %get3A_443] {strides = array<i32>} : memref<12x128xf32, #tpu.memory_space<vmem>>, vector<1x16xf32>,
    %get3A_445 = vector.shape_cast %get3A_444 : vector<1x16xf32> to vector<16xf32>
    %mul3A_446 = arith.mulf %gather3A_16, %get3A_445 : vector<16xf32>
    %add3A_447 = arith.addf %broadcast_in_dim3A_440, %mul3A_446 : vector<16xf32>
    %get3A_448 = arith.constant 1 : i32
    %get3A_449 = arith.index_cast %get3A_448 : i32 to index
    %get3A_450 = arith.constant 64 : index
    %get3A_451 = tpu.vector_load %arg7[%get3A_449, %get3A_450] {strides = array<i32>} : memref<12x128xf32, #tpu.memory_space<vmem>>, vector<1x16xf32>,
    %get3A_452 = vector.shape_cast %get3A_451 : vector<1x16xf32> to vector<16xf32>
    %mul3A_453 = arith.mulf %gather3A_21, %get3A_452 : vector<16xf32>
    %add3A_454 = arith.addf %add3A_447, %mul3A_453 : vector<16xf32>
    %get3A_455 = arith.constant 2 : i32
    %get3A_456 = arith.index_cast %get3A_455 : i32 to index
    %get3A_457 = arith.constant 64 : index
    %get3A_458 = tpu.vector_load %arg7[%get3A_456, %get3A_457] {strides = array<i32>} : memref<12x128xf32, #tpu.memory_space<vmem>>, vector<1x16xf32>,
    %get3A_459 = vector.shape_cast %get3A_458 : vector<1x16xf32> to vector<16xf32>
    %mul3A_460 = arith.mulf %gather3A_26, %get3A_459 : vector<16xf32>
    %add3A_461 = arith.addf %add3A_454, %mul3A_460 : vector<16xf32>
    %get3A_462 = arith.constant 3 : i32
    %get3A_463 = arith.index_cast %get3A_462 : i32 to index
    %get3A_464 = arith.constant 64 : index
    %get3A_465 = tpu.vector_load %arg7[%get3A_463, %get3A_464] {strides = array<i32>} : memref<12x128xf32, #tpu.memory_space<vmem>>, vector<1x16xf32>,
    %get3A_466 = vector.shape_cast %get3A_465 : vector<1x16xf32> to vector<16xf32>
    %mul3A_467 = arith.mulf %gather3A_31, %get3A_466 : vector<16xf32>
    %add3A_468 = arith.addf %add3A_461, %mul3A_467 : vector<16xf32>
    %get3A_469 = arith.constant 4 : i32
    %get3A_470 = arith.index_cast %get3A_469 : i32 to index
    %get3A_471 = arith.constant 64 : index
    %get3A_472 = tpu.vector_load %arg7[%get3A_470, %get3A_471] {strides = array<i32>} : memref<12x128xf32, #tpu.memory_space<vmem>>, vector<1x16xf32>,
    %get3A_473 = vector.shape_cast %get3A_472 : vector<1x16xf32> to vector<16xf32>
    %mul3A_474 = arith.mulf %gather3A_36, %get3A_473 : vector<16xf32>
    %add3A_475 = arith.addf %add3A_468, %mul3A_474 : vector<16xf32>
    %get3A_476 = arith.constant 5 : i32
    %get3A_477 = arith.index_cast %get3A_476 : i32 to index
    %get3A_478 = arith.constant 64 : index
    %get3A_479 = tpu.vector_load %arg7[%get3A_477, %get3A_478] {strides = array<i32>} : memref<12x128xf32, #tpu.memory_space<vmem>>, vector<1x16xf32>,
    %get3A_480 = vector.shape_cast %get3A_479 : vector<1x16xf32> to vector<16xf32>
    %mul3A_481 = arith.mulf %gather3A_41, %get3A_480 : vector<16xf32>
    %add3A_482 = arith.addf %add3A_475, %mul3A_481 : vector<16xf32>
    %get3A_483 = arith.constant 6 : i32
    %get3A_484 = arith.index_cast %get3A_483 : i32 to index
    %get3A_485 = arith.constant 64 : index
    %get3A_486 = tpu.vector_load %arg7[%get3A_484, %get3A_485] {strides = array<i32>} : memref<12x128xf32, #tpu.memory_space<vmem>>, vector<1x16xf32>,
    %get3A_487 = vector.shape_cast %get3A_486 : vector<1x16xf32> to vector<16xf32>
    %mul3A_488 = arith.mulf %gather3A_46, %get3A_487 : vector<16xf32>
    %add3A_489 = arith.addf %add3A_482, %mul3A_488 : vector<16xf32>
    %get3A_490 = arith.constant 7 : i32
    %get3A_491 = arith.index_cast %get3A_490 : i32 to index
    %get3A_492 = arith.constant 64 : index
    %get3A_493 = tpu.vector_load %arg7[%get3A_491, %get3A_492] {strides = array<i32>} : memref<12x128xf32, #tpu.memory_space<vmem>>, vector<1x16xf32>,
    %get3A_494 = vector.shape_cast %get3A_493 : vector<1x16xf32> to vector<16xf32>
    %mul3A_495 = arith.mulf %gather3A_51, %get3A_494 : vector<16xf32>
    %add3A_496 = arith.addf %add3A_489, %mul3A_495 : vector<16xf32>
    %get3A_497 = arith.constant 8 : i32
    %get3A_498 = arith.index_cast %get3A_497 : i32 to index
    %get3A_499 = arith.constant 64 : index
    %get3A_500 = tpu.vector_load %arg7[%get3A_498, %get3A_499] {strides = array<i32>} : memref<12x128xf32, #tpu.memory_space<vmem>>, vector<1x16xf32>,
    %get3A_501 = vector.shape_cast %get3A_500 : vector<1x16xf32> to vector<16xf32>
    %mul3A_502 = arith.mulf %gather3A_56, %get3A_501 : vector<16xf32>
    %add3A_503 = arith.addf %add3A_496, %mul3A_502 : vector<16xf32>
    %get3A_504 = arith.constant 9 : i32
    %get3A_505 = arith.index_cast %get3A_504 : i32 to index
    %get3A_506 = arith.constant 64 : index
    %get3A_507 = tpu.vector_load %arg7[%get3A_505, %get3A_506] {strides = array<i32>} : memref<12x128xf32, #tpu.memory_space<vmem>>, vector<1x16xf32>,
    %get3A_508 = vector.shape_cast %get3A_507 : vector<1x16xf32> to vector<16xf32>
    %mul3A_509 = arith.mulf %gather3A_61, %get3A_508 : vector<16xf32>
    %add3A_510 = arith.addf %add3A_503, %mul3A_509 : vector<16xf32>
    %get3A_511 = arith.constant 10 : i32
    %get3A_512 = arith.index_cast %get3A_511 : i32 to index
    %get3A_513 = arith.constant 64 : index
    %get3A_514 = tpu.vector_load %arg7[%get3A_512, %get3A_513] {strides = array<i32>} : memref<12x128xf32, #tpu.memory_space<vmem>>, vector<1x16xf32>,
    %get3A_515 = vector.shape_cast %get3A_514 : vector<1x16xf32> to vector<16xf32>
    %mul3A_516 = arith.mulf %gather3A_66, %get3A_515 : vector<16xf32>
    %add3A_517 = arith.addf %add3A_510, %mul3A_516 : vector<16xf32>
    %get3A_518 = arith.constant 11 : i32
    %get3A_519 = arith.index_cast %get3A_518 : i32 to index
    %get3A_520 = arith.constant 64 : index
    %get3A_521 = tpu.vector_load %arg7[%get3A_519, %get3A_520] {strides = array<i32>} : memref<12x128xf32, #tpu.memory_space<vmem>>, vector<1x16xf32>,
    %get3A_522 = vector.shape_cast %get3A_521 : vector<1x16xf32> to vector<16xf32>
    %mul3A_523 = arith.mulf %gather3A_71, %get3A_522 : vector<16xf32>
    %add3A_524 = arith.addf %add3A_517, %mul3A_523 : vector<16xf32>
    %swap3A_525 = arith.constant 0 : i32
    %swap3A_526 = arith.index_cast %swap3A_525 : i32 to index
    %swap3A_527 = arith.constant 64 : index
    %swap3A_528 = tpu.vector_load %arg8[%swap3A_526, %swap3A_527] {strides = array<i32>} : memref<2x128xf32, #tpu.memory_space<vmem>>, vector<1x16xf32>,
    %swap3A_529 = vector.shape_cast %swap3A_528 : vector<1x16xf32> to vector<16xf32>
    %swap3A_530 = vector.shape_cast %add3A_524 : vector<16xf32> to vector<1x16xf32>
    tpu.vector_store %arg8[%swap3A_526, %swap3A_527], %swap3A_530 {strides = array<i32>} : memref<2x128xf32, #tpu.memory_space<vmem>>, vector<1x16xf32>,
    %broadcast_in_dim3A_531 = arith.constant 0.000000e+00 : f32
    %broadcast_in_dim3A_532 = vector.broadcast %broadcast_in_dim3A_531 : f32 to vector<16xf32>
    %get3A_533 = arith.constant 0 : i32
    %get3A_534 = arith.index_cast %get3A_533 : i32 to index
    %get3A_535 = arith.constant 80 : index
    %get3A_536 = tpu.vector_load %arg7[%get3A_534, %get3A_535] {strides = array<i32>} : memref<12x128xf32, #tpu.memory_space<vmem>>, vector<1x16xf32>,
    %get3A_537 = vector.shape_cast %get3A_536 : vector<1x16xf32> to vector<16xf32>
    %mul3A_538 = arith.mulf %gather3A_16, %get3A_537 : vector<16xf32>
    %add3A_539 = arith.addf %broadcast_in_dim3A_532, %mul3A_538 : vector<16xf32>
    %get3A_540 = arith.constant 1 : i32
    %get3A_541 = arith.index_cast %get3A_540 : i32 to index
    %get3A_542 = arith.constant 80 : index
    %get3A_543 = tpu.vector_load %arg7[%get3A_541, %get3A_542] {strides = array<i32>} : memref<12x128xf32, #tpu.memory_space<vmem>>, vector<1x16xf32>,
    %get3A_544 = vector.shape_cast %get3A_543 : vector<1x16xf32> to vector<16xf32>
    %mul3A_545 = arith.mulf %gather3A_21, %get3A_544 : vector<16xf32>
    %add3A_546 = arith.addf %add3A_539, %mul3A_545 : vector<16xf32>
    %get3A_547 = arith.constant 2 : i32
    %get3A_548 = arith.index_cast %get3A_547 : i32 to index
    %get3A_549 = arith.constant 80 : index
    %get3A_550 = tpu.vector_load %arg7[%get3A_548, %get3A_549] {strides = array<i32>} : memref<12x128xf32, #tpu.memory_space<vmem>>, vector<1x16xf32>,
    %get3A_551 = vector.shape_cast %get3A_550 : vector<1x16xf32> to vector<16xf32>
    %mul3A_552 = arith.mulf %gather3A_26, %get3A_551 : vector<16xf32>
    %add3A_553 = arith.addf %add3A_546, %mul3A_552 : vector<16xf32>
    %get3A_554 = arith.constant 3 : i32
    %get3A_555 = arith.index_cast %get3A_554 : i32 to index
    %get3A_556 = arith.constant 80 : index
    %get3A_557 = tpu.vector_load %arg7[%get3A_555, %get3A_556] {strides = array<i32>} : memref<12x128xf32, #tpu.memory_space<vmem>>, vector<1x16xf32>,
    %get3A_558 = vector.shape_cast %get3A_557 : vector<1x16xf32> to vector<16xf32>
    %mul3A_559 = arith.mulf %gather3A_31, %get3A_558 : vector<16xf32>
    %add3A_560 = arith.addf %add3A_553, %mul3A_559 : vector<16xf32>
    %get3A_561 = arith.constant 4 : i32
    %get3A_562 = arith.index_cast %get3A_561 : i32 to index
    %get3A_563 = arith.constant 80 : index
    %get3A_564 = tpu.vector_load %arg7[%get3A_562, %get3A_563] {strides = array<i32>} : memref<12x128xf32, #tpu.memory_space<vmem>>, vector<1x16xf32>,
    %get3A_565 = vector.shape_cast %get3A_564 : vector<1x16xf32> to vector<16xf32>
    %mul3A_566 = arith.mulf %gather3A_36, %get3A_565 : vector<16xf32>
    %add3A_567 = arith.addf %add3A_560, %mul3A_566 : vector<16xf32>
    %get3A_568 = arith.constant 5 : i32
    %get3A_569 = arith.index_cast %get3A_568 : i32 to index
    %get3A_570 = arith.constant 80 : index
    %get3A_571 = tpu.vector_load %arg7[%get3A_569, %get3A_570] {strides = array<i32>} : memref<12x128xf32, #tpu.memory_space<vmem>>, vector<1x16xf32>,
    %get3A_572 = vector.shape_cast %get3A_571 : vector<1x16xf32> to vector<16xf32>
    %mul3A_573 = arith.mulf %gather3A_41, %get3A_572 : vector<16xf32>
    %add3A_574 = arith.addf %add3A_567, %mul3A_573 : vector<16xf32>
    %get3A_575 = arith.constant 6 : i32
    %get3A_576 = arith.index_cast %get3A_575 : i32 to index
    %get3A_577 = arith.constant 80 : index
    %get3A_578 = tpu.vector_load %arg7[%get3A_576, %get3A_577] {strides = array<i32>} : memref<12x128xf32, #tpu.memory_space<vmem>>, vector<1x16xf32>,
    %get3A_579 = vector.shape_cast %get3A_578 : vector<1x16xf32> to vector<16xf32>
    %mul3A_580 = arith.mulf %gather3A_46, %get3A_579 : vector<16xf32>
    %add3A_581 = arith.addf %add3A_574, %mul3A_580 : vector<16xf32>
    %get3A_582 = arith.constant 7 : i32
    %get3A_583 = arith.index_cast %get3A_582 : i32 to index
    %get3A_584 = arith.constant 80 : index
    %get3A_585 = tpu.vector_load %arg7[%get3A_583, %get3A_584] {strides = array<i32>} : memref<12x128xf32, #tpu.memory_space<vmem>>, vector<1x16xf32>,
    %get3A_586 = vector.shape_cast %get3A_585 : vector<1x16xf32> to vector<16xf32>
    %mul3A_587 = arith.mulf %gather3A_51, %get3A_586 : vector<16xf32>
    %add3A_588 = arith.addf %add3A_581, %mul3A_587 : vector<16xf32>
    %get3A_589 = arith.constant 8 : i32
    %get3A_590 = arith.index_cast %get3A_589 : i32 to index
    %get3A_591 = arith.constant 80 : index
    %get3A_592 = tpu.vector_load %arg7[%get3A_590, %get3A_591] {strides = array<i32>} : memref<12x128xf32, #tpu.memory_space<vmem>>, vector<1x16xf32>,
    %get3A_593 = vector.shape_cast %get3A_592 : vector<1x16xf32> to vector<16xf32>
    %mul3A_594 = arith.mulf %gather3A_56, %get3A_593 : vector<16xf32>
    %add3A_595 = arith.addf %add3A_588, %mul3A_594 : vector<16xf32>
    %get3A_596 = arith.constant 9 : i32
    %get3A_597 = arith.index_cast %get3A_596 : i32 to index
    %get3A_598 = arith.constant 80 : index
    %get3A_599 = tpu.vector_load %arg7[%get3A_597, %get3A_598] {strides = array<i32>} : memref<12x128xf32, #tpu.memory_space<vmem>>, vector<1x16xf32>,
    %get3A_600 = vector.shape_cast %get3A_599 : vector<1x16xf32> to vector<16xf32>
    %mul3A_601 = arith.mulf %gather3A_61, %get3A_600 : vector<16xf32>
    %add3A_602 = arith.addf %add3A_595, %mul3A_601 : vector<16xf32>
    %get3A_603 = arith.constant 10 : i32
    %get3A_604 = arith.index_cast %get3A_603 : i32 to index
    %get3A_605 = arith.constant 80 : index
    %get3A_606 = tpu.vector_load %arg7[%get3A_604, %get3A_605] {strides = array<i32>} : memref<12x128xf32, #tpu.memory_space<vmem>>, vector<1x16xf32>,
    %get3A_607 = vector.shape_cast %get3A_606 : vector<1x16xf32> to vector<16xf32>
    %mul3A_608 = arith.mulf %gather3A_66, %get3A_607 : vector<16xf32>
    %add3A_609 = arith.addf %add3A_602, %mul3A_608 : vector<16xf32>
    %get3A_610 = arith.constant 11 : i32
    %get3A_611 = arith.index_cast %get3A_610 : i32 to index
    %get3A_612 = arith.constant 80 : index
    %get3A_613 = tpu.vector_load %arg7[%get3A_611, %get3A_612] {strides = array<i32>} : memref<12x128xf32, #tpu.memory_space<vmem>>, vector<1x16xf32>,
    %get3A_614 = vector.shape_cast %get3A_613 : vector<1x16xf32> to vector<16xf32>
    %mul3A_615 = arith.mulf %gather3A_71, %get3A_614 : vector<16xf32>
    %add3A_616 = arith.addf %add3A_609, %mul3A_615 : vector<16xf32>
    %swap3A_617 = arith.constant 0 : i32
    %swap3A_618 = arith.index_cast %swap3A_617 : i32 to index
    %swap3A_619 = arith.constant 80 : index
    %swap3A_620 = tpu.vector_load %arg8[%swap3A_618, %swap3A_619] {strides = array<i32>} : memref<2x128xf32, #tpu.memory_space<vmem>>, vector<1x16xf32>,
    %swap3A_621 = vector.shape_cast %swap3A_620 : vector<1x16xf32> to vector<16xf32>
    %swap3A_622 = vector.shape_cast %add3A_616 : vector<16xf32> to vector<1x16xf32>
    tpu.vector_store %arg8[%swap3A_618, %swap3A_619], %swap3A_622 {strides = array<i32>} : memref<2x128xf32, #tpu.memory_space<vmem>>, vector<1x16xf32>,
    %broadcast_in_dim3A_623 = arith.constant 0.000000e+00 : f32
    %broadcast_in_dim3A_624 = vector.broadcast %broadcast_in_dim3A_623 : f32 to vector<16xf32>
    %get3A_625 = arith.constant 0 : i32
    %get3A_626 = arith.index_cast %get3A_625 : i32 to index
    %get3A_627 = arith.constant 96 : index
    %get3A_628 = tpu.vector_load %arg7[%get3A_626, %get3A_627] {strides = array<i32>} : memref<12x128xf32, #tpu.memory_space<vmem>>, vector<1x16xf32>,
    %get3A_629 = vector.shape_cast %get3A_628 : vector<1x16xf32> to vector<16xf32>
    %mul3A_630 = arith.mulf %gather3A_16, %get3A_629 : vector<16xf32>
    %add3A_631 = arith.addf %broadcast_in_dim3A_624, %mul3A_630 : vector<16xf32>
    %get3A_632 = arith.constant 1 : i32
    %get3A_633 = arith.index_cast %get3A_632 : i32 to index
    %get3A_634 = arith.constant 96 : index
    %get3A_635 = tpu.vector_load %arg7[%get3A_633, %get3A_634] {strides = array<i32>} : memref<12x128xf32, #tpu.memory_space<vmem>>, vector<1x16xf32>,
    %get3A_636 = vector.shape_cast %get3A_635 : vector<1x16xf32> to vector<16xf32>
    %mul3A_637 = arith.mulf %gather3A_21, %get3A_636 : vector<16xf32>
    %add3A_638 = arith.addf %add3A_631, %mul3A_637 : vector<16xf32>
    %get3A_639 = arith.constant 2 : i32
    %get3A_640 = arith.index_cast %get3A_639 : i32 to index
    %get3A_641 = arith.constant 96 : index
    %get3A_642 = tpu.vector_load %arg7[%get3A_640, %get3A_641] {strides = array<i32>} : memref<12x128xf32, #tpu.memory_space<vmem>>, vector<1x16xf32>,
    %get3A_643 = vector.shape_cast %get3A_642 : vector<1x16xf32> to vector<16xf32>
    %mul3A_644 = arith.mulf %gather3A_26, %get3A_643 : vector<16xf32>
    %add3A_645 = arith.addf %add3A_638, %mul3A_644 : vector<16xf32>
    %get3A_646 = arith.constant 3 : i32
    %get3A_647 = arith.index_cast %get3A_646 : i32 to index
    %get3A_648 = arith.constant 96 : index
    %get3A_649 = tpu.vector_load %arg7[%get3A_647, %get3A_648] {strides = array<i32>} : memref<12x128xf32, #tpu.memory_space<vmem>>, vector<1x16xf32>,
    %get3A_650 = vector.shape_cast %get3A_649 : vector<1x16xf32> to vector<16xf32>
    %mul3A_651 = arith.mulf %gather3A_31, %get3A_650 : vector<16xf32>
    %add3A_652 = arith.addf %add3A_645, %mul3A_651 : vector<16xf32>
    %get3A_653 = arith.constant 4 : i32
    %get3A_654 = arith.index_cast %get3A_653 : i32 to index
    %get3A_655 = arith.constant 96 : index
    %get3A_656 = tpu.vector_load %arg7[%get3A_654, %get3A_655] {strides = array<i32>} : memref<12x128xf32, #tpu.memory_space<vmem>>, vector<1x16xf32>,
    %get3A_657 = vector.shape_cast %get3A_656 : vector<1x16xf32> to vector<16xf32>
    %mul3A_658 = arith.mulf %gather3A_36, %get3A_657 : vector<16xf32>
    %add3A_659 = arith.addf %add3A_652, %mul3A_658 : vector<16xf32>
    %get3A_660 = arith.constant 5 : i32
    %get3A_661 = arith.index_cast %get3A_660 : i32 to index
    %get3A_662 = arith.constant 96 : index
    %get3A_663 = tpu.vector_load %arg7[%get3A_661, %get3A_662] {strides = array<i32>} : memref<12x128xf32, #tpu.memory_space<vmem>>, vector<1x16xf32>,
    %get3A_664 = vector.shape_cast %get3A_663 : vector<1x16xf32> to vector<16xf32>
    %mul3A_665 = arith.mulf %gather3A_41, %get3A_664 : vector<16xf32>
    %add3A_666 = arith.addf %add3A_659, %mul3A_665 : vector<16xf32>
    %get3A_667 = arith.constant 6 : i32
    %get3A_668 = arith.index_cast %get3A_667 : i32 to index
    %get3A_669 = arith.constant 96 : index
    %get3A_670 = tpu.vector_load %arg7[%get3A_668, %get3A_669] {strides = array<i32>} : memref<12x128xf32, #tpu.memory_space<vmem>>, vector<1x16xf32>,
    %get3A_671 = vector.shape_cast %get3A_670 : vector<1x16xf32> to vector<16xf32>
    %mul3A_672 = arith.mulf %gather3A_46, %get3A_671 : vector<16xf32>
    %add3A_673 = arith.addf %add3A_666, %mul3A_672 : vector<16xf32>
    %get3A_674 = arith.constant 7 : i32
    %get3A_675 = arith.index_cast %get3A_674 : i32 to index
    %get3A_676 = arith.constant 96 : index
    %get3A_677 = tpu.vector_load %arg7[%get3A_675, %get3A_676] {strides = array<i32>} : memref<12x128xf32, #tpu.memory_space<vmem>>, vector<1x16xf32>,
    %get3A_678 = vector.shape_cast %get3A_677 : vector<1x16xf32> to vector<16xf32>
    %mul3A_679 = arith.mulf %gather3A_51, %get3A_678 : vector<16xf32>
    %add3A_680 = arith.addf %add3A_673, %mul3A_679 : vector<16xf32>
    %get3A_681 = arith.constant 8 : i32
    %get3A_682 = arith.index_cast %get3A_681 : i32 to index
    %get3A_683 = arith.constant 96 : index
    %get3A_684 = tpu.vector_load %arg7[%get3A_682, %get3A_683] {strides = array<i32>} : memref<12x128xf32, #tpu.memory_space<vmem>>, vector<1x16xf32>,
    %get3A_685 = vector.shape_cast %get3A_684 : vector<1x16xf32> to vector<16xf32>
    %mul3A_686 = arith.mulf %gather3A_56, %get3A_685 : vector<16xf32>
    %add3A_687 = arith.addf %add3A_680, %mul3A_686 : vector<16xf32>
    %get3A_688 = arith.constant 9 : i32
    %get3A_689 = arith.index_cast %get3A_688 : i32 to index
    %get3A_690 = arith.constant 96 : index
    %get3A_691 = tpu.vector_load %arg7[%get3A_689, %get3A_690] {strides = array<i32>} : memref<12x128xf32, #tpu.memory_space<vmem>>, vector<1x16xf32>,
    %get3A_692 = vector.shape_cast %get3A_691 : vector<1x16xf32> to vector<16xf32>
    %mul3A_693 = arith.mulf %gather3A_61, %get3A_692 : vector<16xf32>
    %add3A_694 = arith.addf %add3A_687, %mul3A_693 : vector<16xf32>
    %get3A_695 = arith.constant 10 : i32
    %get3A_696 = arith.index_cast %get3A_695 : i32 to index
    %get3A_697 = arith.constant 96 : index
    %get3A_698 = tpu.vector_load %arg7[%get3A_696, %get3A_697] {strides = array<i32>} : memref<12x128xf32, #tpu.memory_space<vmem>>, vector<1x16xf32>,
    %get3A_699 = vector.shape_cast %get3A_698 : vector<1x16xf32> to vector<16xf32>
    %mul3A_700 = arith.mulf %gather3A_66, %get3A_699 : vector<16xf32>
    %add3A_701 = arith.addf %add3A_694, %mul3A_700 : vector<16xf32>
    %get3A_702 = arith.constant 11 : i32
    %get3A_703 = arith.index_cast %get3A_702 : i32 to index
    %get3A_704 = arith.constant 96 : index
    %get3A_705 = tpu.vector_load %arg7[%get3A_703, %get3A_704] {strides = array<i32>} : memref<12x128xf32, #tpu.memory_space<vmem>>, vector<1x16xf32>,
    %get3A_706 = vector.shape_cast %get3A_705 : vector<1x16xf32> to vector<16xf32>
    %mul3A_707 = arith.mulf %gather3A_71, %get3A_706 : vector<16xf32>
    %add3A_708 = arith.addf %add3A_701, %mul3A_707 : vector<16xf32>
    %swap3A_709 = arith.constant 0 : i32
    %swap3A_710 = arith.index_cast %swap3A_709 : i32 to index
    %swap3A_711 = arith.constant 96 : index
    %swap3A_712 = tpu.vector_load %arg8[%swap3A_710, %swap3A_711] {strides = array<i32>} : memref<2x128xf32, #tpu.memory_space<vmem>>, vector<1x16xf32>,
    %swap3A_713 = vector.shape_cast %swap3A_712 : vector<1x16xf32> to vector<16xf32>
    %swap3A_714 = vector.shape_cast %add3A_708 : vector<16xf32> to vector<1x16xf32>
    tpu.vector_store %arg8[%swap3A_710, %swap3A_711], %swap3A_714 {strides = array<i32>} : memref<2x128xf32, #tpu.memory_space<vmem>>, vector<1x16xf32>,
    %broadcast_in_dim3A_715 = arith.constant 0.000000e+00 : f32
    %broadcast_in_dim3A_716 = vector.broadcast %broadcast_in_dim3A_715 : f32 to vector<16xf32>
    %get3A_717 = arith.constant 0 : i32
    %get3A_718 = arith.index_cast %get3A_717 : i32 to index
    %get3A_719 = arith.constant 112 : index
    %get3A_720 = tpu.vector_load %arg7[%get3A_718, %get3A_719] {strides = array<i32>} : memref<12x128xf32, #tpu.memory_space<vmem>>, vector<1x16xf32>,
    %get3A_721 = vector.shape_cast %get3A_720 : vector<1x16xf32> to vector<16xf32>
    %mul3A_722 = arith.mulf %gather3A_16, %get3A_721 : vector<16xf32>
    %add3A_723 = arith.addf %broadcast_in_dim3A_716, %mul3A_722 : vector<16xf32>
    %get3A_724 = arith.constant 1 : i32
    %get3A_725 = arith.index_cast %get3A_724 : i32 to index
    %get3A_726 = arith.constant 112 : index
    %get3A_727 = tpu.vector_load %arg7[%get3A_725, %get3A_726] {strides = array<i32>} : memref<12x128xf32, #tpu.memory_space<vmem>>, vector<1x16xf32>,
    %get3A_728 = vector.shape_cast %get3A_727 : vector<1x16xf32> to vector<16xf32>
    %mul3A_729 = arith.mulf %gather3A_21, %get3A_728 : vector<16xf32>
    %add3A_730 = arith.addf %add3A_723, %mul3A_729 : vector<16xf32>
    %get3A_731 = arith.constant 2 : i32
    %get3A_732 = arith.index_cast %get3A_731 : i32 to index
    %get3A_733 = arith.constant 112 : index
    %get3A_734 = tpu.vector_load %arg7[%get3A_732, %get3A_733] {strides = array<i32>} : memref<12x128xf32, #tpu.memory_space<vmem>>, vector<1x16xf32>,
    %get3A_735 = vector.shape_cast %get3A_734 : vector<1x16xf32> to vector<16xf32>
    %mul3A_736 = arith.mulf %gather3A_26, %get3A_735 : vector<16xf32>
    %add3A_737 = arith.addf %add3A_730, %mul3A_736 : vector<16xf32>
    %get3A_738 = arith.constant 3 : i32
    %get3A_739 = arith.index_cast %get3A_738 : i32 to index
    %get3A_740 = arith.constant 112 : index
    %get3A_741 = tpu.vector_load %arg7[%get3A_739, %get3A_740] {strides = array<i32>} : memref<12x128xf32, #tpu.memory_space<vmem>>, vector<1x16xf32>,
    %get3A_742 = vector.shape_cast %get3A_741 : vector<1x16xf32> to vector<16xf32>
    %mul3A_743 = arith.mulf %gather3A_31, %get3A_742 : vector<16xf32>
    %add3A_744 = arith.addf %add3A_737, %mul3A_743 : vector<16xf32>
    %get3A_745 = arith.constant 4 : i32
    %get3A_746 = arith.index_cast %get3A_745 : i32 to index
    %get3A_747 = arith.constant 112 : index
    %get3A_748 = tpu.vector_load %arg7[%get3A_746, %get3A_747] {strides = array<i32>} : memref<12x128xf32, #tpu.memory_space<vmem>>, vector<1x16xf32>,
    %get3A_749 = vector.shape_cast %get3A_748 : vector<1x16xf32> to vector<16xf32>
    %mul3A_750 = arith.mulf %gather3A_36, %get3A_749 : vector<16xf32>
    %add3A_751 = arith.addf %add3A_744, %mul3A_750 : vector<16xf32>
    %get3A_752 = arith.constant 5 : i32
    %get3A_753 = arith.index_cast %get3A_752 : i32 to index
    %get3A_754 = arith.constant 112 : index
    %get3A_755 = tpu.vector_load %arg7[%get3A_753, %get3A_754] {strides = array<i32>} : memref<12x128xf32, #tpu.memory_space<vmem>>, vector<1x16xf32>,
    %get3A_756 = vector.shape_cast %get3A_755 : vector<1x16xf32> to vector<16xf32>
    %mul3A_757 = arith.mulf %gather3A_41, %get3A_756 : vector<16xf32>
    %add3A_758 = arith.addf %add3A_751, %mul3A_757 : vector<16xf32>
    %get3A_759 = arith.constant 6 : i32
    %get3A_760 = arith.index_cast %get3A_759 : i32 to index
    %get3A_761 = arith.constant 112 : index
    %get3A_762 = tpu.vector_load %arg7[%get3A_760, %get3A_761] {strides = array<i32>} : memref<12x128xf32, #tpu.memory_space<vmem>>, vector<1x16xf32>,
    %get3A_763 = vector.shape_cast %get3A_762 : vector<1x16xf32> to vector<16xf32>
    %mul3A_764 = arith.mulf %gather3A_46, %get3A_763 : vector<16xf32>
    %add3A_765 = arith.addf %add3A_758, %mul3A_764 : vector<16xf32>
    %get3A_766 = arith.constant 7 : i32
    %get3A_767 = arith.index_cast %get3A_766 : i32 to index
    %get3A_768 = arith.constant 112 : index
    %get3A_769 = tpu.vector_load %arg7[%get3A_767, %get3A_768] {strides = array<i32>} : memref<12x128xf32, #tpu.memory_space<vmem>>, vector<1x16xf32>,
    %get3A_770 = vector.shape_cast %get3A_769 : vector<1x16xf32> to vector<16xf32>
    %mul3A_771 = arith.mulf %gather3A_51, %get3A_770 : vector<16xf32>
    %add3A_772 = arith.addf %add3A_765, %mul3A_771 : vector<16xf32>
    %get3A_773 = arith.constant 8 : i32
    %get3A_774 = arith.index_cast %get3A_773 : i32 to index
    %get3A_775 = arith.constant 112 : index
    %get3A_776 = tpu.vector_load %arg7[%get3A_774, %get3A_775] {strides = array<i32>} : memref<12x128xf32, #tpu.memory_space<vmem>>, vector<1x16xf32>,
    %get3A_777 = vector.shape_cast %get3A_776 : vector<1x16xf32> to vector<16xf32>
    %mul3A_778 = arith.mulf %gather3A_56, %get3A_777 : vector<16xf32>
    %add3A_779 = arith.addf %add3A_772, %mul3A_778 : vector<16xf32>
    %get3A_780 = arith.constant 9 : i32
    %get3A_781 = arith.index_cast %get3A_780 : i32 to index
    %get3A_782 = arith.constant 112 : index
    %get3A_783 = tpu.vector_load %arg7[%get3A_781, %get3A_782] {strides = array<i32>} : memref<12x128xf32, #tpu.memory_space<vmem>>, vector<1x16xf32>,
    %get3A_784 = vector.shape_cast %get3A_783 : vector<1x16xf32> to vector<16xf32>
    %mul3A_785 = arith.mulf %gather3A_61, %get3A_784 : vector<16xf32>
    %add3A_786 = arith.addf %add3A_779, %mul3A_785 : vector<16xf32>
    %get3A_787 = arith.constant 10 : i32
    %get3A_788 = arith.index_cast %get3A_787 : i32 to index
    %get3A_789 = arith.constant 112 : index
    %get3A_790 = tpu.vector_load %arg7[%get3A_788, %get3A_789] {strides = array<i32>} : memref<12x128xf32, #tpu.memory_space<vmem>>, vector<1x16xf32>,
    %get3A_791 = vector.shape_cast %get3A_790 : vector<1x16xf32> to vector<16xf32>
    %mul3A_792 = arith.mulf %gather3A_66, %get3A_791 : vector<16xf32>
    %add3A_793 = arith.addf %add3A_786, %mul3A_792 : vector<16xf32>
    %get3A_794 = arith.constant 11 : i32
    %get3A_795 = arith.index_cast %get3A_794 : i32 to index
    %get3A_796 = arith.constant 112 : index
    %get3A_797 = tpu.vector_load %arg7[%get3A_795, %get3A_796] {strides = array<i32>} : memref<12x128xf32, #tpu.memory_space<vmem>>, vector<1x16xf32>,
    %get3A_798 = vector.shape_cast %get3A_797 : vector<1x16xf32> to vector<16xf32>
    %mul3A_799 = arith.mulf %gather3A_71, %get3A_798 : vector<16xf32>
    %add3A_800 = arith.addf %add3A_793, %mul3A_799 : vector<16xf32>
    %swap3A_801 = arith.constant 0 : i32
    %swap3A_802 = arith.index_cast %swap3A_801 : i32 to index
    %swap3A_803 = arith.constant 112 : index
    %swap3A_804 = tpu.vector_load %arg8[%swap3A_802, %swap3A_803] {strides = array<i32>} : memref<2x128xf32, #tpu.memory_space<vmem>>, vector<1x16xf32>,
    %swap3A_805 = vector.shape_cast %swap3A_804 : vector<1x16xf32> to vector<16xf32>
    %swap3A_806 = vector.shape_cast %add3A_800 : vector<16xf32> to vector<1x16xf32>
    tpu.vector_store %arg8[%swap3A_802, %swap3A_803], %swap3A_806 {strides = array<i32>} : memref<2x128xf32, #tpu.memory_space<vmem>>, vector<1x16xf32>,
    %add3A_807 = arith.constant 1 : i32
    %add3A_808 = arith.addi %mul3A_7, %add3A_807 : i32
    %min3A_809 = arith.constant 24 : i32
    %min3A_810 = arith.minsi %add3A_808, %min3A_809 : i32
    %get3A_811 = arith.index_cast %min3A_810 : i32 to index
    %get3A_812 = arith.constant 0 : index
    %get3A_813 = tpu.vector_load %arg6[%get3A_811, %get3A_812] {strides = array<i32>} : memref<25x128xf32, #tpu.memory_space<vmem>>, vector<1x16xf32>,
    %get3A_814 = vector.shape_cast %get3A_813 : vector<1x16xf32> to vector<16xf32>
    %broadcast_in_dim3A_815 = arith.constant 0 : i32
    %broadcast_in_dim3A_816 = vector.broadcast %broadcast_in_dim3A_815 : i32 to vector<16xi32>
    %broadcast_in_dim3A_817 = vector.shape_cast %broadcast_in_dim3A_816 : vector<16xi32> to vector<16x1xi32>
    %gather3A_818 = vector.shape_cast %broadcast_in_dim3A_817 : vector<16x1xi32> to vector<16xi32>
    %gather3A_819 = tpu.dynamic_gather %get3A_814[%gather3A_818] in [0] : vector<16xf32>, vector<16xi32> -> vector<16xf32>
    %broadcast_in_dim3A_820 = arith.constant 1 : i32
    %broadcast_in_dim3A_821 = vector.broadcast %broadcast_in_dim3A_820 : i32 to vector<16xi32>
    %broadcast_in_dim3A_822 = vector.shape_cast %broadcast_in_dim3A_821 : vector<16xi32> to vector<16x1xi32>
    %gather3A_823 = vector.shape_cast %broadcast_in_dim3A_822 : vector<16x1xi32> to vector<16xi32>
    %gather3A_824 = tpu.dynamic_gather %get3A_814[%gather3A_823] in [0] : vector<16xf32>, vector<16xi32> -> vector<16xf32>
    %broadcast_in_dim3A_825 = arith.constant 2 : i32
    %broadcast_in_dim3A_826 = vector.broadcast %broadcast_in_dim3A_825 : i32 to vector<16xi32>
    %broadcast_in_dim3A_827 = vector.shape_cast %broadcast_in_dim3A_826 : vector<16xi32> to vector<16x1xi32>
    %gather3A_828 = vector.shape_cast %broadcast_in_dim3A_827 : vector<16x1xi32> to vector<16xi32>
    %gather3A_829 = tpu.dynamic_gather %get3A_814[%gather3A_828] in [0] : vector<16xf32>, vector<16xi32> -> vector<16xf32>
    %broadcast_in_dim3A_830 = arith.constant 3 : i32
    %broadcast_in_dim3A_831 = vector.broadcast %broadcast_in_dim3A_830 : i32 to vector<16xi32>
    %broadcast_in_dim3A_832 = vector.shape_cast %broadcast_in_dim3A_831 : vector<16xi32> to vector<16x1xi32>
    %gather3A_833 = vector.shape_cast %broadcast_in_dim3A_832 : vector<16x1xi32> to vector<16xi32>
    %gather3A_834 = tpu.dynamic_gather %get3A_814[%gather3A_833] in [0] : vector<16xf32>, vector<16xi32> -> vector<16xf32>
    %broadcast_in_dim3A_835 = arith.constant 4 : i32
    %broadcast_in_dim3A_836 = vector.broadcast %broadcast_in_dim3A_835 : i32 to vector<16xi32>
    %broadcast_in_dim3A_837 = vector.shape_cast %broadcast_in_dim3A_836 : vector<16xi32> to vector<16x1xi32>
    %gather3A_838 = vector.shape_cast %broadcast_in_dim3A_837 : vector<16x1xi32> to vector<16xi32>
    %gather3A_839 = tpu.dynamic_gather %get3A_814[%gather3A_838] in [0] : vector<16xf32>, vector<16xi32> -> vector<16xf32>
    %broadcast_in_dim3A_840 = arith.constant 5 : i32
    %broadcast_in_dim3A_841 = vector.broadcast %broadcast_in_dim3A_840 : i32 to vector<16xi32>
    %broadcast_in_dim3A_842 = vector.shape_cast %broadcast_in_dim3A_841 : vector<16xi32> to vector<16x1xi32>
    %gather3A_843 = vector.shape_cast %broadcast_in_dim3A_842 : vector<16x1xi32> to vector<16xi32>
    %gather3A_844 = tpu.dynamic_gather %get3A_814[%gather3A_843] in [0] : vector<16xf32>, vector<16xi32> -> vector<16xf32>
    %broadcast_in_dim3A_845 = arith.constant 6 : i32
    %broadcast_in_dim3A_846 = vector.broadcast %broadcast_in_dim3A_845 : i32 to vector<16xi32>
    %broadcast_in_dim3A_847 = vector.shape_cast %broadcast_in_dim3A_846 : vector<16xi32> to vector<16x1xi32>
    %gather3A_848 = vector.shape_cast %broadcast_in_dim3A_847 : vector<16x1xi32> to vector<16xi32>
    %gather3A_849 = tpu.dynamic_gather %get3A_814[%gather3A_848] in [0] : vector<16xf32>, vector<16xi32> -> vector<16xf32>
    %broadcast_in_dim3A_850 = arith.constant 7 : i32
    %broadcast_in_dim3A_851 = vector.broadcast %broadcast_in_dim3A_850 : i32 to vector<16xi32>
    %broadcast_in_dim3A_852 = vector.shape_cast %broadcast_in_dim3A_851 : vector<16xi32> to vector<16x1xi32>
    %gather3A_853 = vector.shape_cast %broadcast_in_dim3A_852 : vector<16x1xi32> to vector<16xi32>
    %gather3A_854 = tpu.dynamic_gather %get3A_814[%gather3A_853] in [0] : vector<16xf32>, vector<16xi32> -> vector<16xf32>
    %broadcast_in_dim3A_855 = arith.constant 8 : i32
    %broadcast_in_dim3A_856 = vector.broadcast %broadcast_in_dim3A_855 : i32 to vector<16xi32>
    %broadcast_in_dim3A_857 = vector.shape_cast %broadcast_in_dim3A_856 : vector<16xi32> to vector<16x1xi32>
    %gather3A_858 = vector.shape_cast %broadcast_in_dim3A_857 : vector<16x1xi32> to vector<16xi32>
    %gather3A_859 = tpu.dynamic_gather %get3A_814[%gather3A_858] in [0] : vector<16xf32>, vector<16xi32> -> vector<16xf32>
    %broadcast_in_dim3A_860 = arith.constant 9 : i32
    %broadcast_in_dim3A_861 = vector.broadcast %broadcast_in_dim3A_860 : i32 to vector<16xi32>
    %broadcast_in_dim3A_862 = vector.shape_cast %broadcast_in_dim3A_861 : vector<16xi32> to vector<16x1xi32>
    %gather3A_863 = vector.shape_cast %broadcast_in_dim3A_862 : vector<16x1xi32> to vector<16xi32>
    %gather3A_864 = tpu.dynamic_gather %get3A_814[%gather3A_863] in [0] : vector<16xf32>, vector<16xi32> -> vector<16xf32>
    %broadcast_in_dim3A_865 = arith.constant 10 : i32
    %broadcast_in_dim3A_866 = vector.broadcast %broadcast_in_dim3A_865 : i32 to vector<16xi32>
    %broadcast_in_dim3A_867 = vector.shape_cast %broadcast_in_dim3A_866 : vector<16xi32> to vector<16x1xi32>
    %gather3A_868 = vector.shape_cast %broadcast_in_dim3A_867 : vector<16x1xi32> to vector<16xi32>
    %gather3A_869 = tpu.dynamic_gather %get3A_814[%gather3A_868] in [0] : vector<16xf32>, vector<16xi32> -> vector<16xf32>
    %broadcast_in_dim3A_870 = arith.constant 11 : i32
    %broadcast_in_dim3A_871 = vector.broadcast %broadcast_in_dim3A_870 : i32 to vector<16xi32>
    %broadcast_in_dim3A_872 = vector.shape_cast %broadcast_in_dim3A_871 : vector<16xi32> to vector<16x1xi32>
    %gather3A_873 = vector.shape_cast %broadcast_in_dim3A_872 : vector<16x1xi32> to vector<16xi32>
    %gather3A_874 = tpu.dynamic_gather %get3A_814[%gather3A_873] in [0] : vector<16xf32>, vector<16xi32> -> vector<16xf32>
    %broadcast_in_dim3A_875 = arith.constant 0.000000e+00 : f32
    %broadcast_in_dim3A_876 = vector.broadcast %broadcast_in_dim3A_875 : f32 to vector<16xf32>
    %get3A_877 = arith.constant 0 : i32
    %get3A_878 = arith.index_cast %get3A_877 : i32 to index
    %get3A_879 = arith.constant 0 : index
    %get3A_880 = tpu.vector_load %arg7[%get3A_878, %get3A_879] {strides = array<i32>} : memref<12x128xf32, #tpu.memory_space<vmem>>, vector<1x16xf32>,
    %get3A_881 = vector.shape_cast %get3A_880 : vector<1x16xf32> to vector<16xf32>
    %mul3A_882 = arith.mulf %gather3A_819, %get3A_881 : vector<16xf32>
    %add3A_883 = arith.addf %broadcast_in_dim3A_876, %mul3A_882 : vector<16xf32>
    %get3A_884 = arith.constant 1 : i32
    %get3A_885 = arith.index_cast %get3A_884 : i32 to index
    %get3A_886 = arith.constant 0 : index
    %get3A_887 = tpu.vector_load %arg7[%get3A_885, %get3A_886] {strides = array<i32>} : memref<12x128xf32, #tpu.memory_space<vmem>>, vector<1x16xf32>,
    %get3A_888 = vector.shape_cast %get3A_887 : vector<1x16xf32> to vector<16xf32>
    %mul3A_889 = arith.mulf %gather3A_824, %get3A_888 : vector<16xf32>
    %add3A_890 = arith.addf %add3A_883, %mul3A_889 : vector<16xf32>
    %get3A_891 = arith.constant 2 : i32
    %get3A_892 = arith.index_cast %get3A_891 : i32 to index
    %get3A_893 = arith.constant 0 : index
    %get3A_894 = tpu.vector_load %arg7[%get3A_892, %get3A_893] {strides = array<i32>} : memref<12x128xf32, #tpu.memory_space<vmem>>, vector<1x16xf32>,
    %get3A_895 = vector.shape_cast %get3A_894 : vector<1x16xf32> to vector<16xf32>
    %mul3A_896 = arith.mulf %gather3A_829, %get3A_895 : vector<16xf32>
    %add3A_897 = arith.addf %add3A_890, %mul3A_896 : vector<16xf32>
    %get3A_898 = arith.constant 3 : i32
    %get3A_899 = arith.index_cast %get3A_898 : i32 to index
    %get3A_900 = arith.constant 0 : index
    %get3A_901 = tpu.vector_load %arg7[%get3A_899, %get3A_900] {strides = array<i32>} : memref<12x128xf32, #tpu.memory_space<vmem>>, vector<1x16xf32>,
    %get3A_902 = vector.shape_cast %get3A_901 : vector<1x16xf32> to vector<16xf32>
    %mul3A_903 = arith.mulf %gather3A_834, %get3A_902 : vector<16xf32>
    %add3A_904 = arith.addf %add3A_897, %mul3A_903 : vector<16xf32>
    %get3A_905 = arith.constant 4 : i32
    %get3A_906 = arith.index_cast %get3A_905 : i32 to index
    %get3A_907 = arith.constant 0 : index
    %get3A_908 = tpu.vector_load %arg7[%get3A_906, %get3A_907] {strides = array<i32>} : memref<12x128xf32, #tpu.memory_space<vmem>>, vector<1x16xf32>,
    %get3A_909 = vector.shape_cast %get3A_908 : vector<1x16xf32> to vector<16xf32>
    %mul3A_910 = arith.mulf %gather3A_839, %get3A_909 : vector<16xf32>
    %add3A_911 = arith.addf %add3A_904, %mul3A_910 : vector<16xf32>
    %get3A_912 = arith.constant 5 : i32
    %get3A_913 = arith.index_cast %get3A_912 : i32 to index
    %get3A_914 = arith.constant 0 : index
    %get3A_915 = tpu.vector_load %arg7[%get3A_913, %get3A_914] {strides = array<i32>} : memref<12x128xf32, #tpu.memory_space<vmem>>, vector<1x16xf32>,
    %get3A_916 = vector.shape_cast %get3A_915 : vector<1x16xf32> to vector<16xf32>
    %mul3A_917 = arith.mulf %gather3A_844, %get3A_916 : vector<16xf32>
    %add3A_918 = arith.addf %add3A_911, %mul3A_917 : vector<16xf32>
    %get3A_919 = arith.constant 6 : i32
    %get3A_920 = arith.index_cast %get3A_919 : i32 to index
    %get3A_921 = arith.constant 0 : index
    %get3A_922 = tpu.vector_load %arg7[%get3A_920, %get3A_921] {strides = array<i32>} : memref<12x128xf32, #tpu.memory_space<vmem>>, vector<1x16xf32>,
    %get3A_923 = vector.shape_cast %get3A_922 : vector<1x16xf32> to vector<16xf32>
    %mul3A_924 = arith.mulf %gather3A_849, %get3A_923 : vector<16xf32>
    %add3A_925 = arith.addf %add3A_918, %mul3A_924 : vector<16xf32>
    %get3A_926 = arith.constant 7 : i32
    %get3A_927 = arith.index_cast %get3A_926 : i32 to index
    %get3A_928 = arith.constant 0 : index
    %get3A_929 = tpu.vector_load %arg7[%get3A_927, %get3A_928] {strides = array<i32>} : memref<12x128xf32, #tpu.memory_space<vmem>>, vector<1x16xf32>,
    %get3A_930 = vector.shape_cast %get3A_929 : vector<1x16xf32> to vector<16xf32>
    %mul3A_931 = arith.mulf %gather3A_854, %get3A_930 : vector<16xf32>
    %add3A_932 = arith.addf %add3A_925, %mul3A_931 : vector<16xf32>
    %get3A_933 = arith.constant 8 : i32
    %get3A_934 = arith.index_cast %get3A_933 : i32 to index
    %get3A_935 = arith.constant 0 : index
    %get3A_936 = tpu.vector_load %arg7[%get3A_934, %get3A_935] {strides = array<i32>} : memref<12x128xf32, #tpu.memory_space<vmem>>, vector<1x16xf32>,
    %get3A_937 = vector.shape_cast %get3A_936 : vector<1x16xf32> to vector<16xf32>
    %mul3A_938 = arith.mulf %gather3A_859, %get3A_937 : vector<16xf32>
    %add3A_939 = arith.addf %add3A_932, %mul3A_938 : vector<16xf32>
    %get3A_940 = arith.constant 9 : i32
    %get3A_941 = arith.index_cast %get3A_940 : i32 to index
    %get3A_942 = arith.constant 0 : index
    %get3A_943 = tpu.vector_load %arg7[%get3A_941, %get3A_942] {strides = array<i32>} : memref<12x128xf32, #tpu.memory_space<vmem>>, vector<1x16xf32>,
    %get3A_944 = vector.shape_cast %get3A_943 : vector<1x16xf32> to vector<16xf32>
    %mul3A_945 = arith.mulf %gather3A_864, %get3A_944 : vector<16xf32>
    %add3A_946 = arith.addf %add3A_939, %mul3A_945 : vector<16xf32>
    %get3A_947 = arith.constant 10 : i32
    %get3A_948 = arith.index_cast %get3A_947 : i32 to index
    %get3A_949 = arith.constant 0 : index
    %get3A_950 = tpu.vector_load %arg7[%get3A_948, %get3A_949] {strides = array<i32>} : memref<12x128xf32, #tpu.memory_space<vmem>>, vector<1x16xf32>,
    %get3A_951 = vector.shape_cast %get3A_950 : vector<1x16xf32> to vector<16xf32>
    %mul3A_952 = arith.mulf %gather3A_869, %get3A_951 : vector<16xf32>
    %add3A_953 = arith.addf %add3A_946, %mul3A_952 : vector<16xf32>
    %get3A_954 = arith.constant 11 : i32
    %get3A_955 = arith.index_cast %get3A_954 : i32 to index
    %get3A_956 = arith.constant 0 : index
    %get3A_957 = tpu.vector_load %arg7[%get3A_955, %get3A_956] {strides = array<i32>} : memref<12x128xf32, #tpu.memory_space<vmem>>, vector<1x16xf32>,
    %get3A_958 = vector.shape_cast %get3A_957 : vector<1x16xf32> to vector<16xf32>
    %mul3A_959 = arith.mulf %gather3A_874, %get3A_958 : vector<16xf32>
    %add3A_960 = arith.addf %add3A_953, %mul3A_959 : vector<16xf32>
    %swap3A_961 = arith.constant 1 : i32
    %swap3A_962 = arith.index_cast %swap3A_961 : i32 to index
    %swap3A_963 = arith.constant 0 : index
    %swap3A_964 = tpu.vector_load %arg8[%swap3A_962, %swap3A_963] {strides = array<i32>} : memref<2x128xf32, #tpu.memory_space<vmem>>, vector<1x16xf32>,
    %swap3A_965 = vector.shape_cast %swap3A_964 : vector<1x16xf32> to vector<16xf32>
    %swap3A_966 = vector.shape_cast %add3A_960 : vector<16xf32> to vector<1x16xf32>
    tpu.vector_store %arg8[%swap3A_962, %swap3A_963], %swap3A_966 {strides = array<i32>} : memref<2x128xf32, #tpu.memory_space<vmem>>, vector<1x16xf32>,
    %broadcast_in_dim3A_967 = arith.constant 0.000000e+00 : f32
    %broadcast_in_dim3A_968 = vector.broadcast %broadcast_in_dim3A_967 : f32 to vector<16xf32>
    %get3A_969 = arith.constant 0 : i32
    %get3A_970 = arith.index_cast %get3A_969 : i32 to index
    %get3A_971 = arith.constant 16 : index
    %get3A_972 = tpu.vector_load %arg7[%get3A_970, %get3A_971] {strides = array<i32>} : memref<12x128xf32, #tpu.memory_space<vmem>>, vector<1x16xf32>,
    %get3A_973 = vector.shape_cast %get3A_972 : vector<1x16xf32> to vector<16xf32>
    %mul3A_974 = arith.mulf %gather3A_819, %get3A_973 : vector<16xf32>
    %add3A_975 = arith.addf %broadcast_in_dim3A_968, %mul3A_974 : vector<16xf32>
    %get3A_976 = arith.constant 1 : i32
    %get3A_977 = arith.index_cast %get3A_976 : i32 to index
    %get3A_978 = arith.constant 16 : index
    %get3A_979 = tpu.vector_load %arg7[%get3A_977, %get3A_978] {strides = array<i32>} : memref<12x128xf32, #tpu.memory_space<vmem>>, vector<1x16xf32>,
    %get3A_980 = vector.shape_cast %get3A_979 : vector<1x16xf32> to vector<16xf32>
    %mul3A_981 = arith.mulf %gather3A_824, %get3A_980 : vector<16xf32>
    %add3A_982 = arith.addf %add3A_975, %mul3A_981 : vector<16xf32>
    %get3A_983 = arith.constant 2 : i32
    %get3A_984 = arith.index_cast %get3A_983 : i32 to index
    %get3A_985 = arith.constant 16 : index
    %get3A_986 = tpu.vector_load %arg7[%get3A_984, %get3A_985] {strides = array<i32>} : memref<12x128xf32, #tpu.memory_space<vmem>>, vector<1x16xf32>,
    %get3A_987 = vector.shape_cast %get3A_986 : vector<1x16xf32> to vector<16xf32>
    %mul3A_988 = arith.mulf %gather3A_829, %get3A_987 : vector<16xf32>
    %add3A_989 = arith.addf %add3A_982, %mul3A_988 : vector<16xf32>
    %get3A_990 = arith.constant 3 : i32
    %get3A_991 = arith.index_cast %get3A_990 : i32 to index
    %get3A_992 = arith.constant 16 : index
    %get3A_993 = tpu.vector_load %arg7[%get3A_991, %get3A_992] {strides = array<i32>} : memref<12x128xf32, #tpu.memory_space<vmem>>, vector<1x16xf32>,
    %get3A_994 = vector.shape_cast %get3A_993 : vector<1x16xf32> to vector<16xf32>
    %mul3A_995 = arith.mulf %gather3A_834, %get3A_994 : vector<16xf32>
    %add3A_996 = arith.addf %add3A_989, %mul3A_995 : vector<16xf32>
    %get3A_997 = arith.constant 4 : i32
    %get3A_998 = arith.index_cast %get3A_997 : i32 to index
    %get3A_999 = arith.constant 16 : index
    %get3A_1000 = tpu.vector_load %arg7[%get3A_998, %get3A_999] {strides = array<i32>} : memref<12x128xf32, #tpu.memory_space<vmem>>, vector<1x16xf32>,
    %get3A_1001 = vector.shape_cast %get3A_1000 : vector<1x16xf32> to vector<16xf32>
    %mul3A_1002 = arith.mulf %gather3A_839, %get3A_1001 : vector<16xf32>
    %add3A_1003 = arith.addf %add3A_996, %mul3A_1002 : vector<16xf32>
    %get3A_1004 = arith.constant 5 : i32
    %get3A_1005 = arith.index_cast %get3A_1004 : i32 to index
    %get3A_1006 = arith.constant 16 : index
    %get3A_1007 = tpu.vector_load %arg7[%get3A_1005, %get3A_1006] {strides = array<i32>} : memref<12x128xf32, #tpu.memory_space<vmem>>, vector<1x16xf32>,
    %get3A_1008 = vector.shape_cast %get3A_1007 : vector<1x16xf32> to vector<16xf32>
    %mul3A_1009 = arith.mulf %gather3A_844, %get3A_1008 : vector<16xf32>
    %add3A_1010 = arith.addf %add3A_1003, %mul3A_1009 : vector<16xf32>
    %get3A_1011 = arith.constant 6 : i32
    %get3A_1012 = arith.index_cast %get3A_1011 : i32 to index
    %get3A_1013 = arith.constant 16 : index
    %get3A_1014 = tpu.vector_load %arg7[%get3A_1012, %get3A_1013] {strides = array<i32>} : memref<12x128xf32, #tpu.memory_space<vmem>>, vector<1x16xf32>,
    %get3A_1015 = vector.shape_cast %get3A_1014 : vector<1x16xf32> to vector<16xf32>
    %mul3A_1016 = arith.mulf %gather3A_849, %get3A_1015 : vector<16xf32>
    %add3A_1017 = arith.addf %add3A_1010, %mul3A_1016 : vector<16xf32>
    %get3A_1018 = arith.constant 7 : i32
    %get3A_1019 = arith.index_cast %get3A_1018 : i32 to index
    %get3A_1020 = arith.constant 16 : index
    %get3A_1021 = tpu.vector_load %arg7[%get3A_1019, %get3A_1020] {strides = array<i32>} : memref<12x128xf32, #tpu.memory_space<vmem>>, vector<1x16xf32>,
    %get3A_1022 = vector.shape_cast %get3A_1021 : vector<1x16xf32> to vector<16xf32>
    %mul3A_1023 = arith.mulf %gather3A_854, %get3A_1022 : vector<16xf32>
    %add3A_1024 = arith.addf %add3A_1017, %mul3A_1023 : vector<16xf32>
    %get3A_1025 = arith.constant 8 : i32
    %get3A_1026 = arith.index_cast %get3A_1025 : i32 to index
    %get3A_1027 = arith.constant 16 : index
    %get3A_1028 = tpu.vector_load %arg7[%get3A_1026, %get3A_1027] {strides = array<i32>} : memref<12x128xf32, #tpu.memory_space<vmem>>, vector<1x16xf32>,
    %get3A_1029 = vector.shape_cast %get3A_1028 : vector<1x16xf32> to vector<16xf32>
    %mul3A_1030 = arith.mulf %gather3A_859, %get3A_1029 : vector<16xf32>
    %add3A_1031 = arith.addf %add3A_1024, %mul3A_1030 : vector<16xf32>
    %get3A_1032 = arith.constant 9 : i32
    %get3A_1033 = arith.index_cast %get3A_1032 : i32 to index
    %get3A_1034 = arith.constant 16 : index
    %get3A_1035 = tpu.vector_load %arg7[%get3A_1033, %get3A_1034] {strides = array<i32>} : memref<12x128xf32, #tpu.memory_space<vmem>>, vector<1x16xf32>,
    %get3A_1036 = vector.shape_cast %get3A_1035 : vector<1x16xf32> to vector<16xf32>
    %mul3A_1037 = arith.mulf %gather3A_864, %get3A_1036 : vector<16xf32>
    %add3A_1038 = arith.addf %add3A_1031, %mul3A_1037 : vector<16xf32>
    %get3A_1039 = arith.constant 10 : i32
    %get3A_1040 = arith.index_cast %get3A_1039 : i32 to index
    %get3A_1041 = arith.constant 16 : index
    %get3A_1042 = tpu.vector_load %arg7[%get3A_1040, %get3A_1041] {strides = array<i32>} : memref<12x128xf32, #tpu.memory_space<vmem>>, vector<1x16xf32>,
    %get3A_1043 = vector.shape_cast %get3A_1042 : vector<1x16xf32> to vector<16xf32>
    %mul3A_1044 = arith.mulf %gather3A_869, %get3A_1043 : vector<16xf32>
    %add3A_1045 = arith.addf %add3A_1038, %mul3A_1044 : vector<16xf32>
    %get3A_1046 = arith.constant 11 : i32
    %get3A_1047 = arith.index_cast %get3A_1046 : i32 to index
    %get3A_1048 = arith.constant 16 : index
    %get3A_1049 = tpu.vector_load %arg7[%get3A_1047, %get3A_1048] {strides = array<i32>} : memref<12x128xf32, #tpu.memory_space<vmem>>, vector<1x16xf32>,
    %get3A_1050 = vector.shape_cast %get3A_1049 : vector<1x16xf32> to vector<16xf32>
    %mul3A_1051 = arith.mulf %gather3A_874, %get3A_1050 : vector<16xf32>
    %add3A_1052 = arith.addf %add3A_1045, %mul3A_1051 : vector<16xf32>
    %swap3A_1053 = arith.constant 1 : i32
    %swap3A_1054 = arith.index_cast %swap3A_1053 : i32 to index
    %swap3A_1055 = arith.constant 16 : index
    %swap3A_1056 = tpu.vector_load %arg8[%swap3A_1054, %swap3A_1055] {strides = array<i32>} : memref<2x128xf32, #tpu.memory_space<vmem>>, vector<1x16xf32>,
    %swap3A_1057 = vector.shape_cast %swap3A_1056 : vector<1x16xf32> to vector<16xf32>
    %swap3A_1058 = vector.shape_cast %add3A_1052 : vector<16xf32> to vector<1x16xf32>
    tpu.vector_store %arg8[%swap3A_1054, %swap3A_1055], %swap3A_1058 {strides = array<i32>} : memref<2x128xf32, #tpu.memory_space<vmem>>, vector<1x16xf32>,
    %broadcast_in_dim3A_1059 = arith.constant 0.000000e+00 : f32
    %broadcast_in_dim3A_1060 = vector.broadcast %broadcast_in_dim3A_1059 : f32 to vector<16xf32>
    %get3A_1061 = arith.constant 0 : i32
    %get3A_1062 = arith.index_cast %get3A_1061 : i32 to index
    %get3A_1063 = arith.constant 32 : index
    %get3A_1064 = tpu.vector_load %arg7[%get3A_1062, %get3A_1063] {strides = array<i32>} : memref<12x128xf32, #tpu.memory_space<vmem>>, vector<1x16xf32>,
    %get3A_1065 = vector.shape_cast %get3A_1064 : vector<1x16xf32> to vector<16xf32>
    %mul3A_1066 = arith.mulf %gather3A_819, %get3A_1065 : vector<16xf32>
    %add3A_1067 = arith.addf %broadcast_in_dim3A_1060, %mul3A_1066 : vector<16xf32>
    %get3A_1068 = arith.constant 1 : i32
    %get3A_1069 = arith.index_cast %get3A_1068 : i32 to index
    %get3A_1070 = arith.constant 32 : index
    %get3A_1071 = tpu.vector_load %arg7[%get3A_1069, %get3A_1070] {strides = array<i32>} : memref<12x128xf32, #tpu.memory_space<vmem>>, vector<1x16xf32>,
    %get3A_1072 = vector.shape_cast %get3A_1071 : vector<1x16xf32> to vector<16xf32>
    %mul3A_1073 = arith.mulf %gather3A_824, %get3A_1072 : vector<16xf32>
    %add3A_1074 = arith.addf %add3A_1067, %mul3A_1073 : vector<16xf32>
    %get3A_1075 = arith.constant 2 : i32
    %get3A_1076 = arith.index_cast %get3A_1075 : i32 to index
    %get3A_1077 = arith.constant 32 : index
    %get3A_1078 = tpu.vector_load %arg7[%get3A_1076, %get3A_1077] {strides = array<i32>} : memref<12x128xf32, #tpu.memory_space<vmem>>, vector<1x16xf32>,
    %get3A_1079 = vector.shape_cast %get3A_1078 : vector<1x16xf32> to vector<16xf32>
    %mul3A_1080 = arith.mulf %gather3A_829, %get3A_1079 : vector<16xf32>
    %add3A_1081 = arith.addf %add3A_1074, %mul3A_1080 : vector<16xf32>
    %get3A_1082 = arith.constant 3 : i32
    %get3A_1083 = arith.index_cast %get3A_1082 : i32 to index
    %get3A_1084 = arith.constant 32 : index
    %get3A_1085 = tpu.vector_load %arg7[%get3A_1083, %get3A_1084] {strides = array<i32>} : memref<12x128xf32, #tpu.memory_space<vmem>>, vector<1x16xf32>,
    %get3A_1086 = vector.shape_cast %get3A_1085 : vector<1x16xf32> to vector<16xf32>
    %mul3A_1087 = arith.mulf %gather3A_834, %get3A_1086 : vector<16xf32>
    %add3A_1088 = arith.addf %add3A_1081, %mul3A_1087 : vector<16xf32>
    %get3A_1089 = arith.constant 4 : i32
    %get3A_1090 = arith.index_cast %get3A_1089 : i32 to index
    %get3A_1091 = arith.constant 32 : index
    %get3A_1092 = tpu.vector_load %arg7[%get3A_1090, %get3A_1091] {strides = array<i32>} : memref<12x128xf32, #tpu.memory_space<vmem>>, vector<1x16xf32>,
    %get3A_1093 = vector.shape_cast %get3A_1092 : vector<1x16xf32> to vector<16xf32>
    %mul3A_1094 = arith.mulf %gather3A_839, %get3A_1093 : vector<16xf32>
    %add3A_1095 = arith.addf %add3A_1088, %mul3A_1094 : vector<16xf32>
    %get3A_1096 = arith.constant 5 : i32
    %get3A_1097 = arith.index_cast %get3A_1096 : i32 to index
    %get3A_1098 = arith.constant 32 : index
    %get3A_1099 = tpu.vector_load %arg7[%get3A_1097, %get3A_1098] {strides = array<i32>} : memref<12x128xf32, #tpu.memory_space<vmem>>, vector<1x16xf32>,
    %get3A_1100 = vector.shape_cast %get3A_1099 : vector<1x16xf32> to vector<16xf32>
    %mul3A_1101 = arith.mulf %gather3A_844, %get3A_1100 : vector<16xf32>
    %add3A_1102 = arith.addf %add3A_1095, %mul3A_1101 : vector<16xf32>
    %get3A_1103 = arith.constant 6 : i32
    %get3A_1104 = arith.index_cast %get3A_1103 : i32 to index
    %get3A_1105 = arith.constant 32 : index
    %get3A_1106 = tpu.vector_load %arg7[%get3A_1104, %get3A_1105] {strides = array<i32>} : memref<12x128xf32, #tpu.memory_space<vmem>>, vector<1x16xf32>,
    %get3A_1107 = vector.shape_cast %get3A_1106 : vector<1x16xf32> to vector<16xf32>
    %mul3A_1108 = arith.mulf %gather3A_849, %get3A_1107 : vector<16xf32>
    %add3A_1109 = arith.addf %add3A_1102, %mul3A_1108 : vector<16xf32>
    %get3A_1110 = arith.constant 7 : i32
    %get3A_1111 = arith.index_cast %get3A_1110 : i32 to index
    %get3A_1112 = arith.constant 32 : index
    %get3A_1113 = tpu.vector_load %arg7[%get3A_1111, %get3A_1112] {strides = array<i32>} : memref<12x128xf32, #tpu.memory_space<vmem>>, vector<1x16xf32>,
    %get3A_1114 = vector.shape_cast %get3A_1113 : vector<1x16xf32> to vector<16xf32>
    %mul3A_1115 = arith.mulf %gather3A_854, %get3A_1114 : vector<16xf32>
    %add3A_1116 = arith.addf %add3A_1109, %mul3A_1115 : vector<16xf32>
    %get3A_1117 = arith.constant 8 : i32
    %get3A_1118 = arith.index_cast %get3A_1117 : i32 to index
    %get3A_1119 = arith.constant 32 : index
    %get3A_1120 = tpu.vector_load %arg7[%get3A_1118, %get3A_1119] {strides = array<i32>} : memref<12x128xf32, #tpu.memory_space<vmem>>, vector<1x16xf32>,
    %get3A_1121 = vector.shape_cast %get3A_1120 : vector<1x16xf32> to vector<16xf32>
    %mul3A_1122 = arith.mulf %gather3A_859, %get3A_1121 : vector<16xf32>
    %add3A_1123 = arith.addf %add3A_1116, %mul3A_1122 : vector<16xf32>
    %get3A_1124 = arith.constant 9 : i32
    %get3A_1125 = arith.index_cast %get3A_1124 : i32 to index
    %get3A_1126 = arith.constant 32 : index
    %get3A_1127 = tpu.vector_load %arg7[%get3A_1125, %get3A_1126] {strides = array<i32>} : memref<12x128xf32, #tpu.memory_space<vmem>>, vector<1x16xf32>,
    %get3A_1128 = vector.shape_cast %get3A_1127 : vector<1x16xf32> to vector<16xf32>
    %mul3A_1129 = arith.mulf %gather3A_864, %get3A_1128 : vector<16xf32>
    %add3A_1130 = arith.addf %add3A_1123, %mul3A_1129 : vector<16xf32>
    %get3A_1131 = arith.constant 10 : i32
    %get3A_1132 = arith.index_cast %get3A_1131 : i32 to index
    %get3A_1133 = arith.constant 32 : index
    %get3A_1134 = tpu.vector_load %arg7[%get3A_1132, %get3A_1133] {strides = array<i32>} : memref<12x128xf32, #tpu.memory_space<vmem>>, vector<1x16xf32>,
    %get3A_1135 = vector.shape_cast %get3A_1134 : vector<1x16xf32> to vector<16xf32>
    %mul3A_1136 = arith.mulf %gather3A_869, %get3A_1135 : vector<16xf32>
    %add3A_1137 = arith.addf %add3A_1130, %mul3A_1136 : vector<16xf32>
    %get3A_1138 = arith.constant 11 : i32
    %get3A_1139 = arith.index_cast %get3A_1138 : i32 to index
    %get3A_1140 = arith.constant 32 : index
    %get3A_1141 = tpu.vector_load %arg7[%get3A_1139, %get3A_1140] {strides = array<i32>} : memref<12x128xf32, #tpu.memory_space<vmem>>, vector<1x16xf32>,
    %get3A_1142 = vector.shape_cast %get3A_1141 : vector<1x16xf32> to vector<16xf32>
    %mul3A_1143 = arith.mulf %gather3A_874, %get3A_1142 : vector<16xf32>
    %add3A_1144 = arith.addf %add3A_1137, %mul3A_1143 : vector<16xf32>
    %swap3A_1145 = arith.constant 1 : i32
    %swap3A_1146 = arith.index_cast %swap3A_1145 : i32 to index
    %swap3A_1147 = arith.constant 32 : index
    %swap3A_1148 = tpu.vector_load %arg8[%swap3A_1146, %swap3A_1147] {strides = array<i32>} : memref<2x128xf32, #tpu.memory_space<vmem>>, vector<1x16xf32>,
    %swap3A_1149 = vector.shape_cast %swap3A_1148 : vector<1x16xf32> to vector<16xf32>
    %swap3A_1150 = vector.shape_cast %add3A_1144 : vector<16xf32> to vector<1x16xf32>
    tpu.vector_store %arg8[%swap3A_1146, %swap3A_1147], %swap3A_1150 {strides = array<i32>} : memref<2x128xf32, #tpu.memory_space<vmem>>, vector<1x16xf32>,
    %broadcast_in_dim3A_1151 = arith.constant 0.000000e+00 : f32
    %broadcast_in_dim3A_1152 = vector.broadcast %broadcast_in_dim3A_1151 : f32 to vector<16xf32>
    %get3A_1153 = arith.constant 0 : i32
    %get3A_1154 = arith.index_cast %get3A_1153 : i32 to index
    %get3A_1155 = arith.constant 48 : index
    %get3A_1156 = tpu.vector_load %arg7[%get3A_1154, %get3A_1155] {strides = array<i32>} : memref<12x128xf32, #tpu.memory_space<vmem>>, vector<1x16xf32>,
    %get3A_1157 = vector.shape_cast %get3A_1156 : vector<1x16xf32> to vector<16xf32>
    %mul3A_1158 = arith.mulf %gather3A_819, %get3A_1157 : vector<16xf32>
    %add3A_1159 = arith.addf %broadcast_in_dim3A_1152, %mul3A_1158 : vector<16xf32>
    %get3A_1160 = arith.constant 1 : i32
    %get3A_1161 = arith.index_cast %get3A_1160 : i32 to index
    %get3A_1162 = arith.constant 48 : index
    %get3A_1163 = tpu.vector_load %arg7[%get3A_1161, %get3A_1162] {strides = array<i32>} : memref<12x128xf32, #tpu.memory_space<vmem>>, vector<1x16xf32>,
    %get3A_1164 = vector.shape_cast %get3A_1163 : vector<1x16xf32> to vector<16xf32>
    %mul3A_1165 = arith.mulf %gather3A_824, %get3A_1164 : vector<16xf32>
    %add3A_1166 = arith.addf %add3A_1159, %mul3A_1165 : vector<16xf32>
    %get3A_1167 = arith.constant 2 : i32
    %get3A_1168 = arith.index_cast %get3A_1167 : i32 to index
    %get3A_1169 = arith.constant 48 : index
    %get3A_1170 = tpu.vector_load %arg7[%get3A_1168, %get3A_1169] {strides = array<i32>} : memref<12x128xf32, #tpu.memory_space<vmem>>, vector<1x16xf32>,
    %get3A_1171 = vector.shape_cast %get3A_1170 : vector<1x16xf32> to vector<16xf32>
    %mul3A_1172 = arith.mulf %gather3A_829, %get3A_1171 : vector<16xf32>
    %add3A_1173 = arith.addf %add3A_1166, %mul3A_1172 : vector<16xf32>
    %get3A_1174 = arith.constant 3 : i32
    %get3A_1175 = arith.index_cast %get3A_1174 : i32 to index
    %get3A_1176 = arith.constant 48 : index
    %get3A_1177 = tpu.vector_load %arg7[%get3A_1175, %get3A_1176] {strides = array<i32>} : memref<12x128xf32, #tpu.memory_space<vmem>>, vector<1x16xf32>,
    %get3A_1178 = vector.shape_cast %get3A_1177 : vector<1x16xf32> to vector<16xf32>
    %mul3A_1179 = arith.mulf %gather3A_834, %get3A_1178 : vector<16xf32>
    %add3A_1180 = arith.addf %add3A_1173, %mul3A_1179 : vector<16xf32>
    %get3A_1181 = arith.constant 4 : i32
    %get3A_1182 = arith.index_cast %get3A_1181 : i32 to index
    %get3A_1183 = arith.constant 48 : index
    %get3A_1184 = tpu.vector_load %arg7[%get3A_1182, %get3A_1183] {strides = array<i32>} : memref<12x128xf32, #tpu.memory_space<vmem>>, vector<1x16xf32>,
    %get3A_1185 = vector.shape_cast %get3A_1184 : vector<1x16xf32> to vector<16xf32>
    %mul3A_1186 = arith.mulf %gather3A_839, %get3A_1185 : vector<16xf32>
    %add3A_1187 = arith.addf %add3A_1180, %mul3A_1186 : vector<16xf32>
    %get3A_1188 = arith.constant 5 : i32
    %get3A_1189 = arith.index_cast %get3A_1188 : i32 to index
    %get3A_1190 = arith.constant 48 : index
    %get3A_1191 = tpu.vector_load %arg7[%get3A_1189, %get3A_1190] {strides = array<i32>} : memref<12x128xf32, #tpu.memory_space<vmem>>, vector<1x16xf32>,
    %get3A_1192 = vector.shape_cast %get3A_1191 : vector<1x16xf32> to vector<16xf32>
    %mul3A_1193 = arith.mulf %gather3A_844, %get3A_1192 : vector<16xf32>
    %add3A_1194 = arith.addf %add3A_1187, %mul3A_1193 : vector<16xf32>
    %get3A_1195 = arith.constant 6 : i32
    %get3A_1196 = arith.index_cast %get3A_1195 : i32 to index
    %get3A_1197 = arith.constant 48 : index
    %get3A_1198 = tpu.vector_load %arg7[%get3A_1196, %get3A_1197] {strides = array<i32>} : memref<12x128xf32, #tpu.memory_space<vmem>>, vector<1x16xf32>,
    %get3A_1199 = vector.shape_cast %get3A_1198 : vector<1x16xf32> to vector<16xf32>
    %mul3A_1200 = arith.mulf %gather3A_849, %get3A_1199 : vector<16xf32>
    %add3A_1201 = arith.addf %add3A_1194, %mul3A_1200 : vector<16xf32>
    %get3A_1202 = arith.constant 7 : i32
    %get3A_1203 = arith.index_cast %get3A_1202 : i32 to index
    %get3A_1204 = arith.constant 48 : index
    %get3A_1205 = tpu.vector_load %arg7[%get3A_1203, %get3A_1204] {strides = array<i32>} : memref<12x128xf32, #tpu.memory_space<vmem>>, vector<1x16xf32>,
    %get3A_1206 = vector.shape_cast %get3A_1205 : vector<1x16xf32> to vector<16xf32>
    %mul3A_1207 = arith.mulf %gather3A_854, %get3A_1206 : vector<16xf32>
    %add3A_1208 = arith.addf %add3A_1201, %mul3A_1207 : vector<16xf32>
    %get3A_1209 = arith.constant 8 : i32
    %get3A_1210 = arith.index_cast %get3A_1209 : i32 to index
    %get3A_1211 = arith.constant 48 : index
    %get3A_1212 = tpu.vector_load %arg7[%get3A_1210, %get3A_1211] {strides = array<i32>} : memref<12x128xf32, #tpu.memory_space<vmem>>, vector<1x16xf32>,
    %get3A_1213 = vector.shape_cast %get3A_1212 : vector<1x16xf32> to vector<16xf32>
    %mul3A_1214 = arith.mulf %gather3A_859, %get3A_1213 : vector<16xf32>
    %add3A_1215 = arith.addf %add3A_1208, %mul3A_1214 : vector<16xf32>
    %get3A_1216 = arith.constant 9 : i32
    %get3A_1217 = arith.index_cast %get3A_1216 : i32 to index
    %get3A_1218 = arith.constant 48 : index
    %get3A_1219 = tpu.vector_load %arg7[%get3A_1217, %get3A_1218] {strides = array<i32>} : memref<12x128xf32, #tpu.memory_space<vmem>>, vector<1x16xf32>,
    %get3A_1220 = vector.shape_cast %get3A_1219 : vector<1x16xf32> to vector<16xf32>
    %mul3A_1221 = arith.mulf %gather3A_864, %get3A_1220 : vector<16xf32>
    %add3A_1222 = arith.addf %add3A_1215, %mul3A_1221 : vector<16xf32>
    %get3A_1223 = arith.constant 10 : i32
    %get3A_1224 = arith.index_cast %get3A_1223 : i32 to index
    %get3A_1225 = arith.constant 48 : index
    %get3A_1226 = tpu.vector_load %arg7[%get3A_1224, %get3A_1225] {strides = array<i32>} : memref<12x128xf32, #tpu.memory_space<vmem>>, vector<1x16xf32>,
    %get3A_1227 = vector.shape_cast %get3A_1226 : vector<1x16xf32> to vector<16xf32>
    %mul3A_1228 = arith.mulf %gather3A_869, %get3A_1227 : vector<16xf32>
    %add3A_1229 = arith.addf %add3A_1222, %mul3A_1228 : vector<16xf32>
    %get3A_1230 = arith.constant 11 : i32
    %get3A_1231 = arith.index_cast %get3A_1230 : i32 to index
    %get3A_1232 = arith.constant 48 : index
    %get3A_1233 = tpu.vector_load %arg7[%get3A_1231, %get3A_1232] {strides = array<i32>} : memref<12x128xf32, #tpu.memory_space<vmem>>, vector<1x16xf32>,
    %get3A_1234 = vector.shape_cast %get3A_1233 : vector<1x16xf32> to vector<16xf32>
    %mul3A_1235 = arith.mulf %gather3A_874, %get3A_1234 : vector<16xf32>
    %add3A_1236 = arith.addf %add3A_1229, %mul3A_1235 : vector<16xf32>
    %swap3A_1237 = arith.constant 1 : i32
    %swap3A_1238 = arith.index_cast %swap3A_1237 : i32 to index
    %swap3A_1239 = arith.constant 48 : index
    %swap3A_1240 = tpu.vector_load %arg8[%swap3A_1238, %swap3A_1239] {strides = array<i32>} : memref<2x128xf32, #tpu.memory_space<vmem>>, vector<1x16xf32>,
    %swap3A_1241 = vector.shape_cast %swap3A_1240 : vector<1x16xf32> to vector<16xf32>
    %swap3A_1242 = vector.shape_cast %add3A_1236 : vector<16xf32> to vector<1x16xf32>
    tpu.vector_store %arg8[%swap3A_1238, %swap3A_1239], %swap3A_1242 {strides = array<i32>} : memref<2x128xf32, #tpu.memory_space<vmem>>, vector<1x16xf32>,
    %broadcast_in_dim3A_1243 = arith.constant 0.000000e+00 : f32
    %broadcast_in_dim3A_1244 = vector.broadcast %broadcast_in_dim3A_1243 : f32 to vector<16xf32>
    %get3A_1245 = arith.constant 0 : i32
    %get3A_1246 = arith.index_cast %get3A_1245 : i32 to index
    %get3A_1247 = arith.constant 64 : index
    %get3A_1248 = tpu.vector_load %arg7[%get3A_1246, %get3A_1247] {strides = array<i32>} : memref<12x128xf32, #tpu.memory_space<vmem>>, vector<1x16xf32>,
    %get3A_1249 = vector.shape_cast %get3A_1248 : vector<1x16xf32> to vector<16xf32>
    %mul3A_1250 = arith.mulf %gather3A_819, %get3A_1249 : vector<16xf32>
    %add3A_1251 = arith.addf %broadcast_in_dim3A_1244, %mul3A_1250 : vector<16xf32>
    %get3A_1252 = arith.constant 1 : i32
    %get3A_1253 = arith.index_cast %get3A_1252 : i32 to index
    %get3A_1254 = arith.constant 64 : index
    %get3A_1255 = tpu.vector_load %arg7[%get3A_1253, %get3A_1254] {strides = array<i32>} : memref<12x128xf32, #tpu.memory_space<vmem>>, vector<1x16xf32>,
    %get3A_1256 = vector.shape_cast %get3A_1255 : vector<1x16xf32> to vector<16xf32>
    %mul3A_1257 = arith.mulf %gather3A_824, %get3A_1256 : vector<16xf32>
    %add3A_1258 = arith.addf %add3A_1251, %mul3A_1257 : vector<16xf32>
    %get3A_1259 = arith.constant 2 : i32
    %get3A_1260 = arith.index_cast %get3A_1259 : i32 to index
    %get3A_1261 = arith.constant 64 : index
    %get3A_1262 = tpu.vector_load %arg7[%get3A_1260, %get3A_1261] {strides = array<i32>} : memref<12x128xf32, #tpu.memory_space<vmem>>, vector<1x16xf32>,
    %get3A_1263 = vector.shape_cast %get3A_1262 : vector<1x16xf32> to vector<16xf32>
    %mul3A_1264 = arith.mulf %gather3A_829, %get3A_1263 : vector<16xf32>
    %add3A_1265 = arith.addf %add3A_1258, %mul3A_1264 : vector<16xf32>
    %get3A_1266 = arith.constant 3 : i32
    %get3A_1267 = arith.index_cast %get3A_1266 : i32 to index
    %get3A_1268 = arith.constant 64 : index
    %get3A_1269 = tpu.vector_load %arg7[%get3A_1267, %get3A_1268] {strides = array<i32>} : memref<12x128xf32, #tpu.memory_space<vmem>>, vector<1x16xf32>,
    %get3A_1270 = vector.shape_cast %get3A_1269 : vector<1x16xf32> to vector<16xf32>
    %mul3A_1271 = arith.mulf %gather3A_834, %get3A_1270 : vector<16xf32>
    %add3A_1272 = arith.addf %add3A_1265, %mul3A_1271 : vector<16xf32>
    %get3A_1273 = arith.constant 4 : i32
    %get3A_1274 = arith.index_cast %get3A_1273 : i32 to index
    %get3A_1275 = arith.constant 64 : index
    %get3A_1276 = tpu.vector_load %arg7[%get3A_1274, %get3A_1275] {strides = array<i32>} : memref<12x128xf32, #tpu.memory_space<vmem>>, vector<1x16xf32>,
    %get3A_1277 = vector.shape_cast %get3A_1276 : vector<1x16xf32> to vector<16xf32>
    %mul3A_1278 = arith.mulf %gather3A_839, %get3A_1277 : vector<16xf32>
    %add3A_1279 = arith.addf %add3A_1272, %mul3A_1278 : vector<16xf32>
    %get3A_1280 = arith.constant 5 : i32
    %get3A_1281 = arith.index_cast %get3A_1280 : i32 to index
    %get3A_1282 = arith.constant 64 : index
    %get3A_1283 = tpu.vector_load %arg7[%get3A_1281, %get3A_1282] {strides = array<i32>} : memref<12x128xf32, #tpu.memory_space<vmem>>, vector<1x16xf32>,
    %get3A_1284 = vector.shape_cast %get3A_1283 : vector<1x16xf32> to vector<16xf32>
    %mul3A_1285 = arith.mulf %gather3A_844, %get3A_1284 : vector<16xf32>
    %add3A_1286 = arith.addf %add3A_1279, %mul3A_1285 : vector<16xf32>
    %get3A_1287 = arith.constant 6 : i32
    %get3A_1288 = arith.index_cast %get3A_1287 : i32 to index
    %get3A_1289 = arith.constant 64 : index
    %get3A_1290 = tpu.vector_load %arg7[%get3A_1288, %get3A_1289] {strides = array<i32>} : memref<12x128xf32, #tpu.memory_space<vmem>>, vector<1x16xf32>,
    %get3A_1291 = vector.shape_cast %get3A_1290 : vector<1x16xf32> to vector<16xf32>
    %mul3A_1292 = arith.mulf %gather3A_849, %get3A_1291 : vector<16xf32>
    %add3A_1293 = arith.addf %add3A_1286, %mul3A_1292 : vector<16xf32>
    %get3A_1294 = arith.constant 7 : i32
    %get3A_1295 = arith.index_cast %get3A_1294 : i32 to index
    %get3A_1296 = arith.constant 64 : index
    %get3A_1297 = tpu.vector_load %arg7[%get3A_1295, %get3A_1296] {strides = array<i32>} : memref<12x128xf32, #tpu.memory_space<vmem>>, vector<1x16xf32>,
    %get3A_1298 = vector.shape_cast %get3A_1297 : vector<1x16xf32> to vector<16xf32>
    %mul3A_1299 = arith.mulf %gather3A_854, %get3A_1298 : vector<16xf32>
    %add3A_1300 = arith.addf %add3A_1293, %mul3A_1299 : vector<16xf32>
    %get3A_1301 = arith.constant 8 : i32
    %get3A_1302 = arith.index_cast %get3A_1301 : i32 to index
    %get3A_1303 = arith.constant 64 : index
    %get3A_1304 = tpu.vector_load %arg7[%get3A_1302, %get3A_1303] {strides = array<i32>} : memref<12x128xf32, #tpu.memory_space<vmem>>, vector<1x16xf32>,
    %get3A_1305 = vector.shape_cast %get3A_1304 : vector<1x16xf32> to vector<16xf32>
    %mul3A_1306 = arith.mulf %gather3A_859, %get3A_1305 : vector<16xf32>
    %add3A_1307 = arith.addf %add3A_1300, %mul3A_1306 : vector<16xf32>
    %get3A_1308 = arith.constant 9 : i32
    %get3A_1309 = arith.index_cast %get3A_1308 : i32 to index
    %get3A_1310 = arith.constant 64 : index
    %get3A_1311 = tpu.vector_load %arg7[%get3A_1309, %get3A_1310] {strides = array<i32>} : memref<12x128xf32, #tpu.memory_space<vmem>>, vector<1x16xf32>,
    %get3A_1312 = vector.shape_cast %get3A_1311 : vector<1x16xf32> to vector<16xf32>
    %mul3A_1313 = arith.mulf %gather3A_864, %get3A_1312 : vector<16xf32>
    %add3A_1314 = arith.addf %add3A_1307, %mul3A_1313 : vector<16xf32>
    %get3A_1315 = arith.constant 10 : i32
    %get3A_1316 = arith.index_cast %get3A_1315 : i32 to index
    %get3A_1317 = arith.constant 64 : index
    %get3A_1318 = tpu.vector_load %arg7[%get3A_1316, %get3A_1317] {strides = array<i32>} : memref<12x128xf32, #tpu.memory_space<vmem>>, vector<1x16xf32>,
    %get3A_1319 = vector.shape_cast %get3A_1318 : vector<1x16xf32> to vector<16xf32>
    %mul3A_1320 = arith.mulf %gather3A_869, %get3A_1319 : vector<16xf32>
    %add3A_1321 = arith.addf %add3A_1314, %mul3A_1320 : vector<16xf32>
    %get3A_1322 = arith.constant 11 : i32
    %get3A_1323 = arith.index_cast %get3A_1322 : i32 to index
    %get3A_1324 = arith.constant 64 : index
    %get3A_1325 = tpu.vector_load %arg7[%get3A_1323, %get3A_1324] {strides = array<i32>} : memref<12x128xf32, #tpu.memory_space<vmem>>, vector<1x16xf32>,
    %get3A_1326 = vector.shape_cast %get3A_1325 : vector<1x16xf32> to vector<16xf32>
    %mul3A_1327 = arith.mulf %gather3A_874, %get3A_1326 : vector<16xf32>
    %add3A_1328 = arith.addf %add3A_1321, %mul3A_1327 : vector<16xf32>
    %swap3A_1329 = arith.constant 1 : i32
    %swap3A_1330 = arith.index_cast %swap3A_1329 : i32 to index
    %swap3A_1331 = arith.constant 64 : index
    %swap3A_1332 = tpu.vector_load %arg8[%swap3A_1330, %swap3A_1331] {strides = array<i32>} : memref<2x128xf32, #tpu.memory_space<vmem>>, vector<1x16xf32>,
    %swap3A_1333 = vector.shape_cast %swap3A_1332 : vector<1x16xf32> to vector<16xf32>
    %swap3A_1334 = vector.shape_cast %add3A_1328 : vector<16xf32> to vector<1x16xf32>
    tpu.vector_store %arg8[%swap3A_1330, %swap3A_1331], %swap3A_1334 {strides = array<i32>} : memref<2x128xf32, #tpu.memory_space<vmem>>, vector<1x16xf32>,
    %broadcast_in_dim3A_1335 = arith.constant 0.000000e+00 : f32
    %broadcast_in_dim3A_1336 = vector.broadcast %broadcast_in_dim3A_1335 : f32 to vector<16xf32>
    %get3A_1337 = arith.constant 0 : i32
    %get3A_1338 = arith.index_cast %get3A_1337 : i32 to index
    %get3A_1339 = arith.constant 80 : index
    %get3A_1340 = tpu.vector_load %arg7[%get3A_1338, %get3A_1339] {strides = array<i32>} : memref<12x128xf32, #tpu.memory_space<vmem>>, vector<1x16xf32>,
    %get3A_1341 = vector.shape_cast %get3A_1340 : vector<1x16xf32> to vector<16xf32>
    %mul3A_1342 = arith.mulf %gather3A_819, %get3A_1341 : vector<16xf32>
    %add3A_1343 = arith.addf %broadcast_in_dim3A_1336, %mul3A_1342 : vector<16xf32>
    %get3A_1344 = arith.constant 1 : i32
    %get3A_1345 = arith.index_cast %get3A_1344 : i32 to index
    %get3A_1346 = arith.constant 80 : index
    %get3A_1347 = tpu.vector_load %arg7[%get3A_1345, %get3A_1346] {strides = array<i32>} : memref<12x128xf32, #tpu.memory_space<vmem>>, vector<1x16xf32>,
    %get3A_1348 = vector.shape_cast %get3A_1347 : vector<1x16xf32> to vector<16xf32>
    %mul3A_1349 = arith.mulf %gather3A_824, %get3A_1348 : vector<16xf32>
    %add3A_1350 = arith.addf %add3A_1343, %mul3A_1349 : vector<16xf32>
    %get3A_1351 = arith.constant 2 : i32
    %get3A_1352 = arith.index_cast %get3A_1351 : i32 to index
    %get3A_1353 = arith.constant 80 : index
    %get3A_1354 = tpu.vector_load %arg7[%get3A_1352, %get3A_1353] {strides = array<i32>} : memref<12x128xf32, #tpu.memory_space<vmem>>, vector<1x16xf32>,
    %get3A_1355 = vector.shape_cast %get3A_1354 : vector<1x16xf32> to vector<16xf32>
    %mul3A_1356 = arith.mulf %gather3A_829, %get3A_1355 : vector<16xf32>
    %add3A_1357 = arith.addf %add3A_1350, %mul3A_1356 : vector<16xf32>
    %get3A_1358 = arith.constant 3 : i32
    %get3A_1359 = arith.index_cast %get3A_1358 : i32 to index
    %get3A_1360 = arith.constant 80 : index
    %get3A_1361 = tpu.vector_load %arg7[%get3A_1359, %get3A_1360] {strides = array<i32>} : memref<12x128xf32, #tpu.memory_space<vmem>>, vector<1x16xf32>,
    %get3A_1362 = vector.shape_cast %get3A_1361 : vector<1x16xf32> to vector<16xf32>
    %mul3A_1363 = arith.mulf %gather3A_834, %get3A_1362 : vector<16xf32>
    %add3A_1364 = arith.addf %add3A_1357, %mul3A_1363 : vector<16xf32>
    %get3A_1365 = arith.constant 4 : i32
    %get3A_1366 = arith.index_cast %get3A_1365 : i32 to index
    %get3A_1367 = arith.constant 80 : index
    %get3A_1368 = tpu.vector_load %arg7[%get3A_1366, %get3A_1367] {strides = array<i32>} : memref<12x128xf32, #tpu.memory_space<vmem>>, vector<1x16xf32>,
    %get3A_1369 = vector.shape_cast %get3A_1368 : vector<1x16xf32> to vector<16xf32>
    %mul3A_1370 = arith.mulf %gather3A_839, %get3A_1369 : vector<16xf32>
    %add3A_1371 = arith.addf %add3A_1364, %mul3A_1370 : vector<16xf32>
    %get3A_1372 = arith.constant 5 : i32
    %get3A_1373 = arith.index_cast %get3A_1372 : i32 to index
    %get3A_1374 = arith.constant 80 : index
    %get3A_1375 = tpu.vector_load %arg7[%get3A_1373, %get3A_1374] {strides = array<i32>} : memref<12x128xf32, #tpu.memory_space<vmem>>, vector<1x16xf32>,
    %get3A_1376 = vector.shape_cast %get3A_1375 : vector<1x16xf32> to vector<16xf32>
    %mul3A_1377 = arith.mulf %gather3A_844, %get3A_1376 : vector<16xf32>
    %add3A_1378 = arith.addf %add3A_1371, %mul3A_1377 : vector<16xf32>
    %get3A_1379 = arith.constant 6 : i32
    %get3A_1380 = arith.index_cast %get3A_1379 : i32 to index
    %get3A_1381 = arith.constant 80 : index
    %get3A_1382 = tpu.vector_load %arg7[%get3A_1380, %get3A_1381] {strides = array<i32>} : memref<12x128xf32, #tpu.memory_space<vmem>>, vector<1x16xf32>,
    %get3A_1383 = vector.shape_cast %get3A_1382 : vector<1x16xf32> to vector<16xf32>
    %mul3A_1384 = arith.mulf %gather3A_849, %get3A_1383 : vector<16xf32>
    %add3A_1385 = arith.addf %add3A_1378, %mul3A_1384 : vector<16xf32>
    %get3A_1386 = arith.constant 7 : i32
    %get3A_1387 = arith.index_cast %get3A_1386 : i32 to index
    %get3A_1388 = arith.constant 80 : index
    %get3A_1389 = tpu.vector_load %arg7[%get3A_1387, %get3A_1388] {strides = array<i32>} : memref<12x128xf32, #tpu.memory_space<vmem>>, vector<1x16xf32>,
    %get3A_1390 = vector.shape_cast %get3A_1389 : vector<1x16xf32> to vector<16xf32>
    %mul3A_1391 = arith.mulf %gather3A_854, %get3A_1390 : vector<16xf32>
    %add3A_1392 = arith.addf %add3A_1385, %mul3A_1391 : vector<16xf32>
    %get3A_1393 = arith.constant 8 : i32
    %get3A_1394 = arith.index_cast %get3A_1393 : i32 to index
    %get3A_1395 = arith.constant 80 : index
    %get3A_1396 = tpu.vector_load %arg7[%get3A_1394, %get3A_1395] {strides = array<i32>} : memref<12x128xf32, #tpu.memory_space<vmem>>, vector<1x16xf32>,
    %get3A_1397 = vector.shape_cast %get3A_1396 : vector<1x16xf32> to vector<16xf32>
    %mul3A_1398 = arith.mulf %gather3A_859, %get3A_1397 : vector<16xf32>
    %add3A_1399 = arith.addf %add3A_1392, %mul3A_1398 : vector<16xf32>
    %get3A_1400 = arith.constant 9 : i32
    %get3A_1401 = arith.index_cast %get3A_1400 : i32 to index
    %get3A_1402 = arith.constant 80 : index
    %get3A_1403 = tpu.vector_load %arg7[%get3A_1401, %get3A_1402] {strides = array<i32>} : memref<12x128xf32, #tpu.memory_space<vmem>>, vector<1x16xf32>,
    %get3A_1404 = vector.shape_cast %get3A_1403 : vector<1x16xf32> to vector<16xf32>
    %mul3A_1405 = arith.mulf %gather3A_864, %get3A_1404 : vector<16xf32>
    %add3A_1406 = arith.addf %add3A_1399, %mul3A_1405 : vector<16xf32>
    %get3A_1407 = arith.constant 10 : i32
    %get3A_1408 = arith.index_cast %get3A_1407 : i32 to index
    %get3A_1409 = arith.constant 80 : index
    %get3A_1410 = tpu.vector_load %arg7[%get3A_1408, %get3A_1409] {strides = array<i32>} : memref<12x128xf32, #tpu.memory_space<vmem>>, vector<1x16xf32>,
    %get3A_1411 = vector.shape_cast %get3A_1410 : vector<1x16xf32> to vector<16xf32>
    %mul3A_1412 = arith.mulf %gather3A_869, %get3A_1411 : vector<16xf32>
    %add3A_1413 = arith.addf %add3A_1406, %mul3A_1412 : vector<16xf32>
    %get3A_1414 = arith.constant 11 : i32
    %get3A_1415 = arith.index_cast %get3A_1414 : i32 to index
    %get3A_1416 = arith.constant 80 : index
    %get3A_1417 = tpu.vector_load %arg7[%get3A_1415, %get3A_1416] {strides = array<i32>} : memref<12x128xf32, #tpu.memory_space<vmem>>, vector<1x16xf32>,
    %get3A_1418 = vector.shape_cast %get3A_1417 : vector<1x16xf32> to vector<16xf32>
    %mul3A_1419 = arith.mulf %gather3A_874, %get3A_1418 : vector<16xf32>
    %add3A_1420 = arith.addf %add3A_1413, %mul3A_1419 : vector<16xf32>
    %swap3A_1421 = arith.constant 1 : i32
    %swap3A_1422 = arith.index_cast %swap3A_1421 : i32 to index
    %swap3A_1423 = arith.constant 80 : index
    %swap3A_1424 = tpu.vector_load %arg8[%swap3A_1422, %swap3A_1423] {strides = array<i32>} : memref<2x128xf32, #tpu.memory_space<vmem>>, vector<1x16xf32>,
    %swap3A_1425 = vector.shape_cast %swap3A_1424 : vector<1x16xf32> to vector<16xf32>
    %swap3A_1426 = vector.shape_cast %add3A_1420 : vector<16xf32> to vector<1x16xf32>
    tpu.vector_store %arg8[%swap3A_1422, %swap3A_1423], %swap3A_1426 {strides = array<i32>} : memref<2x128xf32, #tpu.memory_space<vmem>>, vector<1x16xf32>,
    %broadcast_in_dim3A_1427 = arith.constant 0.000000e+00 : f32
    %broadcast_in_dim3A_1428 = vector.broadcast %broadcast_in_dim3A_1427 : f32 to vector<16xf32>
    %get3A_1429 = arith.constant 0 : i32
    %get3A_1430 = arith.index_cast %get3A_1429 : i32 to index
    %get3A_1431 = arith.constant 96 : index
    %get3A_1432 = tpu.vector_load %arg7[%get3A_1430, %get3A_1431] {strides = array<i32>} : memref<12x128xf32, #tpu.memory_space<vmem>>, vector<1x16xf32>,
    %get3A_1433 = vector.shape_cast %get3A_1432 : vector<1x16xf32> to vector<16xf32>
    %mul3A_1434 = arith.mulf %gather3A_819, %get3A_1433 : vector<16xf32>
    %add3A_1435 = arith.addf %broadcast_in_dim3A_1428, %mul3A_1434 : vector<16xf32>
    %get3A_1436 = arith.constant 1 : i32
    %get3A_1437 = arith.index_cast %get3A_1436 : i32 to index
    %get3A_1438 = arith.constant 96 : index
    %get3A_1439 = tpu.vector_load %arg7[%get3A_1437, %get3A_1438] {strides = array<i32>} : memref<12x128xf32, #tpu.memory_space<vmem>>, vector<1x16xf32>,
    %get3A_1440 = vector.shape_cast %get3A_1439 : vector<1x16xf32> to vector<16xf32>
    %mul3A_1441 = arith.mulf %gather3A_824, %get3A_1440 : vector<16xf32>
    %add3A_1442 = arith.addf %add3A_1435, %mul3A_1441 : vector<16xf32>
    %get3A_1443 = arith.constant 2 : i32
    %get3A_1444 = arith.index_cast %get3A_1443 : i32 to index
    %get3A_1445 = arith.constant 96 : index
    %get3A_1446 = tpu.vector_load %arg7[%get3A_1444, %get3A_1445] {strides = array<i32>} : memref<12x128xf32, #tpu.memory_space<vmem>>, vector<1x16xf32>,
    %get3A_1447 = vector.shape_cast %get3A_1446 : vector<1x16xf32> to vector<16xf32>
    %mul3A_1448 = arith.mulf %gather3A_829, %get3A_1447 : vector<16xf32>
    %add3A_1449 = arith.addf %add3A_1442, %mul3A_1448 : vector<16xf32>
    %get3A_1450 = arith.constant 3 : i32
    %get3A_1451 = arith.index_cast %get3A_1450 : i32 to index
    %get3A_1452 = arith.constant 96 : index
    %get3A_1453 = tpu.vector_load %arg7[%get3A_1451, %get3A_1452] {strides = array<i32>} : memref<12x128xf32, #tpu.memory_space<vmem>>, vector<1x16xf32>,
    %get3A_1454 = vector.shape_cast %get3A_1453 : vector<1x16xf32> to vector<16xf32>
    %mul3A_1455 = arith.mulf %gather3A_834, %get3A_1454 : vector<16xf32>
    %add3A_1456 = arith.addf %add3A_1449, %mul3A_1455 : vector<16xf32>
    %get3A_1457 = arith.constant 4 : i32
    %get3A_1458 = arith.index_cast %get3A_1457 : i32 to index
    %get3A_1459 = arith.constant 96 : index
    %get3A_1460 = tpu.vector_load %arg7[%get3A_1458, %get3A_1459] {strides = array<i32>} : memref<12x128xf32, #tpu.memory_space<vmem>>, vector<1x16xf32>,
    %get3A_1461 = vector.shape_cast %get3A_1460 : vector<1x16xf32> to vector<16xf32>
    %mul3A_1462 = arith.mulf %gather3A_839, %get3A_1461 : vector<16xf32>
    %add3A_1463 = arith.addf %add3A_1456, %mul3A_1462 : vector<16xf32>
    %get3A_1464 = arith.constant 5 : i32
    %get3A_1465 = arith.index_cast %get3A_1464 : i32 to index
    %get3A_1466 = arith.constant 96 : index
    %get3A_1467 = tpu.vector_load %arg7[%get3A_1465, %get3A_1466] {strides = array<i32>} : memref<12x128xf32, #tpu.memory_space<vmem>>, vector<1x16xf32>,
    %get3A_1468 = vector.shape_cast %get3A_1467 : vector<1x16xf32> to vector<16xf32>
    %mul3A_1469 = arith.mulf %gather3A_844, %get3A_1468 : vector<16xf32>
    %add3A_1470 = arith.addf %add3A_1463, %mul3A_1469 : vector<16xf32>
    %get3A_1471 = arith.constant 6 : i32
    %get3A_1472 = arith.index_cast %get3A_1471 : i32 to index
    %get3A_1473 = arith.constant 96 : index
    %get3A_1474 = tpu.vector_load %arg7[%get3A_1472, %get3A_1473] {strides = array<i32>} : memref<12x128xf32, #tpu.memory_space<vmem>>, vector<1x16xf32>,
    %get3A_1475 = vector.shape_cast %get3A_1474 : vector<1x16xf32> to vector<16xf32>
    %mul3A_1476 = arith.mulf %gather3A_849, %get3A_1475 : vector<16xf32>
    %add3A_1477 = arith.addf %add3A_1470, %mul3A_1476 : vector<16xf32>
    %get3A_1478 = arith.constant 7 : i32
    %get3A_1479 = arith.index_cast %get3A_1478 : i32 to index
    %get3A_1480 = arith.constant 96 : index
    %get3A_1481 = tpu.vector_load %arg7[%get3A_1479, %get3A_1480] {strides = array<i32>} : memref<12x128xf32, #tpu.memory_space<vmem>>, vector<1x16xf32>,
    %get3A_1482 = vector.shape_cast %get3A_1481 : vector<1x16xf32> to vector<16xf32>
    %mul3A_1483 = arith.mulf %gather3A_854, %get3A_1482 : vector<16xf32>
    %add3A_1484 = arith.addf %add3A_1477, %mul3A_1483 : vector<16xf32>
    %get3A_1485 = arith.constant 8 : i32
    %get3A_1486 = arith.index_cast %get3A_1485 : i32 to index
    %get3A_1487 = arith.constant 96 : index
    %get3A_1488 = tpu.vector_load %arg7[%get3A_1486, %get3A_1487] {strides = array<i32>} : memref<12x128xf32, #tpu.memory_space<vmem>>, vector<1x16xf32>,
    %get3A_1489 = vector.shape_cast %get3A_1488 : vector<1x16xf32> to vector<16xf32>
    %mul3A_1490 = arith.mulf %gather3A_859, %get3A_1489 : vector<16xf32>
    %add3A_1491 = arith.addf %add3A_1484, %mul3A_1490 : vector<16xf32>
    %get3A_1492 = arith.constant 9 : i32
    %get3A_1493 = arith.index_cast %get3A_1492 : i32 to index
    %get3A_1494 = arith.constant 96 : index
    %get3A_1495 = tpu.vector_load %arg7[%get3A_1493, %get3A_1494] {strides = array<i32>} : memref<12x128xf32, #tpu.memory_space<vmem>>, vector<1x16xf32>,
    %get3A_1496 = vector.shape_cast %get3A_1495 : vector<1x16xf32> to vector<16xf32>
    %mul3A_1497 = arith.mulf %gather3A_864, %get3A_1496 : vector<16xf32>
    %add3A_1498 = arith.addf %add3A_1491, %mul3A_1497 : vector<16xf32>
    %get3A_1499 = arith.constant 10 : i32
    %get3A_1500 = arith.index_cast %get3A_1499 : i32 to index
    %get3A_1501 = arith.constant 96 : index
    %get3A_1502 = tpu.vector_load %arg7[%get3A_1500, %get3A_1501] {strides = array<i32>} : memref<12x128xf32, #tpu.memory_space<vmem>>, vector<1x16xf32>,
    %get3A_1503 = vector.shape_cast %get3A_1502 : vector<1x16xf32> to vector<16xf32>
    %mul3A_1504 = arith.mulf %gather3A_869, %get3A_1503 : vector<16xf32>
    %add3A_1505 = arith.addf %add3A_1498, %mul3A_1504 : vector<16xf32>
    %get3A_1506 = arith.constant 11 : i32
    %get3A_1507 = arith.index_cast %get3A_1506 : i32 to index
    %get3A_1508 = arith.constant 96 : index
    %get3A_1509 = tpu.vector_load %arg7[%get3A_1507, %get3A_1508] {strides = array<i32>} : memref<12x128xf32, #tpu.memory_space<vmem>>, vector<1x16xf32>,
    %get3A_1510 = vector.shape_cast %get3A_1509 : vector<1x16xf32> to vector<16xf32>
    %mul3A_1511 = arith.mulf %gather3A_874, %get3A_1510 : vector<16xf32>
    %add3A_1512 = arith.addf %add3A_1505, %mul3A_1511 : vector<16xf32>
    %swap3A_1513 = arith.constant 1 : i32
    %swap3A_1514 = arith.index_cast %swap3A_1513 : i32 to index
    %swap3A_1515 = arith.constant 96 : index
    %swap3A_1516 = tpu.vector_load %arg8[%swap3A_1514, %swap3A_1515] {strides = array<i32>} : memref<2x128xf32, #tpu.memory_space<vmem>>, vector<1x16xf32>,
    %swap3A_1517 = vector.shape_cast %swap3A_1516 : vector<1x16xf32> to vector<16xf32>
    %swap3A_1518 = vector.shape_cast %add3A_1512 : vector<16xf32> to vector<1x16xf32>
    tpu.vector_store %arg8[%swap3A_1514, %swap3A_1515], %swap3A_1518 {strides = array<i32>} : memref<2x128xf32, #tpu.memory_space<vmem>>, vector<1x16xf32>,
    %broadcast_in_dim3A_1519 = arith.constant 0.000000e+00 : f32
    %broadcast_in_dim3A_1520 = vector.broadcast %broadcast_in_dim3A_1519 : f32 to vector<16xf32>
    %get3A_1521 = arith.constant 0 : i32
    %get3A_1522 = arith.index_cast %get3A_1521 : i32 to index
    %get3A_1523 = arith.constant 112 : index
    %get3A_1524 = tpu.vector_load %arg7[%get3A_1522, %get3A_1523] {strides = array<i32>} : memref<12x128xf32, #tpu.memory_space<vmem>>, vector<1x16xf32>,
    %get3A_1525 = vector.shape_cast %get3A_1524 : vector<1x16xf32> to vector<16xf32>
    %mul3A_1526 = arith.mulf %gather3A_819, %get3A_1525 : vector<16xf32>
    %add3A_1527 = arith.addf %broadcast_in_dim3A_1520, %mul3A_1526 : vector<16xf32>
    %get3A_1528 = arith.constant 1 : i32
    %get3A_1529 = arith.index_cast %get3A_1528 : i32 to index
    %get3A_1530 = arith.constant 112 : index
    %get3A_1531 = tpu.vector_load %arg7[%get3A_1529, %get3A_1530] {strides = array<i32>} : memref<12x128xf32, #tpu.memory_space<vmem>>, vector<1x16xf32>,
    %get3A_1532 = vector.shape_cast %get3A_1531 : vector<1x16xf32> to vector<16xf32>
    %mul3A_1533 = arith.mulf %gather3A_824, %get3A_1532 : vector<16xf32>
    %add3A_1534 = arith.addf %add3A_1527, %mul3A_1533 : vector<16xf32>
    %get3A_1535 = arith.constant 2 : i32
    %get3A_1536 = arith.index_cast %get3A_1535 : i32 to index
    %get3A_1537 = arith.constant 112 : index
    %get3A_1538 = tpu.vector_load %arg7[%get3A_1536, %get3A_1537] {strides = array<i32>} : memref<12x128xf32, #tpu.memory_space<vmem>>, vector<1x16xf32>,
    %get3A_1539 = vector.shape_cast %get3A_1538 : vector<1x16xf32> to vector<16xf32>
    %mul3A_1540 = arith.mulf %gather3A_829, %get3A_1539 : vector<16xf32>
    %add3A_1541 = arith.addf %add3A_1534, %mul3A_1540 : vector<16xf32>
    %get3A_1542 = arith.constant 3 : i32
    %get3A_1543 = arith.index_cast %get3A_1542 : i32 to index
    %get3A_1544 = arith.constant 112 : index
    %get3A_1545 = tpu.vector_load %arg7[%get3A_1543, %get3A_1544] {strides = array<i32>} : memref<12x128xf32, #tpu.memory_space<vmem>>, vector<1x16xf32>,
    %get3A_1546 = vector.shape_cast %get3A_1545 : vector<1x16xf32> to vector<16xf32>
    %mul3A_1547 = arith.mulf %gather3A_834, %get3A_1546 : vector<16xf32>
    %add3A_1548 = arith.addf %add3A_1541, %mul3A_1547 : vector<16xf32>
    %get3A_1549 = arith.constant 4 : i32
    %get3A_1550 = arith.index_cast %get3A_1549 : i32 to index
    %get3A_1551 = arith.constant 112 : index
    %get3A_1552 = tpu.vector_load %arg7[%get3A_1550, %get3A_1551] {strides = array<i32>} : memref<12x128xf32, #tpu.memory_space<vmem>>, vector<1x16xf32>,
    %get3A_1553 = vector.shape_cast %get3A_1552 : vector<1x16xf32> to vector<16xf32>
    %mul3A_1554 = arith.mulf %gather3A_839, %get3A_1553 : vector<16xf32>
    %add3A_1555 = arith.addf %add3A_1548, %mul3A_1554 : vector<16xf32>
    %get3A_1556 = arith.constant 5 : i32
    %get3A_1557 = arith.index_cast %get3A_1556 : i32 to index
    %get3A_1558 = arith.constant 112 : index
    %get3A_1559 = tpu.vector_load %arg7[%get3A_1557, %get3A_1558] {strides = array<i32>} : memref<12x128xf32, #tpu.memory_space<vmem>>, vector<1x16xf32>,
    %get3A_1560 = vector.shape_cast %get3A_1559 : vector<1x16xf32> to vector<16xf32>
    %mul3A_1561 = arith.mulf %gather3A_844, %get3A_1560 : vector<16xf32>
    %add3A_1562 = arith.addf %add3A_1555, %mul3A_1561 : vector<16xf32>
    %get3A_1563 = arith.constant 6 : i32
    %get3A_1564 = arith.index_cast %get3A_1563 : i32 to index
    %get3A_1565 = arith.constant 112 : index
    %get3A_1566 = tpu.vector_load %arg7[%get3A_1564, %get3A_1565] {strides = array<i32>} : memref<12x128xf32, #tpu.memory_space<vmem>>, vector<1x16xf32>,
    %get3A_1567 = vector.shape_cast %get3A_1566 : vector<1x16xf32> to vector<16xf32>
    %mul3A_1568 = arith.mulf %gather3A_849, %get3A_1567 : vector<16xf32>
    %add3A_1569 = arith.addf %add3A_1562, %mul3A_1568 : vector<16xf32>
    %get3A_1570 = arith.constant 7 : i32
    %get3A_1571 = arith.index_cast %get3A_1570 : i32 to index
    %get3A_1572 = arith.constant 112 : index
    %get3A_1573 = tpu.vector_load %arg7[%get3A_1571, %get3A_1572] {strides = array<i32>} : memref<12x128xf32, #tpu.memory_space<vmem>>, vector<1x16xf32>,
    %get3A_1574 = vector.shape_cast %get3A_1573 : vector<1x16xf32> to vector<16xf32>
    %mul3A_1575 = arith.mulf %gather3A_854, %get3A_1574 : vector<16xf32>
    %add3A_1576 = arith.addf %add3A_1569, %mul3A_1575 : vector<16xf32>
    %get3A_1577 = arith.constant 8 : i32
    %get3A_1578 = arith.index_cast %get3A_1577 : i32 to index
    %get3A_1579 = arith.constant 112 : index
    %get3A_1580 = tpu.vector_load %arg7[%get3A_1578, %get3A_1579] {strides = array<i32>} : memref<12x128xf32, #tpu.memory_space<vmem>>, vector<1x16xf32>,
    %get3A_1581 = vector.shape_cast %get3A_1580 : vector<1x16xf32> to vector<16xf32>
    %mul3A_1582 = arith.mulf %gather3A_859, %get3A_1581 : vector<16xf32>
    %add3A_1583 = arith.addf %add3A_1576, %mul3A_1582 : vector<16xf32>
    %get3A_1584 = arith.constant 9 : i32
    %get3A_1585 = arith.index_cast %get3A_1584 : i32 to index
    %get3A_1586 = arith.constant 112 : index
    %get3A_1587 = tpu.vector_load %arg7[%get3A_1585, %get3A_1586] {strides = array<i32>} : memref<12x128xf32, #tpu.memory_space<vmem>>, vector<1x16xf32>,
    %get3A_1588 = vector.shape_cast %get3A_1587 : vector<1x16xf32> to vector<16xf32>
    %mul3A_1589 = arith.mulf %gather3A_864, %get3A_1588 : vector<16xf32>
    %add3A_1590 = arith.addf %add3A_1583, %mul3A_1589 : vector<16xf32>
    %get3A_1591 = arith.constant 10 : i32
    %get3A_1592 = arith.index_cast %get3A_1591 : i32 to index
    %get3A_1593 = arith.constant 112 : index
    %get3A_1594 = tpu.vector_load %arg7[%get3A_1592, %get3A_1593] {strides = array<i32>} : memref<12x128xf32, #tpu.memory_space<vmem>>, vector<1x16xf32>,
    %get3A_1595 = vector.shape_cast %get3A_1594 : vector<1x16xf32> to vector<16xf32>
    %mul3A_1596 = arith.mulf %gather3A_869, %get3A_1595 : vector<16xf32>
    %add3A_1597 = arith.addf %add3A_1590, %mul3A_1596 : vector<16xf32>
    %get3A_1598 = arith.constant 11 : i32
    %get3A_1599 = arith.index_cast %get3A_1598 : i32 to index
    %get3A_1600 = arith.constant 112 : index
    %get3A_1601 = tpu.vector_load %arg7[%get3A_1599, %get3A_1600] {strides = array<i32>} : memref<12x128xf32, #tpu.memory_space<vmem>>, vector<1x16xf32>,
    %get3A_1602 = vector.shape_cast %get3A_1601 : vector<1x16xf32> to vector<16xf32>
    %mul3A_1603 = arith.mulf %gather3A_874, %get3A_1602 : vector<16xf32>
    %add3A_1604 = arith.addf %add3A_1597, %mul3A_1603 : vector<16xf32>
    %swap3A_1605 = arith.constant 1 : i32
    %swap3A_1606 = arith.index_cast %swap3A_1605 : i32 to index
    %swap3A_1607 = arith.constant 112 : index
    %swap3A_1608 = tpu.vector_load %arg8[%swap3A_1606, %swap3A_1607] {strides = array<i32>} : memref<2x128xf32, #tpu.memory_space<vmem>>, vector<1x16xf32>,
    %swap3A_1609 = vector.shape_cast %swap3A_1608 : vector<1x16xf32> to vector<16xf32>
    %swap3A_1610 = vector.shape_cast %add3A_1604 : vector<16xf32> to vector<1x16xf32>
    tpu.vector_store %arg8[%swap3A_1606, %swap3A_1607], %swap3A_1610 {strides = array<i32>} : memref<2x128xf32, #tpu.memory_space<vmem>>, vector<1x16xf32>,
    "tpu.region"() ({
      %run_scoped3A = tpu.sem_alloc : memref<!tpu.dma_semaphore, #tpu.memory_space<semaphore_mem>>
      %dma_start3A_1763 = arith.constant 0 : i32
      %dma_start3A_1764 = tpu.memref_slice %arg14[%mul3A_7, %dma_start3A_1763] : memref<32x128xf32, #tpu.memory_space<vmem_shared>> -> memref<2x128xf32, #tpu.memory_space<vmem_shared>>
      %dma_start3A_1765 = arith.constant 0 : i32
      %dma_start3A_1766 = tpu.memref_slice %arg14[%mul3A_7, %dma_start3A_1765] : memref<32x128xf32, #tpu.memory_space<vmem_shared>> -> memref<2x128xf32, #tpu.memory_space<vmem_shared>>
      tpu.enqueue_dma source(%arg8 : memref<2x128xf32, #tpu.memory_space<vmem>>) target(%dma_start3A_1766 : memref<2x128xf32, #tpu.memory_space<vmem_shared>>) target_semaphore(%run_scoped3A : memref<!tpu.dma_semaphore, #tpu.memory_space<semaphore_mem>>)
      %dma_wait3A_1767 = arith.constant 0 : i32
      %dma_wait3A_1768 = tpu.memref_slice %arg14[%mul3A_7, %dma_wait3A_1767] : memref<32x128xf32, #tpu.memory_space<vmem_shared>> -> memref<2x128xf32, #tpu.memory_space<vmem_shared>>
      %dma_wait3A_1769 = arith.constant 0 : i32
      %dma_wait3A_1770 = tpu.memref_slice %arg14[%mul3A_7, %dma_wait3A_1769] : memref<32x128xf32, #tpu.memory_space<vmem_shared>> -> memref<2x128xf32, #tpu.memory_space<vmem_shared>>
      tpu.wait_dma2 semaphore(%run_scoped3A : memref<!tpu.dma_semaphore, #tpu.memory_space<semaphore_mem>>) src(%arg8 : memref<2x128xf32, #tpu.memory_space<vmem>>) dst(%dma_wait3A_1770 : memref<2x128xf32, #tpu.memory_space<vmem_shared>>)
      tpu.yield
    }) : () -> ()
    %barrier3A = arith.constant 0 : index
    tpu.barrier barrier_id(%barrier3A)
    %dma_wait3A = arith.constant 0 : i32
    %dma_wait3A_1611 = tpu.memref_slice %arg2[%dma_wait3A, %mul3A_2] : memref<50x4096xi32, #tpu.memory_space<hbm>> -> memref<50x128xi32, #tpu.memory_space<hbm>>
    %dma_wait3A_1612 = arith.constant 0 : i32
    %dma_wait3A_1613 = tpu.memref_slice %arg2[%dma_wait3A_1612, %mul3A_2] : memref<50x4096xi32, #tpu.memory_space<hbm>> -> memref<50x128xi32, #tpu.memory_space<hbm>>
    tpu.wait_dma2 semaphore(%arg23 : memref<!tpu.dma_semaphore, #tpu.memory_space<semaphore_mem>>) src(%dma_wait3A_1613 : memref<50x128xi32, #tpu.memory_space<hbm>>) dst(%arg9 : memref<50x128xi32, #tpu.memory_space<vmem>>)
    %dma_start3A_1614 = arith.constant 0 : i32
    %dma_start3A_1615 = arith.constant 0 : i32
    %dma_start3A_1616 = tpu.memref_slice %arg9[%dma_start3A_1614, %dma_start3A_1615] : memref<50x128xi32, #tpu.memory_space<vmem>> -> memref<1x128xi32, #tpu.memory_space<vmem>>
    %dma_start3A_1617 = tpu.memref_squeeze %dma_start3A_1616 : memref<1x128xi32, #tpu.memory_space<vmem>> -> memref<128xi32, #tpu.memory_space<vmem>>
    %dma_start3A_1618 = arith.constant 0 : i32
    %dma_start3A_1619 = arith.constant 0 : i32
    %dma_start3A_1620 = tpu.memref_slice %arg14[%dma_start3A_1618, %dma_start3A_1619] : memref<32x128xf32, #tpu.memory_space<vmem_shared>> -> memref<32x128xf32, #tpu.memory_space<vmem_shared>>
    tpu.enqueue_indirect_dma source(%dma_start3A_1620 : memref<32x128xf32, #tpu.memory_space<vmem_shared>>) target(%arg10 : memref<128x128xf32, #tpu.memory_space<vmem>>) offsets(%dma_start3A_1617 : memref<128xi32, #tpu.memory_space<vmem>>) semaphore(%arg15 : memref<!tpu.dma_semaphore, #tpu.memory_space<semaphore_mem>>)
    %dma_start3A_1621 = arith.constant 1 : i32
    %dma_start3A_1622 = arith.constant 0 : i32
    %dma_start3A_1623 = tpu.memref_slice %arg9[%dma_start3A_1621, %dma_start3A_1622] : memref<50x128xi32, #tpu.memory_space<vmem>> -> memref<1x128xi32, #tpu.memory_space<vmem>>
    %dma_start3A_1624 = tpu.memref_squeeze %dma_start3A_1623 : memref<1x128xi32, #tpu.memory_space<vmem>> -> memref<128xi32, #tpu.memory_space<vmem>>
    %dma_start3A_1625 = arith.constant 0 : i32
    %dma_start3A_1626 = arith.constant 0 : i32
    %dma_start3A_1627 = tpu.memref_slice %arg14[%dma_start3A_1625, %dma_start3A_1626] : memref<32x128xf32, #tpu.memory_space<vmem_shared>> -> memref<32x128xf32, #tpu.memory_space<vmem_shared>>
    tpu.enqueue_indirect_dma source(%dma_start3A_1627 : memref<32x128xf32, #tpu.memory_space<vmem_shared>>) target(%arg11 : memref<128x128xf32, #tpu.memory_space<vmem>>) offsets(%dma_start3A_1624 : memref<128xi32, #tpu.memory_space<vmem>>) semaphore(%arg16 : memref<!tpu.dma_semaphore, #tpu.memory_space<semaphore_mem>>)
    %dma_wait3A_1628 = arith.constant 0 : i32
    %dma_wait3A_1629 = arith.constant 0 : i32
    %dma_wait3A_1630 = tpu.memref_slice %arg9[%dma_wait3A_1628, %dma_wait3A_1629] : memref<50x128xi32, #tpu.memory_space<vmem>> -> memref<1x128xi32, #tpu.memory_space<vmem>>
    %dma_wait3A_1631 = tpu.memref_squeeze %dma_wait3A_1630 : memref<1x128xi32, #tpu.memory_space<vmem>> -> memref<128xi32, #tpu.memory_space<vmem>>
    %dma_wait3A_1632 = arith.constant 0 : i32
    %dma_wait3A_1633 = arith.constant 0 : i32
    %dma_wait3A_1634 = tpu.memref_slice %arg14[%dma_wait3A_1632, %dma_wait3A_1633] : memref<32x128xf32, #tpu.memory_space<vmem_shared>> -> memref<32x128xf32, #tpu.memory_space<vmem_shared>>
    tpu.wait_indirect_dma semaphore(%arg15 : memref<!tpu.dma_semaphore, #tpu.memory_space<semaphore_mem>>) src(%dma_wait3A_1634 : memref<32x128xf32, #tpu.memory_space<vmem_shared>>) dst(%arg10 : memref<128x128xf32, #tpu.memory_space<vmem>>)
    %add3A_1635 = arith.constant 0 : i32
    %add3A_1636 = arith.addi %add3A_1635, %mul3A_2 : i32
    %dma_start3A_1637 = arith.constant 0 : i32
    %dma_start3A_1638 = tpu.memref_slice %arg5[%add3A_1636, %dma_start3A_1637] : memref<204800x128xf32, #tpu.memory_space<hbm>> -> memref<128x128xf32, #tpu.memory_space<hbm>>
    %dma_start3A_1639 = arith.constant 0 : i32
    %dma_start3A_1640 = tpu.memref_slice %arg5[%add3A_1636, %dma_start3A_1639] : memref<204800x128xf32, #tpu.memory_space<hbm>> -> memref<128x128xf32, #tpu.memory_space<hbm>>
    tpu.enqueue_dma source(%arg10 : memref<128x128xf32, #tpu.memory_space<vmem>>) target(%dma_start3A_1640 : memref<128x128xf32, #tpu.memory_space<hbm>>) target_semaphore(%arg19 : memref<!tpu.dma_semaphore, #tpu.memory_space<semaphore_mem>>)
    %dma_start3A_1641 = arith.constant 2 : i32
    %dma_start3A_1642 = arith.constant 0 : i32
    %dma_start3A_1643 = tpu.memref_slice %arg9[%dma_start3A_1641, %dma_start3A_1642] : memref<50x128xi32, #tpu.memory_space<vmem>> -> memref<1x128xi32, #tpu.memory_space<vmem>>
    %dma_start3A_1644 = tpu.memref_squeeze %dma_start3A_1643 : memref<1x128xi32, #tpu.memory_space<vmem>> -> memref<128xi32, #tpu.memory_space<vmem>>
    %dma_start3A_1645 = arith.constant 0 : i32
    %dma_start3A_1646 = arith.constant 0 : i32
    %dma_start3A_1647 = tpu.memref_slice %arg14[%dma_start3A_1645, %dma_start3A_1646] : memref<32x128xf32, #tpu.memory_space<vmem_shared>> -> memref<32x128xf32, #tpu.memory_space<vmem_shared>>
    tpu.enqueue_indirect_dma source(%dma_start3A_1647 : memref<32x128xf32, #tpu.memory_space<vmem_shared>>) target(%arg12 : memref<128x128xf32, #tpu.memory_space<vmem>>) offsets(%dma_start3A_1644 : memref<128xi32, #tpu.memory_space<vmem>>) semaphore(%arg17 : memref<!tpu.dma_semaphore, #tpu.memory_space<semaphore_mem>>)
    %dma_wait3A_1648 = arith.constant 0 : i32
    %dma_wait3A_1649 = arith.constant 0 : i32
    %dma_wait3A_1650 = tpu.memref_slice %arg9[%dma_wait3A_1648, %dma_wait3A_1649] : memref<50x128xi32, #tpu.memory_space<vmem>> -> memref<1x128xi32, #tpu.memory_space<vmem>>
    %dma_wait3A_1651 = tpu.memref_squeeze %dma_wait3A_1650 : memref<1x128xi32, #tpu.memory_space<vmem>> -> memref<128xi32, #tpu.memory_space<vmem>>
    %dma_wait3A_1652 = arith.constant 0 : i32
    %dma_wait3A_1653 = arith.constant 0 : i32
    %dma_wait3A_1654 = tpu.memref_slice %arg14[%dma_wait3A_1652, %dma_wait3A_1653] : memref<32x128xf32, #tpu.memory_space<vmem_shared>> -> memref<32x128xf32, #tpu.memory_space<vmem_shared>>
    tpu.wait_indirect_dma semaphore(%arg16 : memref<!tpu.dma_semaphore, #tpu.memory_space<semaphore_mem>>) src(%dma_wait3A_1654 : memref<32x128xf32, #tpu.memory_space<vmem_shared>>) dst(%arg11 : memref<128x128xf32, #tpu.memory_space<vmem>>)
    %add3A_1655 = arith.constant 4096 : i32
    %add3A_1656 = arith.addi %add3A_1655, %mul3A_2 : i32
    %dma_start3A_1657 = arith.constant 0 : i32
    %dma_start3A_1658 = tpu.memref_slice %arg5[%add3A_1656, %dma_start3A_1657] : memref<204800x128xf32, #tpu.memory_space<hbm>> -> memref<128x128xf32, #tpu.memory_space<hbm>>
    %dma_start3A_1659 = arith.constant 0 : i32
    %dma_start3A_1660 = tpu.memref_slice %arg5[%add3A_1656, %dma_start3A_1659] : memref<204800x128xf32, #tpu.memory_space<hbm>> -> memref<128x128xf32, #tpu.memory_space<hbm>>
    tpu.enqueue_dma source(%arg11 : memref<128x128xf32, #tpu.memory_space<vmem>>) target(%dma_start3A_1660 : memref<128x128xf32, #tpu.memory_space<hbm>>) target_semaphore(%arg20 : memref<!tpu.dma_semaphore, #tpu.memory_space<semaphore_mem>>)
    %dma_start3A_1661 = arith.constant 3 : i32
    %dma_start3A_1662 = arith.constant 0 : i32
    %dma_start3A_1663 = tpu.memref_slice %arg9[%dma_start3A_1661, %dma_start3A_1662] : memref<50x128xi32, #tpu.memory_space<vmem>> -> memref<1x128xi32, #tpu.memory_space<vmem>>
    %dma_start3A_1664 = tpu.memref_squeeze %dma_start3A_1663 : memref<1x128xi32, #tpu.memory_space<vmem>> -> memref<128xi32, #tpu.memory_space<vmem>>
    %dma_start3A_1665 = arith.constant 0 : i32
    %dma_start3A_1666 = arith.constant 0 : i32
    %dma_start3A_1667 = tpu.memref_slice %arg14[%dma_start3A_1665, %dma_start3A_1666] : memref<32x128xf32, #tpu.memory_space<vmem_shared>> -> memref<32x128xf32, #tpu.memory_space<vmem_shared>>
    tpu.enqueue_indirect_dma source(%dma_start3A_1667 : memref<32x128xf32, #tpu.memory_space<vmem_shared>>) target(%arg13 : memref<128x128xf32, #tpu.memory_space<vmem>>) offsets(%dma_start3A_1664 : memref<128xi32, #tpu.memory_space<vmem>>) semaphore(%arg18 : memref<!tpu.dma_semaphore, #tpu.memory_space<semaphore_mem>>)
    %scan3A = arith.constant 0 : i32
    %scan3A_1668 = arith.constant 0 : i32
    %scan3A_1669 = arith.constant 11 : i32
    %scan3A_1670 = arith.addi %scan3A_1668, %scan3A_1669 : i32
    %scan3A_1671 = arith.constant 1 : i32
    scf.for %scan3A_1763 = %scan3A_1668 to %scan3A_1670 step %scan3A_1671  : i32 {
      %mul3A_1764 = arith.constant 4 : i32
      %mul3A_1765 = arith.muli %mul3A_1764, %scan3A_1763 : i32
      %add3A_1766 = arith.constant 2 : i32
      %add3A_1767 = arith.addi %mul3A_1765, %add3A_1766 : i32
      %add3A_1768 = arith.constant 0 : i32
      %add3A_1769 = arith.addi %add3A_1767, %add3A_1768 : i32
      %dma_wait3A_1770 = arith.constant 0 : i32
      %dma_wait3A_1771 = arith.constant 0 : i32
      %dma_wait3A_1772 = tpu.memref_slice %arg9[%dma_wait3A_1770, %dma_wait3A_1771] : memref<50x128xi32, #tpu.memory_space<vmem>> -> memref<1x128xi32, #tpu.memory_space<vmem>>
      %dma_wait3A_1773 = tpu.memref_squeeze %dma_wait3A_1772 : memref<1x128xi32, #tpu.memory_space<vmem>> -> memref<128xi32, #tpu.memory_space<vmem>>
      %dma_wait3A_1774 = arith.constant 0 : i32
      %dma_wait3A_1775 = arith.constant 0 : i32
      %dma_wait3A_1776 = tpu.memref_slice %arg14[%dma_wait3A_1774, %dma_wait3A_1775] : memref<32x128xf32, #tpu.memory_space<vmem_shared>> -> memref<32x128xf32, #tpu.memory_space<vmem_shared>>
      tpu.wait_indirect_dma semaphore(%arg17 : memref<!tpu.dma_semaphore, #tpu.memory_space<semaphore_mem>>) src(%dma_wait3A_1776 : memref<32x128xf32, #tpu.memory_space<vmem_shared>>) dst(%arg12 : memref<128x128xf32, #tpu.memory_space<vmem>>)
      %mul3A_1777 = arith.constant 4096 : i32
      %mul3A_1778 = arith.muli %add3A_1769, %mul3A_1777 : i32
      %add3A_1779 = arith.addi %mul3A_1778, %mul3A_2 : i32
      %dma_start3A_1780 = arith.constant 0 : i32
      %dma_start3A_1781 = tpu.memref_slice %arg5[%add3A_1779, %dma_start3A_1780] : memref<204800x128xf32, #tpu.memory_space<hbm>> -> memref<128x128xf32, #tpu.memory_space<hbm>>
      %dma_start3A_1782 = arith.constant 0 : i32
      %dma_start3A_1783 = tpu.memref_slice %arg5[%add3A_1779, %dma_start3A_1782] : memref<204800x128xf32, #tpu.memory_space<hbm>> -> memref<128x128xf32, #tpu.memory_space<hbm>>
      tpu.enqueue_dma source(%arg12 : memref<128x128xf32, #tpu.memory_space<vmem>>) target(%dma_start3A_1783 : memref<128x128xf32, #tpu.memory_space<hbm>>) target_semaphore(%arg21 : memref<!tpu.dma_semaphore, #tpu.memory_space<semaphore_mem>>)
      %dma_wait3A_1784 = arith.constant 0 : i32
      %dma_wait3A_1785 = tpu.memref_slice %arg5[%mul3A_2, %dma_wait3A_1784] : memref<204800x128xf32, #tpu.memory_space<hbm>> -> memref<128x128xf32, #tpu.memory_space<hbm>>
      %dma_wait3A_1786 = arith.constant 0 : i32
      %dma_wait3A_1787 = tpu.memref_slice %arg5[%mul3A_2, %dma_wait3A_1786] : memref<204800x128xf32, #tpu.memory_space<hbm>> -> memref<128x128xf32, #tpu.memory_space<hbm>>
      tpu.wait_dma2 semaphore(%arg19 : memref<!tpu.dma_semaphore, #tpu.memory_space<semaphore_mem>>) src(%arg10 : memref<128x128xf32, #tpu.memory_space<vmem>>) dst(%dma_wait3A_1787 : memref<128x128xf32, #tpu.memory_space<hbm>>)
      %add3A_1788 = arith.constant 2 : i32
      %add3A_1789 = arith.addi %add3A_1769, %add3A_1788 : i32
      %dma_start3A_1790 = arith.constant 0 : i32
      %dma_start3A_1791 = tpu.memref_slice %arg9[%add3A_1789, %dma_start3A_1790] : memref<50x128xi32, #tpu.memory_space<vmem>> -> memref<1x128xi32, #tpu.memory_space<vmem>>
      %dma_start3A_1792 = tpu.memref_squeeze %dma_start3A_1791 : memref<1x128xi32, #tpu.memory_space<vmem>> -> memref<128xi32, #tpu.memory_space<vmem>>
      %dma_start3A_1793 = arith.constant 0 : i32
      %dma_start3A_1794 = arith.constant 0 : i32
      %dma_start3A_1795 = tpu.memref_slice %arg14[%dma_start3A_1793, %dma_start3A_1794] : memref<32x128xf32, #tpu.memory_space<vmem_shared>> -> memref<32x128xf32, #tpu.memory_space<vmem_shared>>
      tpu.enqueue_indirect_dma source(%dma_start3A_1795 : memref<32x128xf32, #tpu.memory_space<vmem_shared>>) target(%arg10 : memref<128x128xf32, #tpu.memory_space<vmem>>) offsets(%dma_start3A_1792 : memref<128xi32, #tpu.memory_space<vmem>>) semaphore(%arg15 : memref<!tpu.dma_semaphore, #tpu.memory_space<semaphore_mem>>)
      %mul3A_1796 = arith.constant 4 : i32
      %mul3A_1797 = arith.muli %mul3A_1796, %scan3A_1763 : i32
      %add3A_1798 = arith.constant 2 : i32
      %add3A_1799 = arith.addi %mul3A_1797, %add3A_1798 : i32
      %add3A_1800 = arith.constant 1 : i32
      %add3A_1801 = arith.addi %add3A_1799, %add3A_1800 : i32
      %dma_wait3A_1802 = arith.constant 0 : i32
      %dma_wait3A_1803 = arith.constant 0 : i32
      %dma_wait3A_1804 = tpu.memref_slice %arg9[%dma_wait3A_1802, %dma_wait3A_1803] : memref<50x128xi32, #tpu.memory_space<vmem>> -> memref<1x128xi32, #tpu.memory_space<vmem>>
      %dma_wait3A_1805 = tpu.memref_squeeze %dma_wait3A_1804 : memref<1x128xi32, #tpu.memory_space<vmem>> -> memref<128xi32, #tpu.memory_space<vmem>>
      %dma_wait3A_1806 = arith.constant 0 : i32
      %dma_wait3A_1807 = arith.constant 0 : i32
      %dma_wait3A_1808 = tpu.memref_slice %arg14[%dma_wait3A_1806, %dma_wait3A_1807] : memref<32x128xf32, #tpu.memory_space<vmem_shared>> -> memref<32x128xf32, #tpu.memory_space<vmem_shared>>
      tpu.wait_indirect_dma semaphore(%arg18 : memref<!tpu.dma_semaphore, #tpu.memory_space<semaphore_mem>>) src(%dma_wait3A_1808 : memref<32x128xf32, #tpu.memory_space<vmem_shared>>) dst(%arg13 : memref<128x128xf32, #tpu.memory_space<vmem>>)
      %mul3A_1809 = arith.constant 4096 : i32
      %mul3A_1810 = arith.muli %add3A_1801, %mul3A_1809 : i32
      %add3A_1811 = arith.addi %mul3A_1810, %mul3A_2 : i32
      %dma_start3A_1812 = arith.constant 0 : i32
      %dma_start3A_1813 = tpu.memref_slice %arg5[%add3A_1811, %dma_start3A_1812] : memref<204800x128xf32, #tpu.memory_space<hbm>> -> memref<128x128xf32, #tpu.memory_space<hbm>>
      %dma_start3A_1814 = arith.constant 0 : i32
      %dma_start3A_1815 = tpu.memref_slice %arg5[%add3A_1811, %dma_start3A_1814] : memref<204800x128xf32, #tpu.memory_space<hbm>> -> memref<128x128xf32, #tpu.memory_space<hbm>>
      tpu.enqueue_dma source(%arg13 : memref<128x128xf32, #tpu.memory_space<vmem>>) target(%dma_start3A_1815 : memref<128x128xf32, #tpu.memory_space<hbm>>) target_semaphore(%arg22 : memref<!tpu.dma_semaphore, #tpu.memory_space<semaphore_mem>>)
      %dma_wait3A_1816 = arith.constant 0 : i32
      %dma_wait3A_1817 = tpu.memref_slice %arg5[%mul3A_2, %dma_wait3A_1816] : memref<204800x128xf32, #tpu.memory_space<hbm>> -> memref<128x128xf32, #tpu.memory_space<hbm>>
      %dma_wait3A_1818 = arith.constant 0 : i32
      %dma_wait3A_1819 = tpu.memref_slice %arg5[%mul3A_2, %dma_wait3A_1818] : memref<204800x128xf32, #tpu.memory_space<hbm>> -> memref<128x128xf32, #tpu.memory_space<hbm>>
      tpu.wait_dma2 semaphore(%arg20 : memref<!tpu.dma_semaphore, #tpu.memory_space<semaphore_mem>>) src(%arg11 : memref<128x128xf32, #tpu.memory_space<vmem>>) dst(%dma_wait3A_1819 : memref<128x128xf32, #tpu.memory_space<hbm>>)
      %add3A_1820 = arith.constant 2 : i32
      %add3A_1821 = arith.addi %add3A_1801, %add3A_1820 : i32
      %dma_start3A_1822 = arith.constant 0 : i32
      %dma_start3A_1823 = tpu.memref_slice %arg9[%add3A_1821, %dma_start3A_1822] : memref<50x128xi32, #tpu.memory_space<vmem>> -> memref<1x128xi32, #tpu.memory_space<vmem>>
      %dma_start3A_1824 = tpu.memref_squeeze %dma_start3A_1823 : memref<1x128xi32, #tpu.memory_space<vmem>> -> memref<128xi32, #tpu.memory_space<vmem>>
      %dma_start3A_1825 = arith.constant 0 : i32
      %dma_start3A_1826 = arith.constant 0 : i32
      %dma_start3A_1827 = tpu.memref_slice %arg14[%dma_start3A_1825, %dma_start3A_1826] : memref<32x128xf32, #tpu.memory_space<vmem_shared>> -> memref<32x128xf32, #tpu.memory_space<vmem_shared>>
      tpu.enqueue_indirect_dma source(%dma_start3A_1827 : memref<32x128xf32, #tpu.memory_space<vmem_shared>>) target(%arg11 : memref<128x128xf32, #tpu.memory_space<vmem>>) offsets(%dma_start3A_1824 : memref<128xi32, #tpu.memory_space<vmem>>) semaphore(%arg16 : memref<!tpu.dma_semaphore, #tpu.memory_space<semaphore_mem>>)
      %mul3A_1828 = arith.constant 4 : i32
      %mul3A_1829 = arith.muli %mul3A_1828, %scan3A_1763 : i32
      %add3A_1830 = arith.constant 2 : i32
      %add3A_1831 = arith.addi %mul3A_1829, %add3A_1830 : i32
      %add3A_1832 = arith.constant 2 : i32
      %add3A_1833 = arith.addi %add3A_1831, %add3A_1832 : i32
      %dma_wait3A_1834 = arith.constant 0 : i32
      %dma_wait3A_1835 = arith.constant 0 : i32
      %dma_wait3A_1836 = tpu.memref_slice %arg9[%dma_wait3A_1834, %dma_wait3A_1835] : memref<50x128xi32, #tpu.memory_space<vmem>> -> memref<1x128xi32, #tpu.memory_space<vmem>>
      %dma_wait3A_1837 = tpu.memref_squeeze %dma_wait3A_1836 : memref<1x128xi32, #tpu.memory_space<vmem>> -> memref<128xi32, #tpu.memory_space<vmem>>
      %dma_wait3A_1838 = arith.constant 0 : i32
      %dma_wait3A_1839 = arith.constant 0 : i32
      %dma_wait3A_1840 = tpu.memref_slice %arg14[%dma_wait3A_1838, %dma_wait3A_1839] : memref<32x128xf32, #tpu.memory_space<vmem_shared>> -> memref<32x128xf32, #tpu.memory_space<vmem_shared>>
      tpu.wait_indirect_dma semaphore(%arg15 : memref<!tpu.dma_semaphore, #tpu.memory_space<semaphore_mem>>) src(%dma_wait3A_1840 : memref<32x128xf32, #tpu.memory_space<vmem_shared>>) dst(%arg10 : memref<128x128xf32, #tpu.memory_space<vmem>>)
      %mul3A_1841 = arith.constant 4096 : i32
      %mul3A_1842 = arith.muli %add3A_1833, %mul3A_1841 : i32
      %add3A_1843 = arith.addi %mul3A_1842, %mul3A_2 : i32
      %dma_start3A_1844 = arith.constant 0 : i32
      %dma_start3A_1845 = tpu.memref_slice %arg5[%add3A_1843, %dma_start3A_1844] : memref<204800x128xf32, #tpu.memory_space<hbm>> -> memref<128x128xf32, #tpu.memory_space<hbm>>
      %dma_start3A_1846 = arith.constant 0 : i32
      %dma_start3A_1847 = tpu.memref_slice %arg5[%add3A_1843, %dma_start3A_1846] : memref<204800x128xf32, #tpu.memory_space<hbm>> -> memref<128x128xf32, #tpu.memory_space<hbm>>
      tpu.enqueue_dma source(%arg10 : memref<128x128xf32, #tpu.memory_space<vmem>>) target(%dma_start3A_1847 : memref<128x128xf32, #tpu.memory_space<hbm>>) target_semaphore(%arg19 : memref<!tpu.dma_semaphore, #tpu.memory_space<semaphore_mem>>)
      %dma_wait3A_1848 = arith.constant 0 : i32
      %dma_wait3A_1849 = tpu.memref_slice %arg5[%mul3A_2, %dma_wait3A_1848] : memref<204800x128xf32, #tpu.memory_space<hbm>> -> memref<128x128xf32, #tpu.memory_space<hbm>>
      %dma_wait3A_1850 = arith.constant 0 : i32
      %dma_wait3A_1851 = tpu.memref_slice %arg5[%mul3A_2, %dma_wait3A_1850] : memref<204800x128xf32, #tpu.memory_space<hbm>> -> memref<128x128xf32, #tpu.memory_space<hbm>>
      tpu.wait_dma2 semaphore(%arg21 : memref<!tpu.dma_semaphore, #tpu.memory_space<semaphore_mem>>) src(%arg12 : memref<128x128xf32, #tpu.memory_space<vmem>>) dst(%dma_wait3A_1851 : memref<128x128xf32, #tpu.memory_space<hbm>>)
      %add3A_1852 = arith.constant 2 : i32
      %add3A_1853 = arith.addi %add3A_1833, %add3A_1852 : i32
      %dma_start3A_1854 = arith.constant 0 : i32
      %dma_start3A_1855 = tpu.memref_slice %arg9[%add3A_1853, %dma_start3A_1854] : memref<50x128xi32, #tpu.memory_space<vmem>> -> memref<1x128xi32, #tpu.memory_space<vmem>>
      %dma_start3A_1856 = tpu.memref_squeeze %dma_start3A_1855 : memref<1x128xi32, #tpu.memory_space<vmem>> -> memref<128xi32, #tpu.memory_space<vmem>>
      %dma_start3A_1857 = arith.constant 0 : i32
      %dma_start3A_1858 = arith.constant 0 : i32
      %dma_start3A_1859 = tpu.memref_slice %arg14[%dma_start3A_1857, %dma_start3A_1858] : memref<32x128xf32, #tpu.memory_space<vmem_shared>> -> memref<32x128xf32, #tpu.memory_space<vmem_shared>>
      tpu.enqueue_indirect_dma source(%dma_start3A_1859 : memref<32x128xf32, #tpu.memory_space<vmem_shared>>) target(%arg12 : memref<128x128xf32, #tpu.memory_space<vmem>>) offsets(%dma_start3A_1856 : memref<128xi32, #tpu.memory_space<vmem>>) semaphore(%arg17 : memref<!tpu.dma_semaphore, #tpu.memory_space<semaphore_mem>>)
      %mul3A_1860 = arith.constant 4 : i32
      %mul3A_1861 = arith.muli %mul3A_1860, %scan3A_1763 : i32
      %add3A_1862 = arith.constant 2 : i32
      %add3A_1863 = arith.addi %mul3A_1861, %add3A_1862 : i32
      %add3A_1864 = arith.constant 3 : i32
      %add3A_1865 = arith.addi %add3A_1863, %add3A_1864 : i32
      %dma_wait3A_1866 = arith.constant 0 : i32
      %dma_wait3A_1867 = arith.constant 0 : i32
      %dma_wait3A_1868 = tpu.memref_slice %arg9[%dma_wait3A_1866, %dma_wait3A_1867] : memref<50x128xi32, #tpu.memory_space<vmem>> -> memref<1x128xi32, #tpu.memory_space<vmem>>
      %dma_wait3A_1869 = tpu.memref_squeeze %dma_wait3A_1868 : memref<1x128xi32, #tpu.memory_space<vmem>> -> memref<128xi32, #tpu.memory_space<vmem>>
      %dma_wait3A_1870 = arith.constant 0 : i32
      %dma_wait3A_1871 = arith.constant 0 : i32
      %dma_wait3A_1872 = tpu.memref_slice %arg14[%dma_wait3A_1870, %dma_wait3A_1871] : memref<32x128xf32, #tpu.memory_space<vmem_shared>> -> memref<32x128xf32, #tpu.memory_space<vmem_shared>>
      tpu.wait_indirect_dma semaphore(%arg16 : memref<!tpu.dma_semaphore, #tpu.memory_space<semaphore_mem>>) src(%dma_wait3A_1872 : memref<32x128xf32, #tpu.memory_space<vmem_shared>>) dst(%arg11 : memref<128x128xf32, #tpu.memory_space<vmem>>)
      %mul3A_1873 = arith.constant 4096 : i32
      %mul3A_1874 = arith.muli %add3A_1865, %mul3A_1873 : i32
      %add3A_1875 = arith.addi %mul3A_1874, %mul3A_2 : i32
      %dma_start3A_1876 = arith.constant 0 : i32
      %dma_start3A_1877 = tpu.memref_slice %arg5[%add3A_1875, %dma_start3A_1876] : memref<204800x128xf32, #tpu.memory_space<hbm>> -> memref<128x128xf32, #tpu.memory_space<hbm>>
      %dma_start3A_1878 = arith.constant 0 : i32
      %dma_start3A_1879 = tpu.memref_slice %arg5[%add3A_1875, %dma_start3A_1878] : memref<204800x128xf32, #tpu.memory_space<hbm>> -> memref<128x128xf32, #tpu.memory_space<hbm>>
      tpu.enqueue_dma source(%arg11 : memref<128x128xf32, #tpu.memory_space<vmem>>) target(%dma_start3A_1879 : memref<128x128xf32, #tpu.memory_space<hbm>>) target_semaphore(%arg20 : memref<!tpu.dma_semaphore, #tpu.memory_space<semaphore_mem>>)
      %dma_wait3A_1880 = arith.constant 0 : i32
      %dma_wait3A_1881 = tpu.memref_slice %arg5[%mul3A_2, %dma_wait3A_1880] : memref<204800x128xf32, #tpu.memory_space<hbm>> -> memref<128x128xf32, #tpu.memory_space<hbm>>
      %dma_wait3A_1882 = arith.constant 0 : i32
      %dma_wait3A_1883 = tpu.memref_slice %arg5[%mul3A_2, %dma_wait3A_1882] : memref<204800x128xf32, #tpu.memory_space<hbm>> -> memref<128x128xf32, #tpu.memory_space<hbm>>
      tpu.wait_dma2 semaphore(%arg22 : memref<!tpu.dma_semaphore, #tpu.memory_space<semaphore_mem>>) src(%arg13 : memref<128x128xf32, #tpu.memory_space<vmem>>) dst(%dma_wait3A_1883 : memref<128x128xf32, #tpu.memory_space<hbm>>)
      %add3A_1884 = arith.constant 2 : i32
      %add3A_1885 = arith.addi %add3A_1865, %add3A_1884 : i32
      %dma_start3A_1886 = arith.constant 0 : i32
      %dma_start3A_1887 = tpu.memref_slice %arg9[%add3A_1885, %dma_start3A_1886] : memref<50x128xi32, #tpu.memory_space<vmem>> -> memref<1x128xi32, #tpu.memory_space<vmem>>
      %dma_start3A_1888 = tpu.memref_squeeze %dma_start3A_1887 : memref<1x128xi32, #tpu.memory_space<vmem>> -> memref<128xi32, #tpu.memory_space<vmem>>
      %dma_start3A_1889 = arith.constant 0 : i32
      %dma_start3A_1890 = arith.constant 0 : i32
      %dma_start3A_1891 = tpu.memref_slice %arg14[%dma_start3A_1889, %dma_start3A_1890] : memref<32x128xf32, #tpu.memory_space<vmem_shared>> -> memref<32x128xf32, #tpu.memory_space<vmem_shared>>
      tpu.enqueue_indirect_dma source(%dma_start3A_1891 : memref<32x128xf32, #tpu.memory_space<vmem_shared>>) target(%arg13 : memref<128x128xf32, #tpu.memory_space<vmem>>) offsets(%dma_start3A_1888 : memref<128xi32, #tpu.memory_space<vmem>>) semaphore(%arg18 : memref<!tpu.dma_semaphore, #tpu.memory_space<semaphore_mem>>)
    }
    %scan3A_1672 = arith.constant 11 : i32
    %dma_wait3A_1673 = arith.constant 0 : i32
    %dma_wait3A_1674 = arith.constant 0 : i32
    %dma_wait3A_1675 = tpu.memref_slice %arg9[%dma_wait3A_1673, %dma_wait3A_1674] : memref<50x128xi32, #tpu.memory_space<vmem>> -> memref<1x128xi32, #tpu.memory_space<vmem>>
    %dma_wait3A_1676 = tpu.memref_squeeze %dma_wait3A_1675 : memref<1x128xi32, #tpu.memory_space<vmem>> -> memref<128xi32, #tpu.memory_space<vmem>>
    %dma_wait3A_1677 = arith.constant 0 : i32
    %dma_wait3A_1678 = arith.constant 0 : i32
    %dma_wait3A_1679 = tpu.memref_slice %arg14[%dma_wait3A_1677, %dma_wait3A_1678] : memref<32x128xf32, #tpu.memory_space<vmem_shared>> -> memref<32x128xf32, #tpu.memory_space<vmem_shared>>
    tpu.wait_indirect_dma semaphore(%arg17 : memref<!tpu.dma_semaphore, #tpu.memory_space<semaphore_mem>>) src(%dma_wait3A_1679 : memref<32x128xf32, #tpu.memory_space<vmem_shared>>) dst(%arg12 : memref<128x128xf32, #tpu.memory_space<vmem>>)
    %add3A_1680 = arith.constant 188416 : i32
    %add3A_1681 = arith.addi %add3A_1680, %mul3A_2 : i32
    %dma_start3A_1682 = arith.constant 0 : i32
    %dma_start3A_1683 = tpu.memref_slice %arg5[%add3A_1681, %dma_start3A_1682] : memref<204800x128xf32, #tpu.memory_space<hbm>> -> memref<128x128xf32, #tpu.memory_space<hbm>>
    %dma_start3A_1684 = arith.constant 0 : i32
    %dma_start3A_1685 = tpu.memref_slice %arg5[%add3A_1681, %dma_start3A_1684] : memref<204800x128xf32, #tpu.memory_space<hbm>> -> memref<128x128xf32, #tpu.memory_space<hbm>>
    tpu.enqueue_dma source(%arg12 : memref<128x128xf32, #tpu.memory_space<vmem>>) target(%dma_start3A_1685 : memref<128x128xf32, #tpu.memory_space<hbm>>) target_semaphore(%arg21 : memref<!tpu.dma_semaphore, #tpu.memory_space<semaphore_mem>>)
    %dma_wait3A_1686 = arith.constant 0 : i32
    %dma_wait3A_1687 = tpu.memref_slice %arg5[%mul3A_2, %dma_wait3A_1686] : memref<204800x128xf32, #tpu.memory_space<hbm>> -> memref<128x128xf32, #tpu.memory_space<hbm>>
    %dma_wait3A_1688 = arith.constant 0 : i32
    %dma_wait3A_1689 = tpu.memref_slice %arg5[%mul3A_2, %dma_wait3A_1688] : memref<204800x128xf32, #tpu.memory_space<hbm>> -> memref<128x128xf32, #tpu.memory_space<hbm>>
    tpu.wait_dma2 semaphore(%arg19 : memref<!tpu.dma_semaphore, #tpu.memory_space<semaphore_mem>>) src(%arg10 : memref<128x128xf32, #tpu.memory_space<vmem>>) dst(%dma_wait3A_1689 : memref<128x128xf32, #tpu.memory_space<hbm>>)
    %dma_start3A_1690 = arith.constant 48 : i32
    %dma_start3A_1691 = arith.constant 0 : i32
    %dma_start3A_1692 = tpu.memref_slice %arg9[%dma_start3A_1690, %dma_start3A_1691] : memref<50x128xi32, #tpu.memory_space<vmem>> -> memref<1x128xi32, #tpu.memory_space<vmem>>
    %dma_start3A_1693 = tpu.memref_squeeze %dma_start3A_1692 : memref<1x128xi32, #tpu.memory_space<vmem>> -> memref<128xi32, #tpu.memory_space<vmem>>
    %dma_start3A_1694 = arith.constant 0 : i32
    %dma_start3A_1695 = arith.constant 0 : i32
    %dma_start3A_1696 = tpu.memref_slice %arg14[%dma_start3A_1694, %dma_start3A_1695] : memref<32x128xf32, #tpu.memory_space<vmem_shared>> -> memref<32x128xf32, #tpu.memory_space<vmem_shared>>
    tpu.enqueue_indirect_dma source(%dma_start3A_1696 : memref<32x128xf32, #tpu.memory_space<vmem_shared>>) target(%arg10 : memref<128x128xf32, #tpu.memory_space<vmem>>) offsets(%dma_start3A_1693 : memref<128xi32, #tpu.memory_space<vmem>>) semaphore(%arg15 : memref<!tpu.dma_semaphore, #tpu.memory_space<semaphore_mem>>)
    %dma_wait3A_1697 = arith.constant 0 : i32
    %dma_wait3A_1698 = arith.constant 0 : i32
    %dma_wait3A_1699 = tpu.memref_slice %arg9[%dma_wait3A_1697, %dma_wait3A_1698] : memref<50x128xi32, #tpu.memory_space<vmem>> -> memref<1x128xi32, #tpu.memory_space<vmem>>
    %dma_wait3A_1700 = tpu.memref_squeeze %dma_wait3A_1699 : memref<1x128xi32, #tpu.memory_space<vmem>> -> memref<128xi32, #tpu.memory_space<vmem>>
    %dma_wait3A_1701 = arith.constant 0 : i32
    %dma_wait3A_1702 = arith.constant 0 : i32
    %dma_wait3A_1703 = tpu.memref_slice %arg14[%dma_wait3A_1701, %dma_wait3A_1702] : memref<32x128xf32, #tpu.memory_space<vmem_shared>> -> memref<32x128xf32, #tpu.memory_space<vmem_shared>>
    tpu.wait_indirect_dma semaphore(%arg18 : memref<!tpu.dma_semaphore, #tpu.memory_space<semaphore_mem>>) src(%dma_wait3A_1703 : memref<32x128xf32, #tpu.memory_space<vmem_shared>>) dst(%arg13 : memref<128x128xf32, #tpu.memory_space<vmem>>)
    %add3A_1704 = arith.constant 192512 : i32
    %add3A_1705 = arith.addi %add3A_1704, %mul3A_2 : i32
    %dma_start3A_1706 = arith.constant 0 : i32
    %dma_start3A_1707 = tpu.memref_slice %arg5[%add3A_1705, %dma_start3A_1706] : memref<204800x128xf32, #tpu.memory_space<hbm>> -> memref<128x128xf32, #tpu.memory_space<hbm>>
    %dma_start3A_1708 = arith.constant 0 : i32
    %dma_start3A_1709 = tpu.memref_slice %arg5[%add3A_1705, %dma_start3A_1708] : memref<204800x128xf32, #tpu.memory_space<hbm>> -> memref<128x128xf32, #tpu.memory_space<hbm>>
    tpu.enqueue_dma source(%arg13 : memref<128x128xf32, #tpu.memory_space<vmem>>) target(%dma_start3A_1709 : memref<128x128xf32, #tpu.memory_space<hbm>>) target_semaphore(%arg22 : memref<!tpu.dma_semaphore, #tpu.memory_space<semaphore_mem>>)
    %dma_wait3A_1710 = arith.constant 0 : i32
    %dma_wait3A_1711 = tpu.memref_slice %arg5[%mul3A_2, %dma_wait3A_1710] : memref<204800x128xf32, #tpu.memory_space<hbm>> -> memref<128x128xf32, #tpu.memory_space<hbm>>
    %dma_wait3A_1712 = arith.constant 0 : i32
    %dma_wait3A_1713 = tpu.memref_slice %arg5[%mul3A_2, %dma_wait3A_1712] : memref<204800x128xf32, #tpu.memory_space<hbm>> -> memref<128x128xf32, #tpu.memory_space<hbm>>
    tpu.wait_dma2 semaphore(%arg20 : memref<!tpu.dma_semaphore, #tpu.memory_space<semaphore_mem>>) src(%arg11 : memref<128x128xf32, #tpu.memory_space<vmem>>) dst(%dma_wait3A_1713 : memref<128x128xf32, #tpu.memory_space<hbm>>)
    %dma_start3A_1714 = arith.constant 49 : i32
    %dma_start3A_1715 = arith.constant 0 : i32
    %dma_start3A_1716 = tpu.memref_slice %arg9[%dma_start3A_1714, %dma_start3A_1715] : memref<50x128xi32, #tpu.memory_space<vmem>> -> memref<1x128xi32, #tpu.memory_space<vmem>>
    %dma_start3A_1717 = tpu.memref_squeeze %dma_start3A_1716 : memref<1x128xi32, #tpu.memory_space<vmem>> -> memref<128xi32, #tpu.memory_space<vmem>>
    %dma_start3A_1718 = arith.constant 0 : i32
    %dma_start3A_1719 = arith.constant 0 : i32
    %dma_start3A_1720 = tpu.memref_slice %arg14[%dma_start3A_1718, %dma_start3A_1719] : memref<32x128xf32, #tpu.memory_space<vmem_shared>> -> memref<32x128xf32, #tpu.memory_space<vmem_shared>>
    tpu.enqueue_indirect_dma source(%dma_start3A_1720 : memref<32x128xf32, #tpu.memory_space<vmem_shared>>) target(%arg11 : memref<128x128xf32, #tpu.memory_space<vmem>>) offsets(%dma_start3A_1717 : memref<128xi32, #tpu.memory_space<vmem>>) semaphore(%arg16 : memref<!tpu.dma_semaphore, #tpu.memory_space<semaphore_mem>>)
    %dma_wait3A_1721 = arith.constant 0 : i32
    %dma_wait3A_1722 = arith.constant 0 : i32
    %dma_wait3A_1723 = tpu.memref_slice %arg9[%dma_wait3A_1721, %dma_wait3A_1722] : memref<50x128xi32, #tpu.memory_space<vmem>> -> memref<1x128xi32, #tpu.memory_space<vmem>>
    %dma_wait3A_1724 = tpu.memref_squeeze %dma_wait3A_1723 : memref<1x128xi32, #tpu.memory_space<vmem>> -> memref<128xi32, #tpu.memory_space<vmem>>
    %dma_wait3A_1725 = arith.constant 0 : i32
    %dma_wait3A_1726 = arith.constant 0 : i32
    %dma_wait3A_1727 = tpu.memref_slice %arg14[%dma_wait3A_1725, %dma_wait3A_1726] : memref<32x128xf32, #tpu.memory_space<vmem_shared>> -> memref<32x128xf32, #tpu.memory_space<vmem_shared>>
    tpu.wait_indirect_dma semaphore(%arg15 : memref<!tpu.dma_semaphore, #tpu.memory_space<semaphore_mem>>) src(%dma_wait3A_1727 : memref<32x128xf32, #tpu.memory_space<vmem_shared>>) dst(%arg10 : memref<128x128xf32, #tpu.memory_space<vmem>>)
    %add3A_1728 = arith.constant 196608 : i32
    %add3A_1729 = arith.addi %add3A_1728, %mul3A_2 : i32
    %dma_start3A_1730 = arith.constant 0 : i32
    %dma_start3A_1731 = tpu.memref_slice %arg5[%add3A_1729, %dma_start3A_1730] : memref<204800x128xf32, #tpu.memory_space<hbm>> -> memref<128x128xf32, #tpu.memory_space<hbm>>
    %dma_start3A_1732 = arith.constant 0 : i32
    %dma_start3A_1733 = tpu.memref_slice %arg5[%add3A_1729, %dma_start3A_1732] : memref<204800x128xf32, #tpu.memory_space<hbm>> -> memref<128x128xf32, #tpu.memory_space<hbm>>
    tpu.enqueue_dma source(%arg10 : memref<128x128xf32, #tpu.memory_space<vmem>>) target(%dma_start3A_1733 : memref<128x128xf32, #tpu.memory_space<hbm>>) target_semaphore(%arg19 : memref<!tpu.dma_semaphore, #tpu.memory_space<semaphore_mem>>)
    %dma_wait3A_1734 = arith.constant 0 : i32
    %dma_wait3A_1735 = arith.constant 0 : i32
    %dma_wait3A_1736 = tpu.memref_slice %arg9[%dma_wait3A_1734, %dma_wait3A_1735] : memref<50x128xi32, #tpu.memory_space<vmem>> -> memref<1x128xi32, #tpu.memory_space<vmem>>
    %dma_wait3A_1737 = tpu.memref_squeeze %dma_wait3A_1736 : memref<1x128xi32, #tpu.memory_space<vmem>> -> memref<128xi32, #tpu.memory_space<vmem>>
    %dma_wait3A_1738 = arith.constant 0 : i32
    %dma_wait3A_1739 = arith.constant 0 : i32
    %dma_wait3A_1740 = tpu.memref_slice %arg14[%dma_wait3A_1738, %dma_wait3A_1739] : memref<32x128xf32, #tpu.memory_space<vmem_shared>> -> memref<32x128xf32, #tpu.memory_space<vmem_shared>>
    tpu.wait_indirect_dma semaphore(%arg16 : memref<!tpu.dma_semaphore, #tpu.memory_space<semaphore_mem>>) src(%dma_wait3A_1740 : memref<32x128xf32, #tpu.memory_space<vmem_shared>>) dst(%arg11 : memref<128x128xf32, #tpu.memory_space<vmem>>)
    %add3A_1741 = arith.constant 200704 : i32
    %add3A_1742 = arith.addi %add3A_1741, %mul3A_2 : i32
    %dma_start3A_1743 = arith.constant 0 : i32
    %dma_start3A_1744 = tpu.memref_slice %arg5[%add3A_1742, %dma_start3A_1743] : memref<204800x128xf32, #tpu.memory_space<hbm>> -> memref<128x128xf32, #tpu.memory_space<hbm>>
    %dma_start3A_1745 = arith.constant 0 : i32
    %dma_start3A_1746 = tpu.memref_slice %arg5[%add3A_1742, %dma_start3A_1745] : memref<204800x128xf32, #tpu.memory_space<hbm>> -> memref<128x128xf32, #tpu.memory_space<hbm>>
    tpu.enqueue_dma source(%arg11 : memref<128x128xf32, #tpu.memory_space<vmem>>) target(%dma_start3A_1746 : memref<128x128xf32, #tpu.memory_space<hbm>>) target_semaphore(%arg20 : memref<!tpu.dma_semaphore, #tpu.memory_space<semaphore_mem>>)
    %dma_wait3A_1747 = arith.constant 0 : i32
    %dma_wait3A_1748 = tpu.memref_slice %arg5[%mul3A_2, %dma_wait3A_1747] : memref<204800x128xf32, #tpu.memory_space<hbm>> -> memref<128x128xf32, #tpu.memory_space<hbm>>
    %dma_wait3A_1749 = arith.constant 0 : i32
    %dma_wait3A_1750 = tpu.memref_slice %arg5[%mul3A_2, %dma_wait3A_1749] : memref<204800x128xf32, #tpu.memory_space<hbm>> -> memref<128x128xf32, #tpu.memory_space<hbm>>
    tpu.wait_dma2 semaphore(%arg19 : memref<!tpu.dma_semaphore, #tpu.memory_space<semaphore_mem>>) src(%arg10 : memref<128x128xf32, #tpu.memory_space<vmem>>) dst(%dma_wait3A_1750 : memref<128x128xf32, #tpu.memory_space<hbm>>)
    %dma_wait3A_1751 = arith.constant 0 : i32
    %dma_wait3A_1752 = tpu.memref_slice %arg5[%mul3A_2, %dma_wait3A_1751] : memref<204800x128xf32, #tpu.memory_space<hbm>> -> memref<128x128xf32, #tpu.memory_space<hbm>>
    %dma_wait3A_1753 = arith.constant 0 : i32
    %dma_wait3A_1754 = tpu.memref_slice %arg5[%mul3A_2, %dma_wait3A_1753] : memref<204800x128xf32, #tpu.memory_space<hbm>> -> memref<128x128xf32, #tpu.memory_space<hbm>>
    tpu.wait_dma2 semaphore(%arg20 : memref<!tpu.dma_semaphore, #tpu.memory_space<semaphore_mem>>) src(%arg11 : memref<128x128xf32, #tpu.memory_space<vmem>>) dst(%dma_wait3A_1754 : memref<128x128xf32, #tpu.memory_space<hbm>>)
    %dma_wait3A_1755 = arith.constant 0 : i32
    %dma_wait3A_1756 = tpu.memref_slice %arg5[%mul3A_2, %dma_wait3A_1755] : memref<204800x128xf32, #tpu.memory_space<hbm>> -> memref<128x128xf32, #tpu.memory_space<hbm>>
    %dma_wait3A_1757 = arith.constant 0 : i32
    %dma_wait3A_1758 = tpu.memref_slice %arg5[%mul3A_2, %dma_wait3A_1757] : memref<204800x128xf32, #tpu.memory_space<hbm>> -> memref<128x128xf32, #tpu.memory_space<hbm>>
    tpu.wait_dma2 semaphore(%arg21 : memref<!tpu.dma_semaphore, #tpu.memory_space<semaphore_mem>>) src(%arg12 : memref<128x128xf32, #tpu.memory_space<vmem>>) dst(%dma_wait3A_1758 : memref<128x128xf32, #tpu.memory_space<hbm>>)
    %dma_wait3A_1759 = arith.constant 0 : i32
    %dma_wait3A_1760 = tpu.memref_slice %arg5[%mul3A_2, %dma_wait3A_1759] : memref<204800x128xf32, #tpu.memory_space<hbm>> -> memref<128x128xf32, #tpu.memory_space<hbm>>
    %dma_wait3A_1761 = arith.constant 0 : i32
    %dma_wait3A_1762 = tpu.memref_slice %arg5[%mul3A_2, %dma_wait3A_1761] : memref<204800x128xf32, #tpu.memory_space<hbm>> -> memref<128x128xf32, #tpu.memory_space<hbm>>
    tpu.wait_dma2 semaphore(%arg22 : memref<!tpu.dma_semaphore, #tpu.memory_space<semaphore_mem>>) src(%arg13 : memref<128x128xf32, #tpu.memory_space<vmem>>) dst(%dma_wait3A_1762 : memref<128x128xf32, #tpu.memory_space<hbm>>)
    return
  }
}

</mosaic_0001>

<sc_bundles>
// kernel: kernel.3.cloned.1.call-start
scs
__scs_entry_jumppad:
0x0: {  	(pc) =	sbr.rel $0x88, $3  }
0x1: {  	(tag) =	ssettag $0x0;
	lr =	simm.s32 $0x1  }
0x2: {  	[smem:$0x3F9E] =	sst lr;
	_ =	strace $0xD0000000  }
0x3: {  	_ = 	snop  }
0x4: {  	_ = 	snop  }
0x5: {  	_ = 	snop  }
0x6: {  	_ = 	snop  }
0x7: {  	_ = 	snop  }
__scs_overlays_trampoline_lowered:
0x8: {  	[smem:$0x3FAD] =	sst s0  }
0x9: {  	[smem:$0x3FAE] =	sst s1  }
0xa: {  	[smem:$0x3FAF] =	sst s2  }
0xb: {  	[smem:$0x3FB0] =	sst s3  }
0xc: {  	[smem:$0x3FB1] =	sst s4  }
0xd: {  	[smem:$0x3FB2] =	sst s5  }
0xe: {  	[smem:$0x3FB3] =	sst s6  }
0xf: {  	[smem:$0x3FB4] =	sst s7  }
0x10: {  	[smem:$0x3FB5] =	sst s8  }
0x11: {  	[smem:$0x3FB6] =	sst s9;
	s0 =	simm.s32 @!p0 $0x0  }
0x12: {  	s1 =	sld [smem:$0x3F9C];
	s0 =	simm.s32 @p0 $0x1  }
0x13: {  	[smem:$0x3FB7] =	sst s0;
	s0 =	simm.s32 @!p1 $0x0  }
0x14: {  	s2 =	sld [smem:$0x3F9B];
	s0 =	simm.s32 @p1 $0x1  }
0x15: {  	[smem:$0x3FB8] =	sst s0;
	s0 =	simm.s32 @!p2 $0x0  }
0x16: {  	s3 =	sld [smem:$0x3FDB];
	s0 =	simm.s32 @p2 $0x1  }
0x17: {  	s4 =	simm.s32 $0x1BF5;
	[smem:$0x3FBA] =	sst s0  }
0x18: {  	s0 =	sld [smem:$0x3F9D];
	_ =	swait.ge [sflag:s4], $0x0  }
0x19: {  	s7 =	sld [smem:$0x3F9E]  }
0x1a: {  	s8 =	sadd.s32 $0xFFFFE003, lr  }
0x1b: {  	s9 =	sadd.s32 $0xFFFFFEF7, lr;
	s5 =	simm.s32 $0xFFFFFFFF;
	p2 =	slt.u32 s8, $0xFFFFF086  }
0x1c: {  	p1 =	slt.u32 s9, $0xF7A;
	s5 =	simm.s32 @!p2 $0x0  }
0x1d: {  	s5 =	simm.s32 @p1 $0x1;
	p0 =	seq.s32 s7, s2  }
0x1e: {  	s7 =	smul.u32 @!p0 $0xF7A, s2;
	p2 =	seq.s32 @!p0 s5, $0x0  }
0x1f: {  	s9 =	smul.u32 $0xF7A, s1;
	s8 =	simm.s32 @!p0 $0x1BF5;
	p2 =	por !p2, p0  }
0x20: {  	[sflag:s8] =	ssyncset.s32 @!p0 $0xFFFFF086;
	s6 =	sadd.s32 @!p0 s3, s7;
	s7 =	simm.s32 @!p0 $0x108  }
0x21: {  	s3 =	sadd.s32 s3, s9;
	s6 =	sadd.s32 @!p0 $0x88, s6;
	s7 =	simm.s32 @p2 $0x1082  }
0x22: {  	[simem:s7], [sflag:s8] =	dma.local @!p0 [hbm:s6], $0xF7A  }
0x23: {  	s9 =	sor.u32 $0xD0000000, s2;
	s6 =	simm.s32 $0x108;
	_ =	swait.ge @!p0 [sflag:s8], $0x0  }
0x24: {  	s3 =	sadd.s32 $0x88, s3;
	s6 =	simm.s32 @!p1 $0x1082;
	[sflag:s4] =	ssyncset.s32 $0xFFFFF086  }
0x25: {  	[simem:s6], [sflag:s4] =	dma.local [hbm:s3], $0xF7A  }
0x26: {  	[smem:$0x3F9E] =	sst s1;
	(tag) =	ssettag s2;
	_ =	strace s9  }
0x27: {  	s1 =	sld [smem:$0x3FAE]  }
0x28: {  	s2 =	sld [smem:$0x3FAF]  }
0x29: {  	s4 =	sld [smem:$0x3FB1]  }
0x2a: {  	p0 =	seq.s32 s5, $0x0;
	s5 =	sld [smem:$0x3FB2]  }
0x2b: {  	s6 =	sld [smem:$0x3FB3]  }
0x2c: {  	s7 =	sld [smem:$0x3FB4]  }
0x2d: {  	s3 =	simm.s32 $0x108;
	s8 =	sld [smem:$0x3FB5]  }
0x2e: {  	s3 =	simm.s32 @!p0 $0x1082;
	s9 =	sld [smem:$0x3FB6]  }
0x2f: {  	lr =	sadd.s32 s0, s3;
	s0 =	sld [smem:$0x3FAD]  }
0x30: {  	s3 =	sld [smem:$0x3FB0]  }
0x31: {  	[smem:$0x3FB9] =	sst s10  }
0x32: {  	s10 =	sld [smem:$0x3FB7];
	_ =	sdelay $0x3  }
0x33: {  	p0 =	seq.s32 s10, $0x1;
	s10 =	sld [smem:$0x3FB9];
	_ =	sdelay $0x3  }
0x34: {  	[smem:$0x3FB9] =	sst s10  }
0x35: {  	s10 =	sld [smem:$0x3FB8];
	_ =	sdelay $0x3  }
0x36: {  	p1 =	seq.s32 s10, $0x1;
	s10 =	sld [smem:$0x3FB9];
	_ =	sdelay $0x3  }
0x37: {  	[smem:$0x3FB9] =	sst s10  }
0x38: {  	s10 =	sld [smem:$0x3FBA]  }
0x39: {  	_ = 	snop;
	(pc) =	sbr.ind lr, $3  }
0x3a: {  	_ = 	snop  }
0x3b: {  	_ = 	snop  }
0x3c: {  	p2 =	seq.s32 s10, $0x1;
	s10 =	sld [smem:$0x3FB9]  }
0x3d: {  	_ =	shalt  }
0x3e: {  	_ =	shalt  }
0x3f: {  	_ =	shalt  }
0x40: {  	_ =	shalt  }
0x41: {  	_ =	shalt  }
0x42: {  	_ =	shalt  }
0x43: {  	_ =	shalt  }
0x44: {  	_ =	shalt  }
0x45: {  	_ =	shalt  }
0x46: {  	_ =	shalt  }
0x47: {  	_ =	shalt  }
0x48: {  	_ =	shalt  }
0x49: {  	_ =	shalt  }
0x4a: {  	_ =	shalt  }
0x4b: {  	_ =	shalt  }
0x4c: {  	_ =	shalt  }
0x4d: {  	_ =	shalt  }
0x4e: {  	_ =	shalt  }
0x4f: {  	_ =	shalt  }
0x50: {  	_ =	shalt  }
0x51: {  	_ =	shalt  }
0x52: {  	_ =	shalt  }
0x53: {  	_ =	shalt  }
0x54: {  	_ =	shalt  }
0x55: {  	_ =	shalt  }
0x56: {  	_ =	shalt  }
0x57: {  	_ =	shalt  }
0x58: {  	_ =	shalt  }
0x59: {  	_ =	shalt  }
0x5a: {  	_ =	shalt  }
0x5b: {  	_ =	shalt  }
0x5c: {  	_ =	shalt  }
0x5d: {  	_ =	shalt  }
0x5e: {  	_ =	shalt  }
0x5f: {  	_ =	shalt  }
0x60: {  	_ =	shalt  }
0x61: {  	_ =	shalt  }
0x62: {  	_ =	shalt  }
0x63: {  	_ =	shalt  }
0x64: {  	_ =	shalt  }
0x65: {  	_ =	shalt  }
0x66: {  	_ =	shalt  }
0x67: {  	_ =	shalt  }
0x68: {  	_ =	shalt  }
0x69: {  	_ =	shalt  }
0x6a: {  	_ =	shalt  }
0x6b: {  	_ =	shalt  }
0x6c: {  	_ =	shalt  }
0x6d: {  	_ =	shalt  }
0x6e: {  	_ =	shalt  }
0x6f: {  	_ =	shalt  }
0x70: {  	_ =	shalt  }
0x71: {  	_ =	shalt  }
0x72: {  	_ =	shalt  }
0x73: {  	_ =	shalt  }
0x74: {  	_ =	shalt  }
0x75: {  	_ =	shalt  }
0x76: {  	_ =	shalt  }
0x77: {  	_ =	shalt  }
0x78: {  	_ =	shalt  }
0x79: {  	_ =	shalt  }
0x7a: {  	_ =	shalt  }
0x7b: {  	_ =	shalt  }
0x7c: {  	_ =	shalt  }
0x7d: {  	_ =	shalt  }
0x7e: {  	_ =	shalt  }
0x7f: {  	_ =	shalt  }
0x80: {  	_ =	shalt  }
0x81: {  	_ =	shalt  }
0x82: {  	_ =	shalt  }
0x83: {  	_ =	shalt  }
0x84: {  	_ =	shalt  }
0x85: {  	_ =	shalt  }
0x86: {  	_ =	shalt  }
0x87: {  	_ =	shalt  }
.Lfunc_end0:
.L_simem_size_0:
called_computation_lowered:
.L_overlay_start_0:
0x88: {  	s2 =	sld [smem:$0x3FD9]  }
0x89: {  	s3 =	sld [smem:$0x3FFE];
	_ =	sdelay $0x1  }
0x8a: {  	s1 =	srdreg.scid  }
0x8b: {  	s0 =	sand.u32 $0x1, s1  }
0x8c: {  	s17 =	sshll.u32 s0, $0xA;
	s2 =	sadd.s32 s3, s2  }
0x8d: {  	s2 =	sadd.s32 s2, s17  }
0x8e: {  	[smem:$0x3FC5] =	sst s2  }
0x8f: {  	_ = 	snop  }
0x90: {  	s2 =	sld [smem:$0x3FC9]  }
0x91: {  	s18 =	sld [smem:$0x3FC8]  }
0x92: {  	s4 =	sld [smem:$0x3FD0];
	(tm) =	ssettm $0x1  }
0x93: {  	s5 =	sld [smem:$0x3FFB];
	_ =	sdelay $0x3  }
0x94: {  	_ =	strace s5  }
0x95: {  	s5 =	sld [smem:$0x3FFC];
	_ =	sdelay $0x3  }
0x96: {  	_ =	strace s5  }
0x97: {  	s5 =	sld [smem:$0x3FFD];
	_ =	sdelay $0x3  }
0x98: {  	_ =	strace s5  }
0x99: {  	_ =	strace $0x8FFFFFFF  }
0x9a: {  	s19 =	sld [smem:$0x3FDB];
	_ =	sdelay $0x1  }
0x9b: {  	s6 =	simm.s32 $_scs_section_size  }
0x9c: {  	s7 =	simm.s32 $_size__tile_overlayer_lowered;
	s8 =	simm.s32 $_tile_overlayer_lowered  }
0x9d: {  	s22 =	simm.s32 $0x1BFF;
	s21 =	sshll.u32 s8, $0x1;
	s5 =	sadd.s32 s6, s19  }
0x9e: {  	s9 =	simm.s32 $0x0;
	s20 =	sshll.u32 s7, $0x1;
	s7 =	sadd.s32 s21, s5  }
0x9f: {  	[timem:s9], [sflag:s22] =	dma.local [hbm:s7], s20  }
0xa0: {  	_ =	swait.ge [sflag:s22], s20  }
0xa1: {  	s6 =	ssub.s32 $0x0, s20;
	[sflag:s22] =	ssyncset.done $0x0  }
0xa2: {  	[sflag:s22] =	ssyncadd.s32 s6;
	_ =	sdelay $0x1  }
0xa3: {  	s23 =	simm.s32 $0x1B8B  }
0xa4: {  	_ =	swait.ge [sflag:s23], $0x1  }
0xa5: {  	[sflag:s23] =	ssyncset.done $0x0  }
0xa6: {  	s25 =	simm.s32 $0x1B8E;
	s24 =	sld [smem:$0x3FFE];
	[sflag:s23] =	ssyncadd.s32 $0xFFFFFFFF  }
0xa7: {  	s26 =	simm.s32 $execute0_lowered;
	[smem:$0x3FD2] =	sst s25  }
0xa8: {  	s7 =	sshll.u32 s26, $0x1;
	_ =	strace $0x80000046;
	[dreg:$0x1] =	wrdreg $0xFFFFFFFF  }
0xa9: {  	s28 =	simm.s32 $_size_execute0_lowered;
	s5 =	sadd.s32 s5, s7;
	[dreg:$0x0] =	wrdreg $0x0  }
0xaa: {  	s7 =	sshll.u32 s28, $0x1;
	[dreg:$0x2] =	wrdreg s5  }
0xab: {  	[dreg:$0x3] =	wrdreg s7  }
0xac: {  	[dreg:$0x4] =	wrdreg $0xC0  }
0xad: {  	_ =	task [dreg:s9], $0x5FFFF  }
0xae: {  	[dreg:$0x1] =	wrdreg $0xFFFFFFFF  }
0xaf: {  	[dreg:$0x0] =	wrdreg $0x60  }
0xb0: {  	[dreg:$0x2] =	wrdreg s2  }
0xb1: {  	[dreg:$0x3] =	wrdreg s18  }
0xb2: {  	[dreg:$0x4] =	wrdreg s24  }
0xb3: {  	[dreg:$0x5] =	wrdreg s4  }
0xb4: {  	[dreg:$0x6] =	wrdreg $0x135000  }
0xb5: {  	[dreg:$0x7] =	wrdreg $0x9  }
0xb6: {  	_ =	task.clear_ibuf [dreg:s9], $0x8FFFF;
	_ =	strace $0x90000046  }
0xb7: {  	s29 =	simm.s32 $0x9;
	_ =	strace $0x80000048  }
0xb8: {  	_ =	swait.ge [sflag:s29], $0x1  }
0xb9: {  	[sflag:s29] =	ssyncadd.s32 $0xFFFFFFFF  }
0xba: {  	_ =	strace $0x90000048  }
0xbb: {  	_ =	sfence  }
0xbc: {  	s30 =	sld [smem:$0x0];
	_ =	sdelay $0x2  }
0xbd: {  	s31 =	sshll.u32 s1, $0xD;
	s1 =	sshrl.u32 s1, $0x2  }
0xbe: {  	s3 =	sand.u32 $0x4000, s31;
	s1 =	sadd.s32 s1, s30  }
0xbf: {  	s0 =	sor.u32 s3, s0;
	s1 =	sshll.u32 s1, $0x11  }
0xc0: {  	s0 =	sor.u32 s1, s0  }
0xc1: {  	s0 =	sadd.s32 $0x8F2B, s0  }
0xc2: {  	[sflag:s0] =	ssyncadd.remote.s32 $0x1  }
0xc3: {  	_ =	sfence.sel $0xFFFF  }
0xc4: {  	[dreg:$0x0] =	wrdreg $0xFFFFFFFF;
	(pc) =	sbr.abs _section_cstart, $3  }
0xc5: {  	[dreg:$0x1] =	wrdreg $0xFFFFFFFF  }
0xc6: {  	_ =	task.clear_ibuf [dreg:s9], $0x2FFFF;
	_ =	strace $0x9FFFFFFF  }
0xc7: {  	(tm) =	ssettm $0x7FFFFFFF  }
tec
execute0_lowered:
.L_overlay_start_1:
0x0: {  	(tag) =	ssettag $0x1  }
0x1: {  	s0 =	rddreg [dreg:$0x0]  }
0x2: {  	s1 =	rddreg [dreg:$0x2]  }
0x3: {  	s2 =	rddreg [dreg:$0x3]  }
0x4: {  	s3 =	rddreg [dreg:$0x4];
	s4 =	simm.s32 $0x0;
	s5 =	srdreg.scid  }
0x5: {  	s10 =	stileid.u32;
	s20 =	simm.s32 $0x3100;
	s28 =	simm.s32 $0x80  }
0x6: {  	s29 =	simm.s32 $0x3500;
	s31 =	simm.s32 $0x7500;
	s17 =	simm.s32 $0x2  }
0x7: {  	s30 =	simm.s32 $0x5;
	s18 =	simm.s32 $0x6;
	[smem:$0x7FF] =	sst s4  }
0x8: {  	s5 =	sand.u32 $0x1, s5;
	s7 =	sshll.u32 s10, $0x1;
	s1 =	sadd.s32 $0x400, s1  }
0x9: {  	s23 =	sshllo.u32 s10, $0x1;
	s24 =	sshll.u32 s10, $0x8;
	s26 =	sshll.u32 s10, $0xC  }
0xa: {  	_ =	strace $0x80000047;
	s6 =	ssub.s32 $0x2, s5;
	s8 =	sor.u32 s5, s7  }
0xb: {  	[dreg:$0x6] =	wrdreg s1;
	s22 =	smin.u32 s7, $0x18;
	s7 =	smin.u32 s23, $0x18  }
0xc: {  	s5 =	sshll.u32 s5, $0xB;
	s21 =	sshrl.u32 s6, $0x1;
	s9 =	sshll.u32 s8, $0x7  }
0xd: {  	s8 =	sshll.u32 s8, $0xB;
	s7 =	sshll.u32 s7, $0x9;
	s1 =	ssub.s32 s6, s21  }
0xe: {  	s6 =	sadd.s32 s0, s9;
	s9 =	sadd.s32 s24, s3;
	s21 =	simm.s32 $0xA  }
0xf: {  	s24 =	sshrl.u32 s7, $0x2;
	s7 =	simm.s32 $0x8;
	s0 =	sadd.s32 $0x6000, s6  }
0x10: {  	[dreg:$0x8] =	wrdreg s9;
	s9 =	sadd.s32 s2, s8;
	s2 =	sadd.s32 s26, s2  }
0x11: {  	s15 =	smax.u32 s1, $0x1;
	s26 =	simm.s32 $0x9;
	s1 =	simm.s32 $0xB500  }
0x12: {  	[dreg:$0x7] =	wrdreg s0;
	s0 =	sshll.u32 s22, $0x9;
	s8 =	sadd.s32 $0x10000, s9  }
0x13: {  	s25 =	sadd.s32 $0x2E0000, s9;
	s12 =	sadd.s32 $0x2F0000, s9;
	s13 =	sadd.s32 $0x300000, s9  }
0x14: {  	v0 =	vimm.s32 $0x0;
	v1 =	vimm.s32 $0x1;
	v2 =	vimm.s32 $0x2;
	s14 =	sadd.s32 $0x310000, s9;
	s2 =	sadd.s32 s5, s2;
	[dreg:$0x9] =	wrdreg s8  }
0x15: {  	v3 =	vimm.s32 $0x3;
	v4 =	vimm.s32 $0x4;
	v5 =	vimm.s32 $0x5;
	s22 =	simm.s32 $0xF500;
	s5 =	simm.s32 $0x7;
	[dreg:$0xa] =	wrdreg s25  }
0x16: {  	v6 =	vimm.s32 $0x6;
	v7 =	vimm.s32 $0x7;
	v8 =	vimm.s32 $0x8;
	s16 =	sadd.s32 $0x50000, s2;
	s23 =	sshrl.u32 s0, $0x2;
	s0 =	simm.s32 $0x1  }
0x17: {  	v9 =	vimm.s32 $0x9;
	v10 =	vimm.s32 $0xA;
	v11 =	vimm.s32 $0xB;
	s25 =	simm.s32 $0x3;
	s2 =	simm.s32 $0x4;
	s8 =	simm.s32 $0x0  }
.LBB2_1:
0x18: {  	s10 =	simm.s32 $0x400;
	s11 =	simm.s32 $0x8000;
	s19 =	simm.s32 $0x1900  }
0x19: {  	[tilespmem:s19], [sflag:$0x9] =	stream.strided.gather [hbm4b:s6+s10], $0x1800, s11, s10, $0x38;
	[tilespmem:$0x13600] =	vst v63  }
0x1a: {  	s11 =	rddreg [dreg:$0x7]  }
0x1b: {  	[tilespmem:s20], [sflag:$0x9] =	stream.linear.gather [hbm4b:s11+s4], $0x100, $0x38;
	[tilespmem:$0x13600] =	vst v63  }
0x1c: {  	s20 =	rddreg [dreg:$0x6]  }
0x1d: {  	[tilespmem:s4], [sflag:$0xA] =	stream.linear.gather [hbm4b:s20+s4], $0xC80, $0x38;
	[tilespmem:$0x13600] =	vst v63  }
0x1e: {  	_ =	swait.ge [sflag:s21], $0xC80  }
0x1f: {  	[sflag:s21] =	ssyncset.done $0x0  }
0x20: {  	[sflag:s21] =	ssyncadd.s32 $0xFFFFF380  }
0x21: {  	s20 =	simm.s32 $0x1000;
	s11 =	rddreg [dreg:$0x1]  }
0x22: {  	[tilespmem:s20], [sflag:$0xA] =	stream.linear.gather [hbm4b:s11+s4], $0x600, $0x38;
	[tilespmem:$0x13600] =	vst v63  }
0x23: {  	_ =	swait.ge [sflag:s21], $0x600  }
0x24: {  	[sflag:s21] =	ssyncset.done $0x0  }
0x25: {  	[sflag:s21] =	ssyncadd.s32 $0xFFFFFA00  }
0x26: {  	v23 =	vld [tilespmem:s23+$0x0]  }
0x27: {  	v12 =	vld [tilespmem:$0x1000]  }
0x28: {  	v13 =	vld [tilespmem:$0x1080]  }
0x29: {  	v14 =	vld [tilespmem:$0x1100]  }
0x2a: {  	v15 =	vld [tilespmem:$0x1180]  }
0x2b: {  	v16 =	vld [tilespmem:$0x1200]  }
0x2c: {  	v24 =	vld [tilespmem:$0x1280]  }
0x2d: {  	v25 =	vld [tilespmem:$0x1300]  }
0x2e: {  	v28 =	vld [tilespmem:$0x1380]  }
0x2f: {  	v29 =	vld [tilespmem:$0x1400]  }
0x30: {  	v30 =	vld [tilespmem:$0x1480]  }
0x31: {  	v31 =	vld [tilespmem:$0x1500]  }
0x32: {  	v32 =	vld [tilespmem:$0x1580]  }
0x33: {  	v33 =	vld [tilespmem:$0x1010]  }
0x34: {  	v34 =	vld [tilespmem:$0x1090]  }
0x35: {  	v35 =	vld [tilespmem:$0x1110]  }
0x36: {  	v36 =	vld [tilespmem:$0x1190]  }
0x37: {  	v37 =	vld [tilespmem:$0x1210]  }
0x38: {  	v38 =	vld [tilespmem:$0x1290]  }
0x39: {  	v39 =	vld [tilespmem:$0x1310]  }
0x3a: {  	v40 =	vld [tilespmem:$0x1390]  }
0x3b: {  	v41 =	vld [tilespmem:$0x1410]  }
0x3c: {  	v42 =	vld [tilespmem:$0x1490]  }
0x3d: {  	v43 =	vld [tilespmem:$0x1510]  }
0x3e: {  	v26 =	vld [tilespmem:$0x1590]  }
0x3f: {  	v44 =	vld [tilespmem:$0x1020]  }
0x40: {  	v45 =	vld [tilespmem:$0x10A0]  }
0x41: {  	v46 =	vld [tilespmem:$0x1120]  }
0x42: {  	v47 =	vld [tilespmem:$0x11A0]  }
0x43: {  	v48 =	vld [tilespmem:$0x1220]  }
0x44: {  	v49 =	vld [tilespmem:$0x12A0];
	v22 =	vperm.xlane v23, v0  }
0x45: {  	v50 =	vld [tilespmem:$0x1320]  }
0x46: {  	v51 =	vld [tilespmem:$0x13A0];
	v21 =	vperm.xlane v23, v1;
	v12 =	vmul.f32 v12, v22  }
0x47: {  	v52 =	vld [tilespmem:$0x1420]  }
0x48: {  	v53 =	vld [tilespmem:$0x14A0];
	v20 =	vperm.xlane v23, v2;
	v13 =	vmul.f32 v13, v21;
	v12 =	vadd.f32 $0.0e+00, v12  }
0x49: {  	v54 =	vld [tilespmem:$0x1520]  }
0x4a: {  	v27 =	vld [tilespmem:$0x15A0];
	v19 =	vperm.xlane v23, v3;
	v62 =	vmul.f32 v14, v20;
	v12 =	vadd.f32 v13, v12  }
0x4b: {  	v55 =	vld [tilespmem:$0x1130];
	v17 =	vperm.xlane v23, v5  }
0x4c: {  	v56 =	vld [tilespmem:$0x11B0];
	v18 =	vperm.xlane v23, v4;
	v63 =	vmul.f32 v15, v19;
	v12 =	vadd.f32 v62, v12  }
0x4d: {  	v57 =	vmul.f32 v24, v17;
	v24 =	vld [tilespmem:$0x1030]  }
0x4e: {  	v16 =	vmul.f32 v16, v18;
	v58 =	vmul.f32 v33, v22;
	v33 =	vld [tilespmem:$0x10B0];
	v12 =	vadd.f32 v63, v12  }
0x4f: {  	v60 =	vmul.f32 v35, v20;
	v35 =	vld [tilespmem:$0x12B0];
	v13 =	vperm.xlane v23, v7  }
0x50: {  	v14 =	vperm.xlane v23, v6;
	v61 =	vmul.f32 v36, v19;
	v36 =	vld [tilespmem:$0x13B0];
	v12 =	vadd.f32 v16, v12  }
0x51: {  	v34 =	vmul.f32 v34, v21;
	v59 =	vmul.f32 v28, v13;
	v28 =	vld [tilespmem:$0x1230];
	v16 =	vadd.f32 $0.0e+00, v58  }
0x52: {  	v25 =	vmul.f32 v25, v14;
	v63 =	vmul.f32 v38, v17;
	v38 =	vld [tilespmem:$0x1450];
	v15 =	vadd.f32 v57, v12  }
0x53: {  	v44 =	vmul.f32 v44, v22;
	v58 =	vld [tilespmem:$0x14B0];
	v16 =	vadd.f32 v34, v16  }
0x54: {  	v12 =	vperm.xlane v23, v8;
	v57 =	vld [tilespmem:$0x1330];
	v15 =	vadd.f32 v25, v15  }
0x55: {  	v16 =	vadd.f32 v60, v16;
	v60 =	vadd.f32 $0.0e+00, v44;
	v44 =	vld [tilespmem:$0x1140]  }
0x56: {  	v37 =	vmul.f32 v37, v18;
	v29 =	vmul.f32 v29, v12;
	v25 =	vadd.f32 v59, v15;
	v59 =	vld [tilespmem:$0x1530]  }
0x57: {  	v15 =	vperm.xlane v23, v9;
	v34 =	vadd.f32 v61, v16;
	v61 =	vmul.f32 v45, v21;
	v45 =	vld [tilespmem:$0x1040]  }
0x58: {  	v24 =	vmul.f32 v24, v22;
	v16 =	vperm.xlane v23, v10;
	v25 =	vadd.f32 v29, v25;
	v29 =	vld [tilespmem:$0x1430]  }
0x59: {  	v33 =	vmul.f32 v33, v21;
	v30 =	vmul.f32 v30, v15;
	v62 =	vadd.f32 v37, v34;
	v37 =	vld [tilespmem:$0x15B0]  }
0x5a: {  	v40 =	vmul.f32 v40, v13;
	v24 =	vadd.f32 $0.0e+00, v24;
	v31 =	vmul.f32 v31, v16;
	v34 =	vld [tilespmem:$0x11C0]  }
0x5b: {  	v25 =	vadd.f32 v30, v25;
	v30 =	vadd.f32 v63, v62;
	v62 =	vmul.f32 v39, v14;
	v39 =	vld [tilespmem:$0x10C0]  }
0x5c: {  	v23 =	vperm.xlane v23, v11;
	v63 =	vadd.f32 v61, v60;
	v60 =	vmul.f32 v46, v20;
	v46 =	vld [tilespmem:$0x1240]  }
0x5d: {  	v61 =	vmul.f32 v47, v19;
	v47 =	vld [tilespmem:$0x12C0];
	v25 =	vadd.f32 v31, v25;
	v30 =	vadd.f32 v62, v30  }
0x5e: {  	v31 =	vadd.f32 v60, v63;
	v62 =	vmul.f32 v55, v20;
	v63 =	vmul.f32 v48, v18;
	v48 =	vld [tilespmem:$0x13C0]  }
0x5f: {  	v55 =	vmul.f32 v56, v19;
	v56 =	vmul.f32 v49, v17;
	v49 =	vld [tilespmem:$0x1440]  }
0x60: {  	v24 =	vadd.f32 v33, v24;
	v41 =	vmul.f32 v41, v12;
	v60 =	vmul.f32 v50, v14;
	v50 =	vld [tilespmem:$0x1540]  }
0x61: {  	v32 =	vmul.f32 v32, v23;
	v30 =	vadd.f32 v40, v30;
	v31 =	vadd.f32 v61, v31;
	v40 =	vld [tilespmem:$0x1340]  }
0x62: {  	v24 =	vadd.f32 v62, v24;
	v61 =	vmul.f32 v35, v17;
	v62 =	vmul.f32 v51, v13;
	v35 =	vld [tilespmem:$0x1050]  }
0x63: {  	v51 =	vmul.f32 v57, v14;
	v57 =	vmul.f32 v36, v13;
	v36 =	vld [tilespmem:$0x11D0]  }
0x64: {  	v30 =	vadd.f32 v41, v30;
	v41 =	vld [tilespmem:$0x14C0]  }
0x65: {  	v33 =	vadd.f32 v55, v24;
	v24 =	vadd.f32 v32, v25;
	v25 =	vld [tilespmem:$0x15C0]  }
0x66: {  	v42 =	vmul.f32 v42, v15;
	v32 =	vld [tilespmem:$0x12D0]  }
0x67: {  	v28 =	vmul.f32 v28, v18;
	v31 =	vadd.f32 v63, v31;
	v63 =	vmul.f32 v43, v16;
	v43 =	vld [tilespmem:$0x1550]  }
0x68: {  	v30 =	vadd.f32 v42, v30;
	v42 =	vld [tilespmem:$0x10D0]  }
0x69: {  	v31 =	vadd.f32 v56, v31;
	v28 =	vadd.f32 v28, v33;
	v56 =	vmul.f32 v45, v22;
	v45 =	vld [tilespmem:$0x1150]  }
0x6a: {  	v26 =	vmul.f32 v26, v23;
	[tilespmem:$0x1800] =	vst v24;
	v24 =	vld [tilespmem:$0x1280]  }
0x6b: {  	v55 =	vmul.f32 v52, v12;
	v28 =	vadd.f32 v61, v28;
	v61 =	vmul.f32 v39, v21;
	v39 =	vld [tilespmem:$0x1250]  }
0x6c: {  	v31 =	vadd.f32 v60, v31;
	v30 =	vadd.f32 v63, v30;
	v63 =	vmul.f32 v44, v20;
	v44 =	vld [tilespmem:$0x1350]  }
0x6d: {  	v60 =	vadd.f32 $0.0e+00, v56;
	v56 =	vmul.f32 v58, v15;
	v58 =	vmul.f32 v35, v22;
	v35 =	vld [tilespmem:$0x14D0]  }
0x6e: {  	v31 =	vadd.f32 v62, v31;
	v28 =	vadd.f32 v51, v28;
	v62 =	vmul.f32 v53, v15;
	v51 =	vld [tilespmem:$0x15D0]  }
0x6f: {  	v33 =	vadd.f32 v61, v60;
	v26 =	vadd.f32 v26, v30;
	v61 =	vmul.f32 v59, v16;
	v53 =	vld [tilespmem:$0x1070]  }
0x70: {  	v59 =	vmul.f32 v48, v13;
	v48 =	vmul.f32 v49, v12;
	v49 =	vld [tilespmem:$0x11E0];
	v31 =	vadd.f32 v55, v31  }
0x71: {  	v29 =	vmul.f32 v29, v12;
	v28 =	vadd.f32 v57, v28;
	v33 =	vadd.f32 v63, v33;
	v63 =	vld [tilespmem:$0x1060]  }
0x72: {  	v34 =	vmul.f32 v34, v19;
	[tilespmem:$0x1810] =	vst v26;
	v26 =	vld [tilespmem:$0x1300]  }
0x73: {  	v55 =	vmul.f32 v54, v16;
	v31 =	vadd.f32 v62, v31;
	v28 =	vadd.f32 v29, v28;
	v29 =	vld [tilespmem:$0x13D0]  }
0x74: {  	v60 =	vmul.f32 v46, v18;
	v33 =	vadd.f32 v34, v33;
	v34 =	vld [tilespmem:$0x14F0]  }
0x75: {  	v57 =	vadd.f32 v55, v31;
	v55 =	vld [tilespmem:$0x10E0]  }
0x76: {  	v62 =	vmul.f32 v47, v17;
	v31 =	vadd.f32 $0.0e+00, v58;
	v33 =	vadd.f32 v60, v33;
	v58 =	vld [tilespmem:$0x10F0]  }
0x77: {  	v42 =	vmul.f32 v42, v21;
	v60 =	vld [tilespmem:$0x1160]  }
0x78: {  	v27 =	vmul.f32 v27, v23;
	v33 =	vadd.f32 v62, v33;
	v62 =	vmul.f32 v63, v22;
	v63 =	vld [tilespmem:$0x1170]  }
0x79: {  	v54 =	vmul.f32 v40, v14;
	v28 =	vadd.f32 v56, v28;
	v31 =	vadd.f32 v42, v31;
	v42 =	vld [tilespmem:$0x15E0]  }
0x7a: {  	v52 =	vmul.f32 v45, v20;
	v27 =	vadd.f32 v27, v57;
	v57 =	vmul.f32 v36, v19;
	v36 =	vld [tilespmem:$0x1330]  }
0x7b: {  	v37 =	vmul.f32 v37, v23;
	v28 =	vadd.f32 v61, v28;
	v33 =	vadd.f32 v54, v33;
	v54 =	vld [tilespmem:$0x11F0]  }
0x7c: {  	v56 =	vadd.f32 v52, v31;
	v52 =	vadd.f32 $0.0e+00, v62;
	v62 =	vmul.f32 v41, v15;
	v41 =	vld [tilespmem:$0x1570]  }
0x7d: {  	[tilespmem:$0x1820] =	vst v27;
	v27 =	vld [tilespmem:$0x1580]  }
0x7e: {  	v28 =	vadd.f32 v37, v28;
	v37 =	vld [tilespmem:$0x1430]  }
0x7f: {  	v22 =	vmul.f32 v53, v22;
	v53 =	vmul.f32 v55, v21;
	v55 =	vld [tilespmem:$0x1260]  }
0x80: {  	v21 =	vmul.f32 v58, v21;
	v58 =	vld [tilespmem:$0x12E0]  }
0x81: {  	v30 =	vadd.f32 v57, v56;
	v57 =	vld [tilespmem:$0x1270]  }
0x82: {  	v56 =	vmul.f32 v60, v20;
	v60 =	vmul.f32 v49, v19;
	v49 =	vld [tilespmem:$0x13E0]  }
0x83: {  	v61 =	vmul.f32 v39, v18;
	[tilespmem:$0x1830] =	vst v28;
	v28 =	vld [tilespmem:$0x1380]  }
0x84: {  	v33 =	vadd.f32 v59, v33;
	v20 =	vmul.f32 v63, v20;
	v63 =	vld [tilespmem:$0x1360]  }
0x85: {  	v30 =	vadd.f32 v61, v30;
	v61 =	vld [tilespmem:$0x12F0]  }
0x86: {  	v31 =	vadd.f32 v53, v52;
	v33 =	vadd.f32 v48, v33;
	v48 =	vld [tilespmem:$0x1370]  }
0x87: {  	v19 =	vmul.f32 v54, v19;
	v54 =	vld [tilespmem:$0x13F0]  }
0x88: {  	v22 =	vadd.f32 $0.0e+00, v22;
	v31 =	vadd.f32 v56, v31;
	v56 =	vmul.f32 v38, v12;
	v38 =	vld [tilespmem:$0x1560]  }
0x89: {  	v32 =	vmul.f32 v32, v17;
	v47 =	vmul.f32 v55, v18;
	v55 =	vld [tilespmem:$0x1460]  }
0x8a: {  	v21 =	vadd.f32 v21, v22;
	v53 =	vmul.f32 v58, v17;
	v58 =	vld [tilespmem:$0x1470]  }
0x8b: {  	v30 =	vadd.f32 v32, v30;
	v32 =	vld [tilespmem:$0x1500]  }
0x8c: {  	v20 =	vadd.f32 v20, v21;
	v52 =	vadd.f32 v62, v33;
	v33 =	vld [tilespmem:$0x1030]  }
0x8d: {  	v59 =	vmul.f32 v44, v14;
	v46 =	vadd.f32 v60, v31;
	v60 =	vld [tilespmem:$0x14E0]  }
0x8e: {  	v29 =	vmul.f32 v29, v13;
	v19 =	vadd.f32 v19, v20;
	v31 =	vld [tilespmem:$0x1480]  }
0x8f: {  	v18 =	vmul.f32 v57, v18;
	v44 =	vadd.f32 v59, v30;
	v59 =	vmul.f32 v50, v16;
	v30 =	vld [tilespmem:$0x1400]  }
0x90: {  	v50 =	vmul.f32 v51, v23;
	v51 =	vmul.f32 v41, v16;
	v41 =	vld [tilespmem:$0x1490];
	v22 =	vadd.f32 v47, v46  }
0x91: {  	v57 =	vmul.f32 v63, v14;
	v18 =	vadd.f32 v18, v19;
	v17 =	vmul.f32 v61, v17;
	v46 =	vld [tilespmem:$0x15F0]  }
0x92: {  	v63 =	vmul.f32 v49, v13;
	v39 =	vadd.f32 v59, v52;
	v59 =	vld [tilespmem:$0x1010];
	v22 =	vadd.f32 v53, v22  }
0x93: {  	v14 =	vmul.f32 v48, v14;
	v49 =	vmul.f32 v38, v16;
	v38 =	vld [tilespmem:$0x1310];
	v17 =	vadd.f32 v17, v18  }
0x94: {  	v21 =	vadd.f32 v29, v44;
	v44 =	vmul.f32 v43, v16;
	v43 =	vld [tilespmem:$0x1590];
	v62 =	vadd.f32 v57, v22  }
0x95: {  	v25 =	vmul.f32 v25, v23;
	v13 =	vmul.f32 v54, v13;
	v29 =	vld [tilespmem:$0x1520];
	v14 =	vadd.f32 v14, v17  }
0x96: {  	v35 =	vmul.f32 v35, v15;
	v40 =	vmul.f32 v55, v12;
	v55 =	vld [tilespmem:$0x1000];
	v19 =	vadd.f32 v63, v62  }
0x97: {  	v12 =	vmul.f32 v58, v12;
	v58 =	vld [tilespmem:$0x1180];
	v61 =	vadd.f32 v56, v21;
	v13 =	vadd.f32 v13, v14  }
0x98: {  	v53 =	vmul.f32 v42, v23;
	v42 =	vld [tilespmem:$0x1510];
	v45 =	vmul.f32 v60, v15;
	v19 =	vadd.f32 v40, v19  }
0x99: {  	v47 =	vmul.f32 v34, v15;
	v56 =	vld [tilespmem:$0x1080];
	v18 =	vadd.f32 v35, v61;
	v12 =	vadd.f32 v12, v13  }
0x9a: {  	v52 =	vadd.f32 v25, v39;
	v60 =	vld [tilespmem:$0x1090];
	v48 =	vadd.f32 v45, v19  }
0x9b: {  	v39 =	vld [tilespmem:$0x1390];
	v14 =	vadd.f32 v44, v18;
	v12 =	vadd.f32 v47, v12  }
0x9c: {  	v25 =	vld [tilespmem:$0x15A0];
	v15 =	vadd.f32 v49, v48  }
0x9d: {  	v57 =	vld [tilespmem:$0x1100];
	v54 =	vmul.f32 v46, v23;
	v14 =	vadd.f32 v50, v14;
	v12 =	vadd.f32 v51, v12  }
0x9e: {  	v22 =	vld [tilespmem:$0x1200];
	[tilespmem:$0x1840] =	vst v52;
	v15 =	vadd.f32 v53, v15  }
0x9f: {  	v61 =	vld [tilespmem:$0x1110];
	[tilespmem:$0x1850] =	vst v14;
	v12 =	vadd.f32 v54, v12  }
0xa0: {  	v35 =	vld [tilespmem:$0x1190];
	[tilespmem:$0x1860] =	vst v15  }
0xa1: {  	v46 =	vld [tilespmem:$0x1120];
	[tilespmem:$0x1870] =	vst v12  }
0xa2: {  	v23 =	vld [tilespmem:s24+$0x0]  }
0xa3: {  	v52 =	vld [tilespmem:$0x1420]  }
0xa4: {  	v62 =	vld [tilespmem:$0x1210]  }
0xa5: {  	v63 =	vld [tilespmem:$0x1290]  }
0xa6: {  	v44 =	vld [tilespmem:$0x1020]  }
0xa7: {  	v40 =	vld [tilespmem:$0x1410];
	v21 =	vperm.xlane v23, v0;
	v20 =	vperm.xlane v23, v1  }
0xa8: {  	v50 =	vld [tilespmem:$0x1320];
	v19 =	vperm.xlane v23, v2  }
0xa9: {  	v45 =	vld [tilespmem:$0x10A0];
	v12 =	vmul.f32 v55, v21;
	v13 =	vmul.f32 v56, v20  }
0xaa: {  	v47 =	vld [tilespmem:$0x11A0];
	v56 =	vmul.f32 v57, v19;
	v57 =	vmul.f32 v59, v21  }
0xab: {  	v48 =	vld [tilespmem:$0x1220];
	v12 =	vadd.f32 $0.0e+00, v12  }
0xac: {  	v49 =	vld [tilespmem:$0x12A0];
	v18 =	vperm.xlane v23, v3;
	v59 =	vmul.f32 v60, v20;
	v14 =	vadd.f32 $0.0e+00, v57  }
0xad: {  	v51 =	vld [tilespmem:$0x13A0];
	v17 =	vperm.xlane v23, v4;
	v16 =	vperm.xlane v23, v5;
	v12 =	vadd.f32 v13, v12  }
0xae: {  	v53 =	vld [tilespmem:$0x14A0];
	v15 =	vperm.xlane v23, v6;
	v34 =	vmul.f32 v61, v19;
	v14 =	vadd.f32 v59, v14  }
0xaf: {  	v54 =	vld [tilespmem:$0x1130];
	v58 =	vmul.f32 v58, v18;
	v60 =	vmul.f32 v22, v17;
	v12 =	vadd.f32 v56, v12  }
0xb0: {  	v22 =	vld [tilespmem:$0x10B0];
	v61 =	vmul.f32 v24, v16;
	v35 =	vmul.f32 v35, v18;
	v34 =	vadd.f32 v34, v14  }
0xb1: {  	v24 =	vld [tilespmem:$0x11B0];
	v26 =	vmul.f32 v26, v15;
	v62 =	vmul.f32 v62, v17;
	v12 =	vadd.f32 v58, v12  }
0xb2: {  	v55 =	vld [tilespmem:$0x1230];
	v63 =	vmul.f32 v63, v16;
	v33 =	vmul.f32 v33, v21;
	v34 =	vadd.f32 v35, v34  }
0xb3: {  	v47 =	vmul.f32 v47, v18;
	v48 =	vmul.f32 v48, v17;
	v57 =	vld [tilespmem:$0x13B0];
	v12 =	vadd.f32 v60, v12  }
0xb4: {  	v13 =	vperm.xlane v23, v8;
	v59 =	vmul.f32 v38, v15;
	v38 =	vld [tilespmem:$0x1530];
	v34 =	vadd.f32 v62, v34  }
0xb5: {  	v36 =	vmul.f32 v36, v15;
	v14 =	vperm.xlane v23, v7;
	v56 =	vld [tilespmem:$0x12B0];
	v12 =	vadd.f32 v61, v12  }
0xb6: {  	v24 =	vmul.f32 v24, v18;
	v58 =	vmul.f32 v30, v13;
	v30 =	vld [tilespmem:$0x14B0];
	v34 =	vadd.f32 v63, v34  }
0xb7: {  	v28 =	vmul.f32 v28, v14;
	v35 =	vld [tilespmem:$0x1340];
	v61 =	vmul.f32 v44, v21;
	v26 =	vadd.f32 v26, v12  }
0xb8: {  	v62 =	vmul.f32 v39, v14;
	v39 =	vld [tilespmem:$0x1040];
	v12 =	vperm.xlane v23, v9;
	v34 =	vadd.f32 v59, v34  }
0xb9: {  	v44 =	vld [tilespmem:$0x15B0];
	v63 =	vadd.f32 $0.0e+00, v61;
	v61 =	vmul.f32 v22, v20;
	v26 =	vadd.f32 v28, v26  }
0xba: {  	v33 =	vadd.f32 $0.0e+00, v33;
	v59 =	vmul.f32 v49, v16;
	v49 =	vld [tilespmem:$0x14D0];
	v60 =	vmul.f32 v31, v12  }
0xbb: {  	v34 =	vadd.f32 v62, v34;
	v62 =	vmul.f32 v46, v19;
	v46 =	vld [tilespmem:$0x11C0];
	v26 =	vadd.f32 v58, v26  }
0xbc: {  	v40 =	vmul.f32 v40, v13;
	v33 =	vadd.f32 v61, v33;
	v61 =	vmul.f32 v56, v16;
	v56 =	vld [tilespmem:$0x10D0]  }
0xbd: {  	v55 =	vmul.f32 v55, v17;
	v58 =	vld [tilespmem:$0x1140];
	v26 =	vadd.f32 v60, v26;
	v60 =	vmul.f32 v45, v20  }
0xbe: {  	v22 =	vperm.xlane v23, v10;
	v41 =	vmul.f32 v41, v12;
	v34 =	vadd.f32 v40, v34;
	v40 =	vld [tilespmem:$0x12C0]  }
0xbf: {  	v57 =	vmul.f32 v57, v14;
	v23 =	vperm.xlane v23, v11;
	v45 =	vld [tilespmem:$0x10C0];
	v28 =	vadd.f32 v60, v63  }
0xc0: {  	v32 =	vmul.f32 v32, v22;
	v34 =	vadd.f32 v41, v34;
	v41 =	vld [tilespmem:$0x14C0];
	v63 =	vmul.f32 v54, v19  }
0xc1: {  	v39 =	vmul.f32 v39, v21;
	v42 =	vmul.f32 v42, v22;
	v54 =	vld [tilespmem:$0x1240];
	v28 =	vadd.f32 v62, v28  }
0xc2: {  	v27 =	vmul.f32 v27, v23;
	v32 =	vadd.f32 v32, v26;
	v26 =	vld [tilespmem:$0x1540];
	v33 =	vadd.f32 v63, v33  }
0xc3: {  	v43 =	vmul.f32 v43, v23;
	v34 =	vadd.f32 v42, v34;
	v42 =	vld [tilespmem:$0x12D0];
	v28 =	vadd.f32 v47, v28  }
0xc4: {  	v30 =	vmul.f32 v30, v12;
	v62 =	vmul.f32 v50, v15;
	v50 =	vld [tilespmem:$0x1550];
	v24 =	vadd.f32 v24, v33  }
0xc5: {  	v29 =	vmul.f32 v29, v22;
	v38 =	vmul.f32 v38, v22;
	v47 =	vld [tilespmem:$0x13C0];
	v28 =	vadd.f32 v48, v28  }
0xc6: {  	v25 =	vmul.f32 v25, v23;
	v44 =	vmul.f32 v44, v23;
	v60 =	vadd.f32 v55, v24;
	v48 =	vld [tilespmem:$0x1050]  }
0xc7: {  	v56 =	vmul.f32 v56, v20;
	v27 =	vadd.f32 v27, v32;
	v33 =	vld [tilespmem:$0x1440];
	v28 =	vadd.f32 v59, v28  }
0xc8: {  	v55 =	vmul.f32 v51, v14;
	v51 =	vld [tilespmem:$0x11D0];
	v63 =	vadd.f32 v61, v60;
	v60 =	vmul.f32 v52, v13  }
0xc9: {  	v59 =	vld [tilespmem:$0x1150];
	v52 =	vadd.f32 $0.0e+00, v39;
	v28 =	vadd.f32 v62, v28;
	v62 =	vmul.f32 v37, v13  }
0xca: {  	v36 =	vadd.f32 v36, v63;
	v37 =	vld [tilespmem:$0x1250];
	v63 =	vmul.f32 v53, v12;
	v53 =	vmul.f32 v45, v20  }
0xcb: {  	v45 =	vld [tilespmem:$0x13D0];
	v48 =	vmul.f32 v48, v21;
	v31 =	vadd.f32 v55, v28;
	v28 =	vadd.f32 v43, v34  }
0xcc: {  	v61 =	vadd.f32 v57, v36;
	v43 =	vld [tilespmem:$0x1350];
	v32 =	vadd.f32 v53, v52;
	v57 =	vmul.f32 v58, v19  }
0xcd: {  	v33 =	vmul.f32 v33, v13;
	v53 =	vld [tilespmem:$0x10E0];
	v55 =	vadd.f32 $0.0e+00, v48;
	v31 =	vadd.f32 v60, v31  }
0xce: {  	v48 =	vld [tilespmem:$0x1450];
	v58 =	vmul.f32 v59, v19;
	v34 =	vadd.f32 v62, v61;
	v59 =	vadd.f32 v57, v32  }
0xcf: {  	v60 =	vmul.f32 v46, v18;
	v61 =	vmul.f32 v51, v18;
	v62 =	vld [tilespmem:$0x1060];
	v31 =	vadd.f32 v63, v31  }
0xd0: {  	v51 =	vld [tilespmem:$0x1070];
	v57 =	vmul.f32 v42, v16;
	v30 =	vadd.f32 v30, v34;
	v34 =	vadd.f32 v56, v55  }
0xd1: {  	v42 =	vld [tilespmem:$0x13F0];
	v52 =	vmul.f32 v37, v17;
	v63 =	vmul.f32 v54, v17  }
0xd2: {  	v55 =	vmul.f32 v40, v16;
	v56 =	vld [tilespmem:$0x10F0];
	v29 =	vadd.f32 v29, v31;
	v34 =	vadd.f32 v58, v34  }
0xd3: {  	v37 =	vld [tilespmem:$0x13E0];
	v30 =	vadd.f32 v38, v30;
	v31 =	vadd.f32 v60, v59;
	v59 =	vmul.f32 v35, v15  }
0xd4: {  	v58 =	vld [tilespmem:$0x1160];
	v60 =	vmul.f32 v62, v21;
	v62 =	vmul.f32 v43, v15;
	v34 =	vadd.f32 v61, v34  }
0xd5: {  	v21 =	vmul.f32 v51, v21;
	v25 =	vadd.f32 v25, v29;
	v54 =	vadd.f32 v63, v31;
	v61 =	vld [tilespmem:$0x1170]  }
0xd6: {  	v51 =	vmul.f32 v53, v20;
	v30 =	vadd.f32 v44, v30;
	v63 =	vld [tilespmem:$0x11E0];
	v46 =	vadd.f32 $0.0e+00, v60  }
0xd7: {  	v20 =	vmul.f32 v56, v20;
	v21 =	vadd.f32 $0.0e+00, v21;
	v34 =	vadd.f32 v52, v34;
	v52 =	vld [tilespmem:$0x11F0]  }
0xd8: {  	v53 =	vld [tilespmem:$0x1260];
	v44 =	vmul.f32 v41, v12;
	v29 =	vadd.f32 v55, v54;
	v54 =	vmul.f32 v47, v14  }
0xd9: {  	v56 =	vld [tilespmem:$0x1270];
	v31 =	vadd.f32 v51, v46;
	v55 =	vmul.f32 v58, v19;
	v20 =	vadd.f32 v20, v21  }
0xda: {  	v58 =	vld [tilespmem:$0x12E0];
	v46 =	vmul.f32 v49, v12;
	v34 =	vadd.f32 v57, v34;
	v19 =	vmul.f32 v61, v19  }
0xdb: {  	v60 =	vld [tilespmem:$0x12F0];
	v29 =	vadd.f32 v59, v29;
	v31 =	vadd.f32 v55, v31;
	v59 =	vmul.f32 v63, v18  }
0xdc: {  	v57 =	vmul.f32 v45, v14;
	v61 =	vld [tilespmem:$0x1360];
	v19 =	vadd.f32 v19, v20;
	v18 =	vmul.f32 v52, v18  }
0xdd: {  	v32 =	vmul.f32 v53, v17;
	v34 =	vadd.f32 v62, v34;
	v62 =	vld [tilespmem:$0x1370];
	v31 =	vadd.f32 v59, v31  }
0xde: {  	v47 =	vld [tilespmem:$0x14E0];
	v63 =	vmul.f32 v48, v13;
	v17 =	vmul.f32 v56, v17;
	v18 =	vadd.f32 v18, v19  }
0xdf: {  	v24 =	vld [tilespmem:$0x15C0];
	v48 =	vmul.f32 v37, v14;
	v40 =	vmul.f32 v58, v16;
	v31 =	vadd.f32 v32, v31  }
0xe0: {  	v43 =	vld [tilespmem:$0x1460];
	v14 =	vmul.f32 v42, v14;
	v16 =	vmul.f32 v60, v16;
	v17 =	vadd.f32 v17, v18  }
0xe1: {  	v45 =	vld [tilespmem:$0x1470];
	v29 =	vadd.f32 v54, v29;
	v20 =	vmul.f32 v61, v15;
	v31 =	vadd.f32 v40, v31  }
0xe2: {  	v49 =	vld [tilespmem:$0x14F0];
	v54 =	vmul.f32 v50, v22;
	v15 =	vmul.f32 v62, v15;
	v16 =	vadd.f32 v16, v17  }
0xe3: {  	v39 =	vld [tilespmem:$0x15D0];
	v52 =	vmul.f32 v26, v22;
	v56 =	vmul.f32 v47, v12;
	v20 =	vadd.f32 v20, v31  }
0xe4: {  	v51 =	vld [tilespmem:$0x1560];
	v59 =	vmul.f32 v24, v23;
	v21 =	vadd.f32 v57, v34;
	v15 =	vadd.f32 v15, v16  }
0xe5: {  	v53 =	vld [tilespmem:$0x1570];
	v29 =	vadd.f32 v33, v29;
	v18 =	vmul.f32 v43, v13;
	v20 =	vadd.f32 v48, v20  }
0xe6: {  	v55 =	vld [tilespmem:$0x15E0];
	v19 =	vadd.f32 v63, v21;
	v13 =	vmul.f32 v45, v13;
	v14 =	vadd.f32 v14, v15  }
0xe7: {  	v57 =	vld [tilespmem:$0x15F0];
	v12 =	vmul.f32 v49, v12;
	v21 =	vadd.f32 v44, v29;
	v18 =	vadd.f32 v18, v20  }
0xe8: {  	v60 =	vmul.f32 v39, v23;
	v17 =	vadd.f32 v46, v19;
	v13 =	vadd.f32 v13, v14  }
0xe9: {  	[tilespmem:$0x1880] =	vst v27;
	v19 =	vadd.f32 v52, v21;
	v16 =	vmul.f32 v51, v22;
	v58 =	vadd.f32 v56, v18  }
0xea: {  	[tilespmem:$0x1890] =	vst v28;
	v61 =	vmul.f32 v53, v22;
	v15 =	vadd.f32 v54, v17;
	v12 =	vadd.f32 v12, v13  }
0xeb: {  	[tilespmem:$0x18A0] =	vst v25;
	v62 =	vmul.f32 v55, v23;
	v17 =	vadd.f32 v59, v19;
	v14 =	vadd.f32 v16, v58  }
0xec: {  	[tilespmem:$0x18B0] =	vst v30;
	v63 =	vmul.f32 v57, v23;
	v13 =	vadd.f32 v60, v15;
	v12 =	vadd.f32 v61, v12  }
0xed: {  	[tilespmem:$0x18C0] =	vst v17;
	v14 =	vadd.f32 v62, v14  }
0xee: {  	[tilespmem:$0x18D0] =	vst v13;
	v12 =	vadd.f32 v63, v12  }
0xef: {  	[tilespmem:$0x18E0] =	vst v14  }
0xf0: {  	s20 =	simm.s32 $0x1800;
	s11 =	rddreg [dreg:$0x8];
	[tilespmem:$0x18F0] =	vst v12  }
0xf1: {  	[spmem:s11] =	stream.linear.scatter [tilespmem:s20], [sflag:$0xA], $0x100, $0x38;
	[tilespmem:$0x13600] =	vst v63  }
0xf2: {  	_ =	swait.ge [sflag:s21], $0x100  }
0xf3: {  	[sflag:s21] =	ssyncset.done $0x0  }
0xf4: {  	[sflag:s21] =	ssyncadd.s32 $0xFFFFFF00  }
0xf5: {  	[bflag:$0x0] =	sbarrier.arrive $0xFFFF  }
0xf6: {  	_ =	swait.ge [sflag:s26], $0x1900  }
0xf7: {  	[sflag:s26] =	ssyncset.done $0x0  }
0xf8: {  	[sflag:s26] =	ssyncadd.s32 $0xFFFFE700  }
0xf9: {  	[tilespmem:s29], [sflag:$0x1] =	stream.indirect.gather [spmem:s3], $0x80, s19, s28, $0xb8;
	[tilespmem:$0x13600] =	vst v63  }
0xfa: {  	s20 =	simm.s32 $0x1980  }
0xfb: {  	[tilespmem:s31], [sflag:$0x2] =	stream.indirect.gather [spmem:s3], $0x80, s20, s28, $0xb8;
	[tilespmem:$0x13600] =	vst v63  }
0xfc: {  	_ =	swait.ge [sflag:s0], $0x4000  }
0xfd: {  	[sflag:s0] =	ssyncset.done $0x0  }
0xfe: {  	[sflag:s0] =	ssyncadd.s32 $0xFFFFC000  }
0xff: {  	[hbm4b:s9+s4] =	stream.linear.scatter [tilespmem:s29], [sflag:$0x5], $0x4000, $0x38;
	[tilespmem:$0x13600] =	vst v63  }
0x100: {  	s11 =	simm.s32 $0x1A00  }
0x101: {  	[tilespmem:s1], [sflag:$0x3] =	stream.indirect.gather [spmem:s3], $0x80, s11, s28, $0xb8;
	[tilespmem:$0x13600] =	vst v63  }
0x102: {  	_ =	swait.ge [sflag:s17], $0x4000  }
0x103: {  	[sflag:s17] =	ssyncset.done $0x0  }
0x104: {  	s19 =	rddreg [dreg:$0x9];
	[sflag:s17] =	ssyncadd.s32 $0xFFFFC000  }
0x105: {  	[hbm4b:s19+s4] =	stream.linear.scatter [tilespmem:s31], [sflag:$0x6], $0x4000, $0x38;
	[tilespmem:$0x13600] =	vst v63  }
0x106: {  	s20 =	simm.s32 $0x1A80  }
0x107: {  	[tilespmem:s22], [sflag:$0x4] =	stream.indirect.gather [spmem:s3], $0x80, s20, s28, $0xb8;
	[tilespmem:$0x13600] =	vst v63  }
0x108: {  	_ =	swait.ge [sflag:s25], $0x4000  }
0x109: {  	[sflag:s25] =	ssyncset.done $0x0  }
0x10a: {  	s11 =	sadd.s32 $0xFFFD0000, s16;
	[sflag:s25] =	ssyncadd.s32 $0xFFFFC000  }
0x10b: {  	[hbm4b:s11+s4] =	stream.linear.scatter [tilespmem:s1], [sflag:$0x7], $0x4000, $0x38;
	[tilespmem:$0x13600] =	vst v63  }
0x10c: {  	_ =	swait.ge [sflag:s30], $0x4000  }
0x10d: {  	[sflag:s30] =	ssyncset.done $0x0  }
0x10e: {  	s19 =	simm.s32 $0x1B00;
	[sflag:s30] =	ssyncadd.s32 $0xFFFFC000  }
0x10f: {  	[tilespmem:s29], [sflag:$0x1] =	stream.indirect.gather [spmem:s3], $0x80, s19, s28, $0xb8;
	[tilespmem:$0x13600] =	vst v63  }
0x110: {  	_ =	swait.ge [sflag:s2], $0x4000  }
0x111: {  	[sflag:s2] =	ssyncset.done $0x0  }
0x112: {  	s20 =	sadd.s32 $0xFFFE0000, s16;
	[sflag:s2] =	ssyncadd.s32 $0xFFFFC000  }
0x113: {  	[hbm4b:s20+s4] =	stream.linear.scatter [tilespmem:s22], [sflag:$0x8], $0x4000, $0x38;
	[tilespmem:$0x13600] =	vst v63  }
0x114: {  	_ =	swait.ge [sflag:s18], $0x4000  }
0x115: {  	[sflag:s18] =	ssyncset.done $0x0  }
0x116: {  	s11 =	simm.s32 $0x1B80;
	[sflag:s18] =	ssyncadd.s32 $0xFFFFC000  }
0x117: {  	[tilespmem:s31], [sflag:$0x2] =	stream.indirect.gather [spmem:s3], $0x80, s11, s28, $0xb8;
	[tilespmem:$0x13600] =	vst v63  }
0x118: {  	_ =	swait.ge [sflag:s0], $0x4000  }
0x119: {  	[sflag:s0] =	ssyncset.done $0x0  }
0x11a: {  	s19 =	sadd.s32 $0xFFFF0000, s16;
	[sflag:s0] =	ssyncadd.s32 $0xFFFFC000  }
0x11b: {  	[hbm4b:s19+s4] =	stream.linear.scatter [tilespmem:s29], [sflag:$0x5], $0x4000, $0x38;
	[tilespmem:$0x13600] =	vst v63  }
0x11c: {  	_ =	swait.ge [sflag:s5], $0x4000  }
0x11d: {  	[sflag:s5] =	ssyncset.done $0x0  }
0x11e: {  	s20 =	simm.s32 $0x1C00;
	[sflag:s5] =	ssyncadd.s32 $0xFFFFC000  }
0x11f: {  	[tilespmem:s1], [sflag:$0x3] =	stream.indirect.gather [spmem:s3], $0x80, s20, s28, $0xb8;
	[tilespmem:$0x13600] =	vst v63  }
0x120: {  	_ =	swait.ge [sflag:s17], $0x4000  }
0x121: {  	[sflag:s17] =	ssyncset.done $0x0  }
0x122: {  	[sflag:s17] =	ssyncadd.s32 $0xFFFFC000  }
0x123: {  	[hbm4b:s16+s4] =	stream.linear.scatter [tilespmem:s31], [sflag:$0x6], $0x4000, $0x38;
	[tilespmem:$0x13600] =	vst v63  }
0x124: {  	_ =	swait.ge [sflag:s7], $0x4000  }
0x125: {  	s10 =	sadd.s32 $0x40000, s16;
	[sflag:s7] =	ssyncset.done $0x0  }
0x126: {  	s19 =	simm.s32 $0x800;
	s20 =	simm.s32 $0x1C80;
	[sflag:s7] =	ssyncadd.s32 $0xFFFFC000  }
.LBB2_2:
0x127: {  	[tilespmem:s22], [sflag:$0x4] =	stream.indirect.gather [spmem:s3], $0x80, s20, s28, $0xb8;
	[tilespmem:$0x13600] =	vst v63  }
0x128: {  	s20 =	smov.u32 s19  }
0x129: {  	p0 =	sne.s32 s19, $0x5000;
	s19 =	sadd.s32 $0x800, s19;
	_ =	swait.ge [sflag:s25], $0x4000  }
0x12a: {  	[sflag:s25] =	ssyncset.done $0x0  }
0x12b: {  	s11 =	sadd.s32 $0xFFFD0000, s10;
	[sflag:s25] =	ssyncadd.s32 $0xFFFFC000  }
0x12c: {  	[hbm4b:s11+s4] =	stream.linear.scatter [tilespmem:s1], [sflag:$0x7], $0x4000, $0x38;
	[tilespmem:$0x13600] =	vst v63  }
0x12d: {  	_ =	swait.ge [sflag:s30], $0x4000  }
0x12e: {  	s11 =	sshra.s32 s20, $0x2;
	[sflag:s30] =	ssyncset.done $0x0  }
0x12f: {  	s20 =	sadd.s32 $0x1B00, s11;
	[sflag:s30] =	ssyncadd.s32 $0xFFFFC000  }
0x130: {  	[tilespmem:s29], [sflag:$0x1] =	stream.indirect.gather [spmem:s3], $0x80, s20, s28, $0xb8;
	[tilespmem:$0x13600] =	vst v63  }
0x131: {  	_ =	swait.ge [sflag:s2], $0x4000  }
0x132: {  	[sflag:s2] =	ssyncset.done $0x0  }
0x133: {  	s20 =	sadd.s32 $0xFFFE0000, s10;
	[sflag:s2] =	ssyncadd.s32 $0xFFFFC000  }
0x134: {  	[hbm4b:s20+s4] =	stream.linear.scatter [tilespmem:s22], [sflag:$0x8], $0x4000, $0x38;
	[tilespmem:$0x13600] =	vst v63  }
0x135: {  	_ =	swait.ge [sflag:s18], $0x4000  }
0x136: {  	[sflag:s18] =	ssyncset.done $0x0  }
0x137: {  	s20 =	sadd.s32 $0x1B80, s11;
	[sflag:s18] =	ssyncadd.s32 $0xFFFFC000  }
0x138: {  	[tilespmem:s31], [sflag:$0x2] =	stream.indirect.gather [spmem:s3], $0x80, s20, s28, $0xb8;
	[tilespmem:$0x13600] =	vst v63  }
0x139: {  	_ =	swait.ge [sflag:s0], $0x4000  }
0x13a: {  	[sflag:s0] =	ssyncset.done $0x0  }
0x13b: {  	s20 =	sadd.s32 $0xFFFF0000, s10;
	[sflag:s0] =	ssyncadd.s32 $0xFFFFC000  }
0x13c: {  	[hbm4b:s20+s4] =	stream.linear.scatter [tilespmem:s29], [sflag:$0x5], $0x4000, $0x38;
	[tilespmem:$0x13600] =	vst v63  }
0x13d: {  	_ =	swait.ge [sflag:s5], $0x4000  }
0x13e: {  	[sflag:s5] =	ssyncset.done $0x0  }
0x13f: {  	s20 =	sadd.s32 $0x1C00, s11;
	[sflag:s5] =	ssyncadd.s32 $0xFFFFC000  }
0x140: {  	[tilespmem:s1], [sflag:$0x3] =	stream.indirect.gather [spmem:s3], $0x80, s20, s28, $0xb8;
	[tilespmem:$0x13600] =	vst v63  }
0x141: {  	_ =	swait.ge [sflag:s17], $0x4000  }
0x142: {  	[sflag:s17] =	ssyncset.done $0x0  }
.Ltmp0:
0x143: {  	[sflag:s17] =	ssyncadd.s32 $0xFFFFC000;
	(pc) =	sbr.rel @p0 .LBB2_2-.Ltmp0, $4  }
0x144: {  	[hbm4b:s10+s4] =	stream.linear.scatter [tilespmem:s31], [sflag:$0x6], $0x4000, $0x38;
	[tilespmem:$0x13600] =	vst v63  }
0x145: {  	_ =	swait.ge [sflag:s7], $0x4000  }
0x146: {  	[sflag:s7] =	ssyncset.done $0x0  }
0x147: {  	s20 =	sadd.s32 $0x1C80, s11;
	s10 =	sadd.s32 $0x40000, s10;
	[sflag:s7] =	ssyncadd.s32 $0xFFFFC000  }
0x148: {  	[tilespmem:s22], [sflag:$0x4] =	stream.indirect.gather [spmem:s3], $0x80, s20, s28, $0xb8;
	[tilespmem:$0x13600] =	vst v63  }
0x149: {  	_ =	swait.ge [sflag:s25], $0x4000  }
0x14a: {  	[sflag:s25] =	ssyncset.done $0x0  }
0x14b: {  	s10 =	rddreg [dreg:$0xa];
	[sflag:s25] =	ssyncadd.s32 $0xFFFFC000  }
0x14c: {  	[hbm4b:s10+s4] =	stream.linear.scatter [tilespmem:s1], [sflag:$0x7], $0x4000, $0x38;
	[tilespmem:$0x13600] =	vst v63  }
0x14d: {  	_ =	swait.ge [sflag:s30], $0x4000  }
0x14e: {  	[sflag:s30] =	ssyncset.done $0x0  }
0x14f: {  	s20 =	simm.s32 $0x3100;
	[sflag:s30] =	ssyncadd.s32 $0xFFFFC000  }
0x150: {  	[tilespmem:s29], [sflag:$0x1] =	stream.indirect.gather [spmem:s3], $0x80, s20, s28, $0xb8;
	[tilespmem:$0x13600] =	vst v63  }
0x151: {  	_ =	swait.ge [sflag:s2], $0x4000  }
0x152: {  	[sflag:s2] =	ssyncset.done $0x0  }
0x153: {  	[sflag:s2] =	ssyncadd.s32 $0xFFFFC000  }
0x154: {  	[hbm4b:s12+s4] =	stream.linear.scatter [tilespmem:s22], [sflag:$0x8], $0x4000, $0x38;
	[tilespmem:$0x13600] =	vst v63  }
0x155: {  	_ =	swait.ge [sflag:s18], $0x4000  }
0x156: {  	[sflag:s18] =	ssyncset.done $0x0  }
0x157: {  	s19 =	simm.s32 $0x3180;
	[sflag:s18] =	ssyncadd.s32 $0xFFFFC000  }
0x158: {  	[tilespmem:s31], [sflag:$0x2] =	stream.indirect.gather [spmem:s3], $0x80, s19, s28, $0xb8;
	[tilespmem:$0x13600] =	vst v63  }
0x159: {  	_ =	swait.ge [sflag:s0], $0x4000  }
0x15a: {  	[sflag:s0] =	ssyncset.done $0x0  }
0x15b: {  	[sflag:s0] =	ssyncadd.s32 $0xFFFFC000  }
0x15c: {  	[hbm4b:s13+s4] =	stream.linear.scatter [tilespmem:s29], [sflag:$0x5], $0x4000, $0x38;
	[tilespmem:$0x13600] =	vst v63  }
0x15d: {  	_ =	swait.ge [sflag:s17], $0x4000  }
0x15e: {  	[sflag:s17] =	ssyncset.done $0x0  }
0x15f: {  	[sflag:s17] =	ssyncadd.s32 $0xFFFFC000  }
0x160: {  	[hbm4b:s14+s4] =	stream.linear.scatter [tilespmem:s31], [sflag:$0x6], $0x4000, $0x38;
	[tilespmem:$0x13600] =	vst v63  }
0x161: {  	_ =	swait.ge [sflag:s30], $0x4000  }
0x162: {  	[sflag:s30] =	ssyncset.done $0x0  }
0x163: {  	[sflag:s30] =	ssyncadd.s32 $0xFFFFC000  }
0x164: {  	_ =	swait.ge [sflag:s18], $0x4000  }
0x165: {  	[sflag:s18] =	ssyncset.done $0x0  }
0x166: {  	s8 =	sadd.s32 $0x1, s8;
	[sflag:s18] =	ssyncadd.s32 $0xFFFFC000  }
0x167: {  	p0 =	sne.s32 s8, s15;
	_ =	swait.ge [sflag:s5], $0x4000  }
.Ltmp1:
0x168: {  	[sflag:s5] =	ssyncset.done $0x0;
	(pc) =	sbr.rel @p0 .LBB2_1-.Ltmp1, $4  }
0x169: {  	[sflag:s5] =	ssyncadd.s32 $0xFFFFC000  }
0x16a: {  	_ =	swait.ge [sflag:s7], $0x4000  }
0x16b: {  	[sflag:s7] =	ssyncset.done $0x0  }
0x16c: {  	[sflag:s7] =	ssyncadd.s32 $0xFFFFC000  }
0x16d: {  	_ =	sfence.sel $0x180000  }
0x16e: {  	[bflag:$0x0] =	sbarrier.arrive $0xFFFF  }
0x16f: {  	_ =	strace $0x90000047  }
0x170: {  	s0 =	stileid.u32;
	[bflag:$0x2] =	sbarrier.arrive $0xFFFF  }
0x171: {  	p0 =	sne.s32 s0, $0x0;
	s0 =	rddreg [dreg:$0x5]  }
0x172: {  	s0 =	sadd.s32 @!p0 $0x100000, s0  }
0x173: {  	[sflag:s0] =	ssyncadd.tile.s32 @!p0 $0x1;
	_ =	shalt  }
.Lfunc_end2:
_tile_overlayer_lowered:
.L_overlay_start_2:
0x174: {  	(tag) =	ssettag $0x2  }
0x175: {  	s0 =	rddreg [dreg:$0x0];
	s2 =	stileid.u32  }
0x176: {  	s1 =	rddreg [dreg:$0x1];
	p0 =	sne.s32 s2, $0x0  }
0x177: {  	s3 =	rddreg [dreg:$0x2];
	[bflag:$0x3] =	sbarrier.arrive $0xFFFF;
	s2 =	simm.s32 @!p0 $0x1C0A  }
0x178: {  	[timem:s3], [sflag:s2] =	dma.local @!p0 [hbm:s0], s1  }
0x179: {  	s0 =	simm.s32 @!p0 $0xA  }
0x17a: {  	_ =	swait.ge @!p0 [sflag:s0], s1  }
0x17b: {  	s1 =	ssub.s32 @!p0 $0x0, s1;
	[sflag:s0] =	ssyncset.done @!p0 $0x0  }
0x17c: {  	[sflag:s0] =	ssyncadd.s32 @!p0 s1  }
0x17d: {  	[bflag:$0x3] =	sbarrier.arrive $0xFFFF  }
0x17e: {  	_ =	shalt  }

</sc_bundles>
